<compile_context>
chip_gen: v7x
topology: tpu7x:2x2x1
jax: 0.10.2.dev20260603
libtpu: 0.0.44.dev20260713+nightly
codegen_flags: <defaults>
</compile_context>

<pallas_src>
import functools

import jax
import jax.numpy as jnp
from jax import lax
from jax.experimental import pallas as pl
from jax.experimental.pallas import tpu as pltpu
from jax.experimental.pallas import tpu_sc as plsc

_NC = 2
_NS = 16
_NW = _NC * _NS
_LW = 128

_N = 10000
_E = 320000
_D = 128
_DH = _D // 2

_RPD = -2 * (-_E // (_NW * _LW * 2))
_ROWS = _RPD * _NW
_EPAD = _ROWS * _LW
_RPS = _ROWS // _NS

_ZROWS = -8 * (-(_N + _NW) // (_NS * 8))
_NPAD = _ZROWS * _NS

_mesh = plsc.VectorSubcoreMesh(
    core_axis_name="c", subcore_axis_name="s", num_cores=_NC, num_subcores=_NS
)
_sc_params = pltpu.CompilerParams(use_tc_tiling_on_sc=False)


@functools.partial(
    pl.kernel,
    out_type=jax.ShapeDtypeStruct((_NC, _NPAD, 16), jnp.float32),
    mesh=_mesh,
    compiler_params=_sc_params,
    scratch_types=[
        pltpu.VMEM((_RPD, _LW), jnp.int32),
        pltpu.VMEM((_LW, 16), jnp.float32),
        pltpu.VMEM_SHARED((_NPAD, 16), jnp.float32),
    ],
)
def _sc_degree(d_hbm, ones_hbm, zeros_hbm, out_hbm, dv, ones_v, acc):
    cid = lax.axis_index("c")
    sid = lax.axis_index("s")
    wid = cid * _NS + sid
    pltpu.sync_copy(zeros_hbm, acc.at[pl.ds(sid * _ZROWS, _ZROWS)])
    pltpu.sync_copy(d_hbm.at[pl.ds(wid * _RPD, _RPD)], dv)
    pltpu.sync_copy(ones_hbm, ones_v)
    plsc.subcore_barrier()

    @pl.loop(0, _RPD)
    def _(r):
        pltpu.sync_copy(ones_v, acc.at[dv.at[r]], add=True)

    plsc.subcore_barrier()
    pltpu.sync_copy(
        acc.at[pl.ds(sid * _ZROWS, _ZROWS)],
        out_hbm.at[cid].at[pl.ds(sid * _ZROWS, _ZROWS)],
    )


_NBUF = 4


@functools.partial(
    pl.kernel,
    out_type=jax.ShapeDtypeStruct((_NC, _NPAD, _DH), jnp.float32),
    mesh=_mesh,
    compiler_params=_sc_params,
    scratch_types=[
        pltpu.VMEM((_RPS, _LW), jnp.int32),
        pltpu.VMEM((_RPS, _LW), jnp.int32),
    ]
    + [pltpu.VMEM((_LW, _DH), jnp.float32)] * _NBUF
    + [pltpu.VMEM_SHARED((_NPAD, _DH), jnp.float32)]
    + [pltpu.SemaphoreType.DMA] * (2 * _NBUF),
)
def _sc_scatter(z_hbm, s_hbm, d_hbm, zeros_hbm, out_hbm,
                sv, dv, rb0, rb1, rb2, rb3, acc,
                gs0, gs1, gs2, gs3, ss0, ss1, ss2, ss3):
    rbs = (rb0, rb1, rb2, rb3)
    gsems = (gs0, gs1, gs2, gs3)
    ssems = (ss0, ss1, ss2, ss3)
    cid = lax.axis_index("c")
    sid = lax.axis_index("s")
    zc = z_hbm.at[cid]
    c0 = pltpu.async_copy(zeros_hbm, acc.at[pl.ds(sid * _ZROWS, _ZROWS)], gs0)
    c1 = pltpu.async_copy(s_hbm.at[pl.ds(sid * _RPS, _RPS)], sv, gs1)
    c2 = pltpu.async_copy(d_hbm.at[pl.ds(sid * _RPS, _RPS)], dv, gs2)
    c0.wait()
    c1.wait()
    c2.wait()
    plsc.subcore_barrier()

    pltpu.async_copy(zc.at[sv.at[0]], rb0, gs0)
    pltpu.async_copy(zc.at[sv.at[1]], rb1, gs1)

    @pl.loop(0, _RPS, step=_NBUF)
    def _(r):
        for b in range(_NBUF):
            row = r + b
            b2 = (b + 2) % _NBUF
            pltpu.make_async_copy(zc.at[sv.at[row]], rbs[b], gsems[b]).wait()
            pltpu.async_copy(rbs[b], acc.at[dv.at[row]], ssems[b], add=True)

            @pl.when(row >= 2)
            def _():
                pltpu.make_async_copy(
                    rbs[b2], acc.at[dv.at[row - 2]], ssems[b2]
                ).wait()

            @pl.when(row + 2 < _RPS)
            def _():
                pltpu.async_copy(zc.at[sv.at[row + 2]], rbs[b2], gsems[b2])

    for row in (_RPS - 2, _RPS - 1):
        b = row % _NBUF
        pltpu.make_async_copy(rbs[b], acc.at[dv.at[row]], ssems[b]).wait()
    plsc.subcore_barrier()
    pltpu.sync_copy(
        acc.at[pl.ds(sid * _ZROWS, _ZROWS)],
        out_hbm.at[cid].at[pl.ds(sid * _ZROWS, _ZROWS)],
    )


_BR = 1000


def _dot(a, b):
    return lax.dot_general(
        a, b, (((1,), (0,)), ((), ())),
        precision=lax.Precision.HIGHEST,
        preferred_element_type=jnp.float32,
    )


def _split_store(z2_ref, z):
    z2_ref[0] = z[:, :_DH]
    z2_ref[1] = z[:, _DH:]


def _tc_lin_body(x_ref, w_ref, g_ref):
    g_ref[...] = _dot(x_ref[...], w_ref[...])


def _tc_lin(x, w0):
    return pl.pallas_call(
        _tc_lin_body,
        grid=(_N // _BR,),
        in_specs=[
            pl.BlockSpec((_BR, _D), lambda i: (i, 0)),
            pl.BlockSpec((_D, _D), lambda i: (0, 0)),
        ],
        out_specs=pl.BlockSpec((_BR, _D), lambda i: (i, 0)),
        out_shape=jax.ShapeDtypeStruct((_N, _D), jnp.float32),
    )(x, w0)


def _tc_scale_body(g_ref, c_ref, z2_ref, dinv_ref):
    deg = c_ref[0, :, 0:1] + c_ref[1, :, 0:1] + 1.0
    dinv = lax.rsqrt(deg)
    _split_store(z2_ref, g_ref[...] * dinv)
    dinv_ref[...] = dinv


def _tc_scale(g, cnt):
    return pl.pallas_call(
        _tc_scale_body,
        grid=(_N // _BR,),
        in_specs=[
            pl.BlockSpec((_BR, _D), lambda i: (i, 0)),
            pl.BlockSpec((_NC, _BR, 16), lambda i: (0, i, 0)),
        ],
        out_specs=[
            pl.BlockSpec((_NC, _BR, _DH), lambda i: (0, i, 0)),
            pl.BlockSpec((_BR, 1), lambda i: (i, 0)),
        ],
        out_shape=[
            jax.ShapeDtypeStruct((_NC, _N, _DH), jnp.float32),
            jax.ShapeDtypeStruct((_N, 1), jnp.float32),
        ],
    )(g, cnt)


def _relu_cat(m_ref, z_ref, dinv, b_ref):
    t = jnp.concatenate(
        [m_ref[0] + z_ref[0], m_ref[1] + z_ref[1]], axis=1
    ) * dinv + b_ref[...]
    return jnp.maximum(t, 0.0)


def _tc_mid_body(m_ref, z_ref, dinv_ref, b_ref, w_ref, o_ref):
    dinv = dinv_ref[...]
    h = _relu_cat(m_ref, z_ref, dinv, b_ref)
    _split_store(o_ref, _dot(h, w_ref[...]) * dinv)


def _tc_mid(m, z2, dinv, b, w):
    return pl.pallas_call(
        _tc_mid_body,
        grid=(_N // _BR,),
        in_specs=[
            pl.BlockSpec((_NC, _BR, _DH), lambda i: (0, i, 0)),
            pl.BlockSpec((_NC, _BR, _DH), lambda i: (0, i, 0)),
            pl.BlockSpec((_BR, 1), lambda i: (i, 0)),
            pl.BlockSpec((1, _D), lambda i: (0, 0)),
            pl.BlockSpec((_D, _D), lambda i: (0, 0)),
        ],
        out_specs=pl.BlockSpec((_NC, _BR, _DH), lambda i: (0, i, 0)),
        out_shape=jax.ShapeDtypeStruct((_NC, _N, _DH), jnp.float32),
    )(m, z2, dinv, b, w)


def _tc_last_body(m_ref, z_ref, dinv_ref, b_ref, w_ref, bc_ref, o_ref):
    h = _relu_cat(m_ref, z_ref, dinv_ref[...], b_ref)
    o_ref[...] = _dot(h, w_ref[...]) + bc_ref[...]


def _tc_last(m, z2, dinv, b, wc, bc):
    dout = wc.shape[1]
    return pl.pallas_call(
        _tc_last_body,
        grid=(_N // _BR,),
        in_specs=[
            pl.BlockSpec((_NC, _BR, _DH), lambda i: (0, i, 0)),
            pl.BlockSpec((_NC, _BR, _DH), lambda i: (0, i, 0)),
            pl.BlockSpec((_BR, 1), lambda i: (i, 0)),
            pl.BlockSpec((1, _D), lambda i: (0, 0)),
            pl.BlockSpec((_D, dout), lambda i: (0, 0)),
            pl.BlockSpec((1, dout), lambda i: (0, 0)),
        ],
        out_specs=pl.BlockSpec((_BR, dout), lambda i: (i, 0)),
        out_shape=jax.ShapeDtypeStruct((_N, dout), jnp.float32),
    )(m, z2, dinv, b, wc, bc.reshape(1, dout))


def kernel(x, edge_index, W0, b0, W1, b1, W2, b2, Wc, bc):
    s = edge_index[0].astype(jnp.int32)
    d = edge_index[1].astype(jnp.int32)
    npad = _EPAD - _E
    pad_src = jnp.arange(npad, dtype=jnp.int32) % _N
    pad_dst = _N + (jnp.arange(npad, dtype=jnp.int32) % _NW)
    s_rows = jnp.concatenate([s, pad_src]).reshape(_ROWS, _LW)
    d_rows = jnp.concatenate([d, pad_dst]).reshape(_ROWS, _LW)

    ones16 = jnp.ones((_LW, 16), jnp.float32)
    zeros16 = jnp.zeros((_ZROWS, 16), jnp.float32)
    zeros64 = jnp.zeros((_ZROWS, _DH), jnp.float32)

    def _sc(z2):
        return _sc_scatter(z2, s_rows, d_rows, zeros64)

    cnt = _sc_degree(d_rows, ones16, zeros16)
    g0 = _tc_lin(x, W0)
    z0, dinv = _tc_scale(g0, cnt)

    z1 = _tc_mid(_sc(z0), z0, dinv, b0.reshape(1, _D), W1)
    z2 = _tc_mid(_sc(z1), z1, dinv, b1.reshape(1, _D), W2)
    return _tc_last(_sc(z2), z2, dinv, b2.reshape(1, _D), Wc, bc)

# --- scband reference (transcript-rebuilt; emitter-appended) ---
"""Pipeline reference for scband-gcn-77627238908069 (READ-ONLY COPY).

The authoritative reference and input builder live on the scoring server;
editing this copy changes nothing except your own understanding.
"""

import jax, jax.numpy as jnp
import numpy as np

N = 10000
E = 320000
D_IN = 128
D_H = 128
D_OUT = 64


def _gcn_conv(h, W, b, s, d, n):
    # PyG GCNConv semantics: linear transform, then symmetric-normalized
    # message passing with self-loops, plus bias.
    h = h @ W
    deg = jax.ops.segment_sum(jnp.ones((s.shape[0],), dtype=h.dtype), d, num_segments=n)
    dinv = jnp.where(deg > 0, jax.lax.rsqrt(deg), 0.0)
    norm = dinv[s] * dinv[d]
    msg = jnp.take(h, s, axis=0) * norm[:, None]
    out = jax.ops.segment_sum(msg, d, num_segments=n)
    return out + b


def setup_inputs(seed: int = 0):
    key = jax.random.key(seed)
    ks = jax.random.split(key, 10)
    x = jax.random.normal(ks[0], (N, D_IN), dtype=jnp.float32)
    edge_index = jax.random.randint(ks[1], (2, E), 0, N)

    def lin(k, fan_in, shape):
        return jax.random.uniform(k, shape, jnp.float32, -1.0, 1.0) / np.sqrt(fan_in)

    W0 = lin(ks[2], D_IN, (D_IN, D_H))
    b0 = lin(ks[3], D_IN, (D_H,))
    W1 = lin(ks[4], D_H, (D_H, D_H))
    b1 = lin(ks[5], D_H, (D_H,))
    W2 = lin(ks[6], D_H, (D_H, D_H))
    b2 = lin(ks[7], D_H, (D_H,))
    Wc = lin(ks[8], D_H, (D_H, D_OUT))
    bc = lin(ks[9], D_H, (D_OUT,))
    return {"x": x, "edge_index": edge_index,
            "W0": W0, "b0": b0, "W1": W1, "b1": b1,
            "W2": W2, "b2": b2, "Wc": Wc, "bc": bc}


def reference(x, edge_index, W0, b0, W1, b1, W2, b2, Wc, bc):
    n = x.shape[0]
    loop = jnp.arange(n, dtype=edge_index.dtype)
    s = jnp.concatenate([edge_index[0], loop])
    d = jnp.concatenate([edge_index[1], loop])
    h = jax.nn.relu(_gcn_conv(x, W0, b0, s, d, n))
    h = jax.nn.relu(_gcn_conv(h, W1, b1, s, d, n))
    h = jax.nn.relu(_gcn_conv(h, W2, b2, s, d, n))
    return h @ Wc + bc

if __name__ == "__main__":
    import jax
    _d = setup_inputs()
    print(jax.jit(kernel)(*tuple(_d.values())))

</pallas_src>

<mosaic_0001>
#map = affine_map<(d0, d1) -> (0, 0)>
#map1 = affine_map<(d0, d1) -> (0, 0, 0)>
module attributes {stable_mosaic.version = 14 : i64} {
  func.func @_sc_degree(%arg0: i32, %arg1: i32, %arg2: memref<2560x128xi32, #tpu.memory_space<hbm>>, %arg3: memref<128x16xf32, #tpu.memory_space<hbm>>, %arg4: memref<632x16xf32, #tpu.memory_space<hbm>>, %arg5: memref<2x10112x16xf32, #tpu.memory_space<hbm>>, %arg6: memref<80x128xi32, #tpu.memory_space<vmem>>, %arg7: memref<128x16xf32, #tpu.memory_space<vmem>>, %arg8: memref<10112x16xf32, #tpu.memory_space<vmem_shared>>) attributes {dimension_semantics = [#tpu.dimension_semantics<core_parallel>, #tpu.dimension_semantics<subcore_parallel>], iteration_bounds = array<i64: 2, 16>, scalar_prefetch = 0 : i64, scratch_operands = 3 : i64, tpu.core_type = #tpu.core_type<sc_vector_subcore>, window_params = [{transform_indices = #map}, {transform_indices = #map}, {transform_indices = #map}, {transform_indices = #map1}]} {
    %mul3A = arith.constant 16 : i32
    %mul3A_0 = arith.muli %arg0, %mul3A : i32
    %add3A = arith.addi %mul3A_0, %arg1 : i32
    %mul3A_1 = arith.constant 632 : i32
    %mul3A_2 = arith.muli %arg1, %mul3A_1 : i32
    "tpu.region"() ({
      %run_scoped3A = tpu.sem_alloc : memref<!tpu.dma_semaphore, #tpu.memory_space<semaphore_mem>>
      %dma_start3A = arith.constant 0 : i32
      %dma_start3A_14 = tpu.memref_slice %arg8[%mul3A_2, %dma_start3A] : memref<10112x16xf32, #tpu.memory_space<vmem_shared>> -> memref<632x16xf32, #tpu.memory_space<vmem_shared>>
      tpu.enqueue_dma source(%arg4 : memref<632x16xf32, #tpu.memory_space<hbm>>) target(%dma_start3A_14 : memref<632x16xf32, #tpu.memory_space<vmem_shared>>) target_semaphore(%run_scoped3A : memref<!tpu.dma_semaphore, #tpu.memory_space<semaphore_mem>>)
      %dma_wait3A = arith.constant 0 : i32
      %dma_wait3A_15 = tpu.memref_slice %arg8[%mul3A_2, %dma_wait3A] : memref<10112x16xf32, #tpu.memory_space<vmem_shared>> -> memref<632x16xf32, #tpu.memory_space<vmem_shared>>
      tpu.wait_dma2 semaphore(%run_scoped3A : memref<!tpu.dma_semaphore, #tpu.memory_space<semaphore_mem>>) src(%arg4 : memref<632x16xf32, #tpu.memory_space<hbm>>) dst(%dma_wait3A_15 : memref<632x16xf32, #tpu.memory_space<vmem_shared>>)
      tpu.yield
    }) : () -> ()
    %mul3A_3 = arith.constant 80 : i32
    %mul3A_4 = arith.muli %add3A, %mul3A_3 : i32
    "tpu.region"() ({
      %run_scoped3A = tpu.sem_alloc : memref<!tpu.dma_semaphore, #tpu.memory_space<semaphore_mem>>
      %dma_start3A = arith.constant 0 : i32
      %dma_start3A_14 = tpu.memref_slice %arg2[%mul3A_4, %dma_start3A] : memref<2560x128xi32, #tpu.memory_space<hbm>> -> memref<80x128xi32, #tpu.memory_space<hbm>>
      %dma_start3A_15 = arith.constant 0 : i32
      %dma_start3A_16 = tpu.memref_slice %arg2[%mul3A_4, %dma_start3A_15] : memref<2560x128xi32, #tpu.memory_space<hbm>> -> memref<80x128xi32, #tpu.memory_space<hbm>>
      tpu.enqueue_dma source(%dma_start3A_16 : memref<80x128xi32, #tpu.memory_space<hbm>>) target(%arg6 : memref<80x128xi32, #tpu.memory_space<vmem>>) target_semaphore(%run_scoped3A : memref<!tpu.dma_semaphore, #tpu.memory_space<semaphore_mem>>)
      %dma_wait3A = arith.constant 0 : i32
      %dma_wait3A_17 = tpu.memref_slice %arg2[%mul3A_4, %dma_wait3A] : memref<2560x128xi32, #tpu.memory_space<hbm>> -> memref<80x128xi32, #tpu.memory_space<hbm>>
      %dma_wait3A_18 = arith.constant 0 : i32
      %dma_wait3A_19 = tpu.memref_slice %arg2[%mul3A_4, %dma_wait3A_18] : memref<2560x128xi32, #tpu.memory_space<hbm>> -> memref<80x128xi32, #tpu.memory_space<hbm>>
      tpu.wait_dma2 semaphore(%run_scoped3A : memref<!tpu.dma_semaphore, #tpu.memory_space<semaphore_mem>>) src(%dma_wait3A_19 : memref<80x128xi32, #tpu.memory_space<hbm>>) dst(%arg6 : memref<80x128xi32, #tpu.memory_space<vmem>>)
      tpu.yield
    }) : () -> ()
    "tpu.region"() ({
      %run_scoped3A = tpu.sem_alloc : memref<!tpu.dma_semaphore, #tpu.memory_space<semaphore_mem>>
      tpu.enqueue_dma source(%arg3 : memref<128x16xf32, #tpu.memory_space<hbm>>) target(%arg7 : memref<128x16xf32, #tpu.memory_space<vmem>>) target_semaphore(%run_scoped3A : memref<!tpu.dma_semaphore, #tpu.memory_space<semaphore_mem>>)
      tpu.wait_dma2 semaphore(%run_scoped3A : memref<!tpu.dma_semaphore, #tpu.memory_space<semaphore_mem>>) src(%arg3 : memref<128x16xf32, #tpu.memory_space<hbm>>) dst(%arg7 : memref<128x16xf32, #tpu.memory_space<vmem>>)
      tpu.yield
    }) : () -> ()
    %barrier3A = arith.constant 0 : index
    tpu.barrier barrier_id(%barrier3A)
    %scan3A = arith.constant 0 : i32
    %scan3A_5 = arith.constant 80 : i32
    %scan3A_6 = arith.addi %scan3A, %scan3A_5 : i32
    %scan3A_7 = arith.constant 1 : i32
    scf.for %scan3A_14 = %scan3A to %scan3A_6 step %scan3A_7  : i32 {
      %mul3A_15 = arith.constant 1 : i32
      %mul3A_16 = arith.muli %scan3A_14, %mul3A_15 : i32
      %add3A_17 = arith.constant 0 : i32
      %add3A_18 = arith.addi %add3A_17, %mul3A_16 : i32
      "tpu.region"() ({
        %run_scoped3A = tpu.sem_alloc : memref<!tpu.dma_semaphore, #tpu.memory_space<semaphore_mem>>
        %dma_start3A = arith.constant 0 : i32
        %dma_start3A_19 = tpu.memref_slice %arg6[%add3A_18, %dma_start3A] : memref<80x128xi32, #tpu.memory_space<vmem>> -> memref<1x128xi32, #tpu.memory_space<vmem>>
        %dma_start3A_20 = tpu.memref_squeeze %dma_start3A_19 : memref<1x128xi32, #tpu.memory_space<vmem>> -> memref<128xi32, #tpu.memory_space<vmem>>
        %dma_start3A_21 = arith.constant 0 : i32
        %dma_start3A_22 = arith.constant 0 : i32
        %dma_start3A_23 = tpu.memref_slice %arg8[%dma_start3A_21, %dma_start3A_22] : memref<10112x16xf32, #tpu.memory_space<vmem_shared>> -> memref<10112x16xf32, #tpu.memory_space<vmem_shared>>
        tpu.enqueue_indirect_dma source(%arg7 : memref<128x16xf32, #tpu.memory_space<vmem>>) target(%dma_start3A_23 : memref<10112x16xf32, #tpu.memory_space<vmem_shared>>) offsets(%dma_start3A_20 : memref<128xi32, #tpu.memory_space<vmem>>) semaphore(%run_scoped3A : memref<!tpu.dma_semaphore, #tpu.memory_space<semaphore_mem>>) {add = true}
        %dma_wait3A = arith.constant 0 : i32
        %dma_wait3A_24 = tpu.memref_slice %arg6[%add3A_18, %dma_wait3A] : memref<80x128xi32, #tpu.memory_space<vmem>> -> memref<1x128xi32, #tpu.memory_space<vmem>>
        %dma_wait3A_25 = tpu.memref_squeeze %dma_wait3A_24 : memref<1x128xi32, #tpu.memory_space<vmem>> -> memref<128xi32, #tpu.memory_space<vmem>>
        %dma_wait3A_26 = arith.constant 0 : i32
        %dma_wait3A_27 = arith.constant 0 : i32
        %dma_wait3A_28 = tpu.memref_slice %arg8[%dma_wait3A_26, %dma_wait3A_27] : memref<10112x16xf32, #tpu.memory_space<vmem_shared>> -> memref<10112x16xf32, #tpu.memory_space<vmem_shared>>
        tpu.wait_indirect_dma semaphore(%run_scoped3A : memref<!tpu.dma_semaphore, #tpu.memory_space<semaphore_mem>>) src(%arg7 : memref<128x16xf32, #tpu.memory_space<vmem>>) dst(%dma_wait3A_28 : memref<10112x16xf32, #tpu.memory_space<vmem_shared>>)
        tpu.yield
      }) : () -> ()
    }
    %scan3A_8 = arith.constant 80 : i32
    %barrier3A_9 = arith.constant 0 : index
    tpu.barrier barrier_id(%barrier3A_9)
    %mul3A_10 = arith.constant 632 : i32
    %mul3A_11 = arith.muli %arg1, %mul3A_10 : i32
    %mul3A_12 = arith.constant 632 : i32
    %mul3A_13 = arith.muli %arg1, %mul3A_12 : i32
    "tpu.region"() ({
      %run_scoped3A = tpu.sem_alloc : memref<!tpu.dma_semaphore, #tpu.memory_space<semaphore_mem>>
      %dma_start3A = arith.constant 0 : i32
      %dma_start3A_14 = arith.constant 0 : i32
      %dma_start3A_15 = tpu.memref_slice %arg5[%arg0, %dma_start3A, %dma_start3A_14] : memref<2x10112x16xf32, #tpu.memory_space<hbm>> -> memref<1x10112x16xf32, #tpu.memory_space<hbm>>
      %dma_start3A_16 = tpu.memref_squeeze %dma_start3A_15 : memref<1x10112x16xf32, #tpu.memory_space<hbm>> -> memref<10112x16xf32, #tpu.memory_space<hbm>>
      %dma_start3A_17 = arith.constant 0 : i32
      %dma_start3A_18 = tpu.memref_slice %dma_start3A_16[%mul3A_13, %dma_start3A_17] : memref<10112x16xf32, #tpu.memory_space<hbm>> -> memref<632x16xf32, #tpu.memory_space<hbm>>
      %dma_start3A_19 = arith.constant 0 : i32
      %dma_start3A_20 = tpu.memref_slice %arg8[%mul3A_11, %dma_start3A_19] : memref<10112x16xf32, #tpu.memory_space<vmem_shared>> -> memref<632x16xf32, #tpu.memory_space<vmem_shared>>
      tpu.enqueue_dma source(%dma_start3A_20 : memref<632x16xf32, #tpu.memory_space<vmem_shared>>) target(%dma_start3A_18 : memref<632x16xf32, #tpu.memory_space<hbm>>) target_semaphore(%run_scoped3A : memref<!tpu.dma_semaphore, #tpu.memory_space<semaphore_mem>>)
      %dma_wait3A = arith.constant 0 : i32
      %dma_wait3A_21 = arith.constant 0 : i32
      %dma_wait3A_22 = tpu.memref_slice %arg5[%arg0, %dma_wait3A, %dma_wait3A_21] : memref<2x10112x16xf32, #tpu.memory_space<hbm>> -> memref<1x10112x16xf32, #tpu.memory_space<hbm>>
      %dma_wait3A_23 = tpu.memref_squeeze %dma_wait3A_22 : memref<1x10112x16xf32, #tpu.memory_space<hbm>> -> memref<10112x16xf32, #tpu.memory_space<hbm>>
      %dma_wait3A_24 = arith.constant 0 : i32
      %dma_wait3A_25 = tpu.memref_slice %dma_wait3A_23[%mul3A_13, %dma_wait3A_24] : memref<10112x16xf32, #tpu.memory_space<hbm>> -> memref<632x16xf32, #tpu.memory_space<hbm>>
      %dma_wait3A_26 = arith.constant 0 : i32
      %dma_wait3A_27 = tpu.memref_slice %arg8[%mul3A_11, %dma_wait3A_26] : memref<10112x16xf32, #tpu.memory_space<vmem_shared>> -> memref<632x16xf32, #tpu.memory_space<vmem_shared>>
      tpu.wait_dma2 semaphore(%run_scoped3A : memref<!tpu.dma_semaphore, #tpu.memory_space<semaphore_mem>>) src(%dma_wait3A_27 : memref<632x16xf32, #tpu.memory_space<vmem_shared>>) dst(%dma_wait3A_25 : memref<632x16xf32, #tpu.memory_space<hbm>>)
      tpu.yield
    }) : () -> ()
    return
  }
}

#map = affine_map<(d0, d1) -> (0, 0, 0)>
#map1 = affine_map<(d0, d1) -> (0, 0)>
module attributes {stable_mosaic.version = 14 : i64} {
  func.func @_sc_scatter(%arg0: i32, %arg1: i32, %arg2: memref<2x10000x64xf32, #tpu.memory_space<hbm>>, %arg3: memref<2560x128xi32, #tpu.memory_space<hbm>>, %arg4: memref<2560x128xi32, #tpu.memory_space<hbm>>, %arg5: memref<632x64xf32, #tpu.memory_space<hbm>>, %arg6: memref<2x10112x64xf32, #tpu.memory_space<hbm>>, %arg7: memref<160x128xi32, #tpu.memory_space<vmem>>, %arg8: memref<160x128xi32, #tpu.memory_space<vmem>>, %arg9: memref<128x64xf32, #tpu.memory_space<vmem>>, %arg10: memref<128x64xf32, #tpu.memory_space<vmem>>, %arg11: memref<128x64xf32, #tpu.memory_space<vmem>>, %arg12: memref<128x64xf32, #tpu.memory_space<vmem>>, %arg13: memref<10112x64xf32, #tpu.memory_space<vmem_shared>>, %arg14: memref<!tpu.dma_semaphore, #tpu.memory_space<semaphore_mem>>, %arg15: memref<!tpu.dma_semaphore, #tpu.memory_space<semaphore_mem>>, %arg16: memref<!tpu.dma_semaphore, #tpu.memory_space<semaphore_mem>>, %arg17: memref<!tpu.dma_semaphore, #tpu.memory_space<semaphore_mem>>, %arg18: memref<!tpu.dma_semaphore, #tpu.memory_space<semaphore_mem>>, %arg19: memref<!tpu.dma_semaphore, #tpu.memory_space<semaphore_mem>>, %arg20: memref<!tpu.dma_semaphore, #tpu.memory_space<semaphore_mem>>, %arg21: memref<!tpu.dma_semaphore, #tpu.memory_space<semaphore_mem>>) attributes {dimension_semantics = [#tpu.dimension_semantics<core_parallel>, #tpu.dimension_semantics<subcore_parallel>], iteration_bounds = array<i64: 2, 16>, scalar_prefetch = 0 : i64, scratch_operands = 15 : i64, tpu.core_type = #tpu.core_type<sc_vector_subcore>, window_params = [{transform_indices = #map}, {transform_indices = #map1}, {transform_indices = #map1}, {transform_indices = #map1}, {transform_indices = #map}]} {
    %mul3A = arith.constant 632 : i32
    %mul3A_0 = arith.muli %arg1, %mul3A : i32
    %dma_start3A = arith.constant 0 : i32
    %dma_start3A_1 = tpu.memref_slice %arg13[%mul3A_0, %dma_start3A] : memref<10112x64xf32, #tpu.memory_space<vmem_shared>> -> memref<632x64xf32, #tpu.memory_space<vmem_shared>>
    tpu.enqueue_dma source(%arg5 : memref<632x64xf32, #tpu.memory_space<hbm>>) target(%dma_start3A_1 : memref<632x64xf32, #tpu.memory_space<vmem_shared>>) target_semaphore(%arg14 : memref<!tpu.dma_semaphore, #tpu.memory_space<semaphore_mem>>)
    %mul3A_2 = arith.constant 160 : i32
    %mul3A_3 = arith.muli %arg1, %mul3A_2 : i32
    %dma_start3A_4 = arith.constant 0 : i32
    %dma_start3A_5 = tpu.memref_slice %arg3[%mul3A_3, %dma_start3A_4] : memref<2560x128xi32, #tpu.memory_space<hbm>> -> memref<160x128xi32, #tpu.memory_space<hbm>>
    %dma_start3A_6 = arith.constant 0 : i32
    %dma_start3A_7 = tpu.memref_slice %arg3[%mul3A_3, %dma_start3A_6] : memref<2560x128xi32, #tpu.memory_space<hbm>> -> memref<160x128xi32, #tpu.memory_space<hbm>>
    tpu.enqueue_dma source(%dma_start3A_7 : memref<160x128xi32, #tpu.memory_space<hbm>>) target(%arg7 : memref<160x128xi32, #tpu.memory_space<vmem>>) target_semaphore(%arg15 : memref<!tpu.dma_semaphore, #tpu.memory_space<semaphore_mem>>)
    %mul3A_8 = arith.constant 160 : i32
    %mul3A_9 = arith.muli %arg1, %mul3A_8 : i32
    %dma_start3A_10 = arith.constant 0 : i32
    %dma_start3A_11 = tpu.memref_slice %arg4[%mul3A_9, %dma_start3A_10] : memref<2560x128xi32, #tpu.memory_space<hbm>> -> memref<160x128xi32, #tpu.memory_space<hbm>>
    %dma_start3A_12 = arith.constant 0 : i32
    %dma_start3A_13 = tpu.memref_slice %arg4[%mul3A_9, %dma_start3A_12] : memref<2560x128xi32, #tpu.memory_space<hbm>> -> memref<160x128xi32, #tpu.memory_space<hbm>>
    tpu.enqueue_dma source(%dma_start3A_13 : memref<160x128xi32, #tpu.memory_space<hbm>>) target(%arg8 : memref<160x128xi32, #tpu.memory_space<vmem>>) target_semaphore(%arg16 : memref<!tpu.dma_semaphore, #tpu.memory_space<semaphore_mem>>)
    %dma_wait3A = arith.constant 0 : i32
    %dma_wait3A_14 = tpu.memref_slice %arg13[%mul3A_0, %dma_wait3A] : memref<10112x64xf32, #tpu.memory_space<vmem_shared>> -> memref<632x64xf32, #tpu.memory_space<vmem_shared>>
    tpu.wait_dma2 semaphore(%arg14 : memref<!tpu.dma_semaphore, #tpu.memory_space<semaphore_mem>>) src(%arg5 : memref<632x64xf32, #tpu.memory_space<hbm>>) dst(%dma_wait3A_14 : memref<632x64xf32, #tpu.memory_space<vmem_shared>>)
    %dma_wait3A_15 = arith.constant 0 : i32
    %dma_wait3A_16 = tpu.memref_slice %arg3[%mul3A_3, %dma_wait3A_15] : memref<2560x128xi32, #tpu.memory_space<hbm>> -> memref<160x128xi32, #tpu.memory_space<hbm>>
    %dma_wait3A_17 = arith.constant 0 : i32
    %dma_wait3A_18 = tpu.memref_slice %arg3[%mul3A_3, %dma_wait3A_17] : memref<2560x128xi32, #tpu.memory_space<hbm>> -> memref<160x128xi32, #tpu.memory_space<hbm>>
    tpu.wait_dma2 semaphore(%arg15 : memref<!tpu.dma_semaphore, #tpu.memory_space<semaphore_mem>>) src(%dma_wait3A_18 : memref<160x128xi32, #tpu.memory_space<hbm>>) dst(%arg7 : memref<160x128xi32, #tpu.memory_space<vmem>>)
    %dma_wait3A_19 = arith.constant 0 : i32
    %dma_wait3A_20 = tpu.memref_slice %arg4[%mul3A_9, %dma_wait3A_19] : memref<2560x128xi32, #tpu.memory_space<hbm>> -> memref<160x128xi32, #tpu.memory_space<hbm>>
    %dma_wait3A_21 = arith.constant 0 : i32
    %dma_wait3A_22 = tpu.memref_slice %arg4[%mul3A_9, %dma_wait3A_21] : memref<2560x128xi32, #tpu.memory_space<hbm>> -> memref<160x128xi32, #tpu.memory_space<hbm>>
    tpu.wait_dma2 semaphore(%arg16 : memref<!tpu.dma_semaphore, #tpu.memory_space<semaphore_mem>>) src(%dma_wait3A_22 : memref<160x128xi32, #tpu.memory_space<hbm>>) dst(%arg8 : memref<160x128xi32, #tpu.memory_space<vmem>>)
    %barrier3A = arith.constant 0 : index
    tpu.barrier barrier_id(%barrier3A)
    %dma_start3A_23 = arith.constant 0 : i32
    %dma_start3A_24 = arith.constant 0 : i32
    %dma_start3A_25 = tpu.memref_slice %arg7[%dma_start3A_23, %dma_start3A_24] : memref<160x128xi32, #tpu.memory_space<vmem>> -> memref<1x128xi32, #tpu.memory_space<vmem>>
    %dma_start3A_26 = tpu.memref_squeeze %dma_start3A_25 : memref<1x128xi32, #tpu.memory_space<vmem>> -> memref<128xi32, #tpu.memory_space<vmem>>
    %dma_start3A_27 = arith.constant 0 : i32
    %dma_start3A_28 = arith.constant 0 : i32
    %dma_start3A_29 = tpu.memref_slice %arg2[%arg0, %dma_start3A_27, %dma_start3A_28] : memref<2x10000x64xf32, #tpu.memory_space<hbm>> -> memref<1x10000x64xf32, #tpu.memory_space<hbm>>
    %dma_start3A_30 = tpu.memref_squeeze %dma_start3A_29 : memref<1x10000x64xf32, #tpu.memory_space<hbm>> -> memref<10000x64xf32, #tpu.memory_space<hbm>>
    %dma_start3A_31 = arith.constant 0 : i32
    %dma_start3A_32 = arith.constant 0 : i32
    %dma_start3A_33 = tpu.memref_slice %dma_start3A_30[%dma_start3A_31, %dma_start3A_32] : memref<10000x64xf32, #tpu.memory_space<hbm>> -> memref<10000x64xf32, #tpu.memory_space<hbm>>
    tpu.enqueue_indirect_dma source(%dma_start3A_33 : memref<10000x64xf32, #tpu.memory_space<hbm>>) target(%arg9 : memref<128x64xf32, #tpu.memory_space<vmem>>) offsets(%dma_start3A_26 : memref<128xi32, #tpu.memory_space<vmem>>) semaphore(%arg14 : memref<!tpu.dma_semaphore, #tpu.memory_space<semaphore_mem>>)
    %dma_start3A_34 = arith.constant 1 : i32
    %dma_start3A_35 = arith.constant 0 : i32
    %dma_start3A_36 = tpu.memref_slice %arg7[%dma_start3A_34, %dma_start3A_35] : memref<160x128xi32, #tpu.memory_space<vmem>> -> memref<1x128xi32, #tpu.memory_space<vmem>>
    %dma_start3A_37 = tpu.memref_squeeze %dma_start3A_36 : memref<1x128xi32, #tpu.memory_space<vmem>> -> memref<128xi32, #tpu.memory_space<vmem>>
    %dma_start3A_38 = arith.constant 0 : i32
    %dma_start3A_39 = arith.constant 0 : i32
    %dma_start3A_40 = tpu.memref_slice %arg2[%arg0, %dma_start3A_38, %dma_start3A_39] : memref<2x10000x64xf32, #tpu.memory_space<hbm>> -> memref<1x10000x64xf32, #tpu.memory_space<hbm>>
    %dma_start3A_41 = tpu.memref_squeeze %dma_start3A_40 : memref<1x10000x64xf32, #tpu.memory_space<hbm>> -> memref<10000x64xf32, #tpu.memory_space<hbm>>
    %dma_start3A_42 = arith.constant 0 : i32
    %dma_start3A_43 = arith.constant 0 : i32
    %dma_start3A_44 = tpu.memref_slice %dma_start3A_41[%dma_start3A_42, %dma_start3A_43] : memref<10000x64xf32, #tpu.memory_space<hbm>> -> memref<10000x64xf32, #tpu.memory_space<hbm>>
    tpu.enqueue_indirect_dma source(%dma_start3A_44 : memref<10000x64xf32, #tpu.memory_space<hbm>>) target(%arg10 : memref<128x64xf32, #tpu.memory_space<vmem>>) offsets(%dma_start3A_37 : memref<128xi32, #tpu.memory_space<vmem>>) semaphore(%arg15 : memref<!tpu.dma_semaphore, #tpu.memory_space<semaphore_mem>>)
    %scan3A = arith.constant 0 : i32
    %scan3A_45 = arith.constant 40 : i32
    %scan3A_46 = arith.addi %scan3A, %scan3A_45 : i32
    %scan3A_47 = arith.constant 1 : i32
    scf.for %scan3A_68 = %scan3A to %scan3A_46 step %scan3A_47  : i32 {
      %mul3A_69 = arith.constant 4 : i32
      %mul3A_70 = arith.muli %scan3A_68, %mul3A_69 : i32
      %add3A = arith.constant 0 : i32
      %add3A_71 = arith.addi %add3A, %mul3A_70 : i32
      %add3A_72 = arith.constant 0 : i32
      %add3A_73 = arith.addi %add3A_71, %add3A_72 : i32
      %dma_wait3A_74 = arith.constant 0 : i32
      %dma_wait3A_75 = tpu.memref_slice %arg7[%add3A_73, %dma_wait3A_74] : memref<160x128xi32, #tpu.memory_space<vmem>> -> memref<1x128xi32, #tpu.memory_space<vmem>>
      %dma_wait3A_76 = tpu.memref_squeeze %dma_wait3A_75 : memref<1x128xi32, #tpu.memory_space<vmem>> -> memref<128xi32, #tpu.memory_space<vmem>>
      %dma_wait3A_77 = arith.constant 0 : i32
      %dma_wait3A_78 = arith.constant 0 : i32
      %dma_wait3A_79 = tpu.memref_slice %arg2[%arg0, %dma_wait3A_77, %dma_wait3A_78] : memref<2x10000x64xf32, #tpu.memory_space<hbm>> -> memref<1x10000x64xf32, #tpu.memory_space<hbm>>
      %dma_wait3A_80 = tpu.memref_squeeze %dma_wait3A_79 : memref<1x10000x64xf32, #tpu.memory_space<hbm>> -> memref<10000x64xf32, #tpu.memory_space<hbm>>
      %dma_wait3A_81 = arith.constant 0 : i32
      %dma_wait3A_82 = arith.constant 0 : i32
      %dma_wait3A_83 = tpu.memref_slice %dma_wait3A_80[%dma_wait3A_81, %dma_wait3A_82] : memref<10000x64xf32, #tpu.memory_space<hbm>> -> memref<10000x64xf32, #tpu.memory_space<hbm>>
      tpu.wait_indirect_dma semaphore(%arg14 : memref<!tpu.dma_semaphore, #tpu.memory_space<semaphore_mem>>) src(%dma_wait3A_83 : memref<10000x64xf32, #tpu.memory_space<hbm>>) dst(%arg9 : memref<128x64xf32, #tpu.memory_space<vmem>>)
      %dma_start3A_84 = arith.constant 0 : i32
      %dma_start3A_85 = tpu.memref_slice %arg8[%add3A_73, %dma_start3A_84] : memref<160x128xi32, #tpu.memory_space<vmem>> -> memref<1x128xi32, #tpu.memory_space<vmem>>
      %dma_start3A_86 = tpu.memref_squeeze %dma_start3A_85 : memref<1x128xi32, #tpu.memory_space<vmem>> -> memref<128xi32, #tpu.memory_space<vmem>>
      %dma_start3A_87 = arith.constant 0 : i32
      %dma_start3A_88 = arith.constant 0 : i32
      %dma_start3A_89 = tpu.memref_slice %arg13[%dma_start3A_87, %dma_start3A_88] : memref<10112x64xf32, #tpu.memory_space<vmem_shared>> -> memref<10112x64xf32, #tpu.memory_space<vmem_shared>>
      tpu.enqueue_indirect_dma source(%arg9 : memref<128x64xf32, #tpu.memory_space<vmem>>) target(%dma_start3A_89 : memref<10112x64xf32, #tpu.memory_space<vmem_shared>>) offsets(%dma_start3A_86 : memref<128xi32, #tpu.memory_space<vmem>>) semaphore(%arg18 : memref<!tpu.dma_semaphore, #tpu.memory_space<semaphore_mem>>) {add = true}
      %ge3A = arith.constant 2 : i32
      %ge3A_90 = arith.cmpi sge, %add3A_73, %ge3A : i32
      %convert_element_type3A = arith.extui %ge3A_90 : i1 to i32
      %cond3A = arith.constant 0 : i32
      %cond3A_91 = arith.cmpi ne, %convert_element_type3A, %cond3A : i32
      scf.if %cond3A_91 {
        %sub3A = arith.constant 2 : i32
        %sub3A_188 = arith.subi %add3A_73, %sub3A : i32
        %dma_wait3A_189 = arith.constant 0 : i32
        %dma_wait3A_190 = tpu.memref_slice %arg8[%sub3A_188, %dma_wait3A_189] : memref<160x128xi32, #tpu.memory_space<vmem>> -> memref<1x128xi32, #tpu.memory_space<vmem>>
        %dma_wait3A_191 = tpu.memref_squeeze %dma_wait3A_190 : memref<1x128xi32, #tpu.memory_space<vmem>> -> memref<128xi32, #tpu.memory_space<vmem>>
        %dma_wait3A_192 = arith.constant 0 : i32
        %dma_wait3A_193 = arith.constant 0 : i32
        %dma_wait3A_194 = tpu.memref_slice %arg13[%dma_wait3A_192, %dma_wait3A_193] : memref<10112x64xf32, #tpu.memory_space<vmem_shared>> -> memref<10112x64xf32, #tpu.memory_space<vmem_shared>>
        tpu.wait_indirect_dma semaphore(%arg20 : memref<!tpu.dma_semaphore, #tpu.memory_space<semaphore_mem>>) src(%arg11 : memref<128x64xf32, #tpu.memory_space<vmem>>) dst(%dma_wait3A_194 : memref<10112x64xf32, #tpu.memory_space<vmem_shared>>)
      } else {
      }
      %add3A_92 = arith.constant 2 : i32
      %add3A_93 = arith.addi %add3A_73, %add3A_92 : i32
      %lt3A = arith.constant 160 : i32
      %lt3A_94 = arith.cmpi slt, %add3A_93, %lt3A : i32
      %convert_element_type3A_95 = arith.extui %lt3A_94 : i1 to i32
      %cond3A_96 = arith.constant 0 : i32
      %cond3A_97 = arith.cmpi ne, %convert_element_type3A_95, %cond3A_96 : i32
      scf.if %cond3A_97 {
        %add3A_188 = arith.constant 2 : i32
        %add3A_189 = arith.addi %add3A_73, %add3A_188 : i32
        %dma_start3A_190 = arith.constant 0 : i32
        %dma_start3A_191 = tpu.memref_slice %arg7[%add3A_189, %dma_start3A_190] : memref<160x128xi32, #tpu.memory_space<vmem>> -> memref<1x128xi32, #tpu.memory_space<vmem>>
        %dma_start3A_192 = tpu.memref_squeeze %dma_start3A_191 : memref<1x128xi32, #tpu.memory_space<vmem>> -> memref<128xi32, #tpu.memory_space<vmem>>
        %dma_start3A_193 = arith.constant 0 : i32
        %dma_start3A_194 = arith.constant 0 : i32
        %dma_start3A_195 = tpu.memref_slice %arg2[%arg0, %dma_start3A_193, %dma_start3A_194] : memref<2x10000x64xf32, #tpu.memory_space<hbm>> -> memref<1x10000x64xf32, #tpu.memory_space<hbm>>
        %dma_start3A_196 = tpu.memref_squeeze %dma_start3A_195 : memref<1x10000x64xf32, #tpu.memory_space<hbm>> -> memref<10000x64xf32, #tpu.memory_space<hbm>>
        %dma_start3A_197 = arith.constant 0 : i32
        %dma_start3A_198 = arith.constant 0 : i32
        %dma_start3A_199 = tpu.memref_slice %dma_start3A_196[%dma_start3A_197, %dma_start3A_198] : memref<10000x64xf32, #tpu.memory_space<hbm>> -> memref<10000x64xf32, #tpu.memory_space<hbm>>
        tpu.enqueue_indirect_dma source(%dma_start3A_199 : memref<10000x64xf32, #tpu.memory_space<hbm>>) target(%arg11 : memref<128x64xf32, #tpu.memory_space<vmem>>) offsets(%dma_start3A_192 : memref<128xi32, #tpu.memory_space<vmem>>) semaphore(%arg16 : memref<!tpu.dma_semaphore, #tpu.memory_space<semaphore_mem>>)
      } else {
      }
      %add3A_98 = arith.constant 1 : i32
      %add3A_99 = arith.addi %add3A_71, %add3A_98 : i32
      %dma_wait3A_100 = arith.constant 0 : i32
      %dma_wait3A_101 = tpu.memref_slice %arg7[%add3A_99, %dma_wait3A_100] : memref<160x128xi32, #tpu.memory_space<vmem>> -> memref<1x128xi32, #tpu.memory_space<vmem>>
      %dma_wait3A_102 = tpu.memref_squeeze %dma_wait3A_101 : memref<1x128xi32, #tpu.memory_space<vmem>> -> memref<128xi32, #tpu.memory_space<vmem>>
      %dma_wait3A_103 = arith.constant 0 : i32
      %dma_wait3A_104 = arith.constant 0 : i32
      %dma_wait3A_105 = tpu.memref_slice %arg2[%arg0, %dma_wait3A_103, %dma_wait3A_104] : memref<2x10000x64xf32, #tpu.memory_space<hbm>> -> memref<1x10000x64xf32, #tpu.memory_space<hbm>>
      %dma_wait3A_106 = tpu.memref_squeeze %dma_wait3A_105 : memref<1x10000x64xf32, #tpu.memory_space<hbm>> -> memref<10000x64xf32, #tpu.memory_space<hbm>>
      %dma_wait3A_107 = arith.constant 0 : i32
      %dma_wait3A_108 = arith.constant 0 : i32
      %dma_wait3A_109 = tpu.memref_slice %dma_wait3A_106[%dma_wait3A_107, %dma_wait3A_108] : memref<10000x64xf32, #tpu.memory_space<hbm>> -> memref<10000x64xf32, #tpu.memory_space<hbm>>
      tpu.wait_indirect_dma semaphore(%arg15 : memref<!tpu.dma_semaphore, #tpu.memory_space<semaphore_mem>>) src(%dma_wait3A_109 : memref<10000x64xf32, #tpu.memory_space<hbm>>) dst(%arg10 : memref<128x64xf32, #tpu.memory_space<vmem>>)
      %dma_start3A_110 = arith.constant 0 : i32
      %dma_start3A_111 = tpu.memref_slice %arg8[%add3A_99, %dma_start3A_110] : memref<160x128xi32, #tpu.memory_space<vmem>> -> memref<1x128xi32, #tpu.memory_space<vmem>>
      %dma_start3A_112 = tpu.memref_squeeze %dma_start3A_111 : memref<1x128xi32, #tpu.memory_space<vmem>> -> memref<128xi32, #tpu.memory_space<vmem>>
      %dma_start3A_113 = arith.constant 0 : i32
      %dma_start3A_114 = arith.constant 0 : i32
      %dma_start3A_115 = tpu.memref_slice %arg13[%dma_start3A_113, %dma_start3A_114] : memref<10112x64xf32, #tpu.memory_space<vmem_shared>> -> memref<10112x64xf32, #tpu.memory_space<vmem_shared>>
      tpu.enqueue_indirect_dma source(%arg10 : memref<128x64xf32, #tpu.memory_space<vmem>>) target(%dma_start3A_115 : memref<10112x64xf32, #tpu.memory_space<vmem_shared>>) offsets(%dma_start3A_112 : memref<128xi32, #tpu.memory_space<vmem>>) semaphore(%arg19 : memref<!tpu.dma_semaphore, #tpu.memory_space<semaphore_mem>>) {add = true}
      %ge3A_116 = arith.constant 2 : i32
      %ge3A_117 = arith.cmpi sge, %add3A_99, %ge3A_116 : i32
      %convert_element_type3A_118 = arith.extui %ge3A_117 : i1 to i32
      %cond3A_119 = arith.constant 0 : i32
      %cond3A_120 = arith.cmpi ne, %convert_element_type3A_118, %cond3A_119 : i32
      scf.if %cond3A_120 {
        %sub3A = arith.constant 2 : i32
        %sub3A_188 = arith.subi %add3A_99, %sub3A : i32
        %dma_wait3A_189 = arith.constant 0 : i32
        %dma_wait3A_190 = tpu.memref_slice %arg8[%sub3A_188, %dma_wait3A_189] : memref<160x128xi32, #tpu.memory_space<vmem>> -> memref<1x128xi32, #tpu.memory_space<vmem>>
        %dma_wait3A_191 = tpu.memref_squeeze %dma_wait3A_190 : memref<1x128xi32, #tpu.memory_space<vmem>> -> memref<128xi32, #tpu.memory_space<vmem>>
        %dma_wait3A_192 = arith.constant 0 : i32
        %dma_wait3A_193 = arith.constant 0 : i32
        %dma_wait3A_194 = tpu.memref_slice %arg13[%dma_wait3A_192, %dma_wait3A_193] : memref<10112x64xf32, #tpu.memory_space<vmem_shared>> -> memref<10112x64xf32, #tpu.memory_space<vmem_shared>>
        tpu.wait_indirect_dma semaphore(%arg21 : memref<!tpu.dma_semaphore, #tpu.memory_space<semaphore_mem>>) src(%arg12 : memref<128x64xf32, #tpu.memory_space<vmem>>) dst(%dma_wait3A_194 : memref<10112x64xf32, #tpu.memory_space<vmem_shared>>)
      } else {
      }
      %add3A_121 = arith.constant 2 : i32
      %add3A_122 = arith.addi %add3A_99, %add3A_121 : i32
      %lt3A_123 = arith.constant 160 : i32
      %lt3A_124 = arith.cmpi slt, %add3A_122, %lt3A_123 : i32
      %convert_element_type3A_125 = arith.extui %lt3A_124 : i1 to i32
      %cond3A_126 = arith.constant 0 : i32
      %cond3A_127 = arith.cmpi ne, %convert_element_type3A_125, %cond3A_126 : i32
      scf.if %cond3A_127 {
        %add3A_188 = arith.constant 2 : i32
        %add3A_189 = arith.addi %add3A_99, %add3A_188 : i32
        %dma_start3A_190 = arith.constant 0 : i32
        %dma_start3A_191 = tpu.memref_slice %arg7[%add3A_189, %dma_start3A_190] : memref<160x128xi32, #tpu.memory_space<vmem>> -> memref<1x128xi32, #tpu.memory_space<vmem>>
        %dma_start3A_192 = tpu.memref_squeeze %dma_start3A_191 : memref<1x128xi32, #tpu.memory_space<vmem>> -> memref<128xi32, #tpu.memory_space<vmem>>
        %dma_start3A_193 = arith.constant 0 : i32
        %dma_start3A_194 = arith.constant 0 : i32
        %dma_start3A_195 = tpu.memref_slice %arg2[%arg0, %dma_start3A_193, %dma_start3A_194] : memref<2x10000x64xf32, #tpu.memory_space<hbm>> -> memref<1x10000x64xf32, #tpu.memory_space<hbm>>
        %dma_start3A_196 = tpu.memref_squeeze %dma_start3A_195 : memref<1x10000x64xf32, #tpu.memory_space<hbm>> -> memref<10000x64xf32, #tpu.memory_space<hbm>>
        %dma_start3A_197 = arith.constant 0 : i32
        %dma_start3A_198 = arith.constant 0 : i32
        %dma_start3A_199 = tpu.memref_slice %dma_start3A_196[%dma_start3A_197, %dma_start3A_198] : memref<10000x64xf32, #tpu.memory_space<hbm>> -> memref<10000x64xf32, #tpu.memory_space<hbm>>
        tpu.enqueue_indirect_dma source(%dma_start3A_199 : memref<10000x64xf32, #tpu.memory_space<hbm>>) target(%arg12 : memref<128x64xf32, #tpu.memory_space<vmem>>) offsets(%dma_start3A_192 : memref<128xi32, #tpu.memory_space<vmem>>) semaphore(%arg17 : memref<!tpu.dma_semaphore, #tpu.memory_space<semaphore_mem>>)
      } else {
      }
      %add3A_128 = arith.constant 2 : i32
      %add3A_129 = arith.addi %add3A_71, %add3A_128 : i32
      %dma_wait3A_130 = arith.constant 0 : i32
      %dma_wait3A_131 = tpu.memref_slice %arg7[%add3A_129, %dma_wait3A_130] : memref<160x128xi32, #tpu.memory_space<vmem>> -> memref<1x128xi32, #tpu.memory_space<vmem>>
      %dma_wait3A_132 = tpu.memref_squeeze %dma_wait3A_131 : memref<1x128xi32, #tpu.memory_space<vmem>> -> memref<128xi32, #tpu.memory_space<vmem>>
      %dma_wait3A_133 = arith.constant 0 : i32
      %dma_wait3A_134 = arith.constant 0 : i32
      %dma_wait3A_135 = tpu.memref_slice %arg2[%arg0, %dma_wait3A_133, %dma_wait3A_134] : memref<2x10000x64xf32, #tpu.memory_space<hbm>> -> memref<1x10000x64xf32, #tpu.memory_space<hbm>>
      %dma_wait3A_136 = tpu.memref_squeeze %dma_wait3A_135 : memref<1x10000x64xf32, #tpu.memory_space<hbm>> -> memref<10000x64xf32, #tpu.memory_space<hbm>>
      %dma_wait3A_137 = arith.constant 0 : i32
      %dma_wait3A_138 = arith.constant 0 : i32
      %dma_wait3A_139 = tpu.memref_slice %dma_wait3A_136[%dma_wait3A_137, %dma_wait3A_138] : memref<10000x64xf32, #tpu.memory_space<hbm>> -> memref<10000x64xf32, #tpu.memory_space<hbm>>
      tpu.wait_indirect_dma semaphore(%arg16 : memref<!tpu.dma_semaphore, #tpu.memory_space<semaphore_mem>>) src(%dma_wait3A_139 : memref<10000x64xf32, #tpu.memory_space<hbm>>) dst(%arg11 : memref<128x64xf32, #tpu.memory_space<vmem>>)
      %dma_start3A_140 = arith.constant 0 : i32
      %dma_start3A_141 = tpu.memref_slice %arg8[%add3A_129, %dma_start3A_140] : memref<160x128xi32, #tpu.memory_space<vmem>> -> memref<1x128xi32, #tpu.memory_space<vmem>>
      %dma_start3A_142 = tpu.memref_squeeze %dma_start3A_141 : memref<1x128xi32, #tpu.memory_space<vmem>> -> memref<128xi32, #tpu.memory_space<vmem>>
      %dma_start3A_143 = arith.constant 0 : i32
      %dma_start3A_144 = arith.constant 0 : i32
      %dma_start3A_145 = tpu.memref_slice %arg13[%dma_start3A_143, %dma_start3A_144] : memref<10112x64xf32, #tpu.memory_space<vmem_shared>> -> memref<10112x64xf32, #tpu.memory_space<vmem_shared>>
      tpu.enqueue_indirect_dma source(%arg11 : memref<128x64xf32, #tpu.memory_space<vmem>>) target(%dma_start3A_145 : memref<10112x64xf32, #tpu.memory_space<vmem_shared>>) offsets(%dma_start3A_142 : memref<128xi32, #tpu.memory_space<vmem>>) semaphore(%arg20 : memref<!tpu.dma_semaphore, #tpu.memory_space<semaphore_mem>>) {add = true}
      %ge3A_146 = arith.constant 2 : i32
      %ge3A_147 = arith.cmpi sge, %add3A_129, %ge3A_146 : i32
      %convert_element_type3A_148 = arith.extui %ge3A_147 : i1 to i32
      %cond3A_149 = arith.constant 0 : i32
      %cond3A_150 = arith.cmpi ne, %convert_element_type3A_148, %cond3A_149 : i32
      scf.if %cond3A_150 {
        %sub3A = arith.constant 2 : i32
        %sub3A_188 = arith.subi %add3A_129, %sub3A : i32
        %dma_wait3A_189 = arith.constant 0 : i32
        %dma_wait3A_190 = tpu.memref_slice %arg8[%sub3A_188, %dma_wait3A_189] : memref<160x128xi32, #tpu.memory_space<vmem>> -> memref<1x128xi32, #tpu.memory_space<vmem>>
        %dma_wait3A_191 = tpu.memref_squeeze %dma_wait3A_190 : memref<1x128xi32, #tpu.memory_space<vmem>> -> memref<128xi32, #tpu.memory_space<vmem>>
        %dma_wait3A_192 = arith.constant 0 : i32
        %dma_wait3A_193 = arith.constant 0 : i32
        %dma_wait3A_194 = tpu.memref_slice %arg13[%dma_wait3A_192, %dma_wait3A_193] : memref<10112x64xf32, #tpu.memory_space<vmem_shared>> -> memref<10112x64xf32, #tpu.memory_space<vmem_shared>>
        tpu.wait_indirect_dma semaphore(%arg18 : memref<!tpu.dma_semaphore, #tpu.memory_space<semaphore_mem>>) src(%arg9 : memref<128x64xf32, #tpu.memory_space<vmem>>) dst(%dma_wait3A_194 : memref<10112x64xf32, #tpu.memory_space<vmem_shared>>)
      } else {
      }
      %add3A_151 = arith.constant 2 : i32
      %add3A_152 = arith.addi %add3A_129, %add3A_151 : i32
      %lt3A_153 = arith.constant 160 : i32
      %lt3A_154 = arith.cmpi slt, %add3A_152, %lt3A_153 : i32
      %convert_element_type3A_155 = arith.extui %lt3A_154 : i1 to i32
      %cond3A_156 = arith.constant 0 : i32
      %cond3A_157 = arith.cmpi ne, %convert_element_type3A_155, %cond3A_156 : i32
      scf.if %cond3A_157 {
        %add3A_188 = arith.constant 2 : i32
        %add3A_189 = arith.addi %add3A_129, %add3A_188 : i32
        %dma_start3A_190 = arith.constant 0 : i32
        %dma_start3A_191 = tpu.memref_slice %arg7[%add3A_189, %dma_start3A_190] : memref<160x128xi32, #tpu.memory_space<vmem>> -> memref<1x128xi32, #tpu.memory_space<vmem>>
        %dma_start3A_192 = tpu.memref_squeeze %dma_start3A_191 : memref<1x128xi32, #tpu.memory_space<vmem>> -> memref<128xi32, #tpu.memory_space<vmem>>
        %dma_start3A_193 = arith.constant 0 : i32
        %dma_start3A_194 = arith.constant 0 : i32
        %dma_start3A_195 = tpu.memref_slice %arg2[%arg0, %dma_start3A_193, %dma_start3A_194] : memref<2x10000x64xf32, #tpu.memory_space<hbm>> -> memref<1x10000x64xf32, #tpu.memory_space<hbm>>
        %dma_start3A_196 = tpu.memref_squeeze %dma_start3A_195 : memref<1x10000x64xf32, #tpu.memory_space<hbm>> -> memref<10000x64xf32, #tpu.memory_space<hbm>>
        %dma_start3A_197 = arith.constant 0 : i32
        %dma_start3A_198 = arith.constant 0 : i32
        %dma_start3A_199 = tpu.memref_slice %dma_start3A_196[%dma_start3A_197, %dma_start3A_198] : memref<10000x64xf32, #tpu.memory_space<hbm>> -> memref<10000x64xf32, #tpu.memory_space<hbm>>
        tpu.enqueue_indirect_dma source(%dma_start3A_199 : memref<10000x64xf32, #tpu.memory_space<hbm>>) target(%arg9 : memref<128x64xf32, #tpu.memory_space<vmem>>) offsets(%dma_start3A_192 : memref<128xi32, #tpu.memory_space<vmem>>) semaphore(%arg14 : memref<!tpu.dma_semaphore, #tpu.memory_space<semaphore_mem>>)
      } else {
      }
      %add3A_158 = arith.constant 3 : i32
      %add3A_159 = arith.addi %add3A_71, %add3A_158 : i32
      %dma_wait3A_160 = arith.constant 0 : i32
      %dma_wait3A_161 = tpu.memref_slice %arg7[%add3A_159, %dma_wait3A_160] : memref<160x128xi32, #tpu.memory_space<vmem>> -> memref<1x128xi32, #tpu.memory_space<vmem>>
      %dma_wait3A_162 = tpu.memref_squeeze %dma_wait3A_161 : memref<1x128xi32, #tpu.memory_space<vmem>> -> memref<128xi32, #tpu.memory_space<vmem>>
      %dma_wait3A_163 = arith.constant 0 : i32
      %dma_wait3A_164 = arith.constant 0 : i32
      %dma_wait3A_165 = tpu.memref_slice %arg2[%arg0, %dma_wait3A_163, %dma_wait3A_164] : memref<2x10000x64xf32, #tpu.memory_space<hbm>> -> memref<1x10000x64xf32, #tpu.memory_space<hbm>>
      %dma_wait3A_166 = tpu.memref_squeeze %dma_wait3A_165 : memref<1x10000x64xf32, #tpu.memory_space<hbm>> -> memref<10000x64xf32, #tpu.memory_space<hbm>>
      %dma_wait3A_167 = arith.constant 0 : i32
      %dma_wait3A_168 = arith.constant 0 : i32
      %dma_wait3A_169 = tpu.memref_slice %dma_wait3A_166[%dma_wait3A_167, %dma_wait3A_168] : memref<10000x64xf32, #tpu.memory_space<hbm>> -> memref<10000x64xf32, #tpu.memory_space<hbm>>
      tpu.wait_indirect_dma semaphore(%arg17 : memref<!tpu.dma_semaphore, #tpu.memory_space<semaphore_mem>>) src(%dma_wait3A_169 : memref<10000x64xf32, #tpu.memory_space<hbm>>) dst(%arg12 : memref<128x64xf32, #tpu.memory_space<vmem>>)
      %dma_start3A_170 = arith.constant 0 : i32
      %dma_start3A_171 = tpu.memref_slice %arg8[%add3A_159, %dma_start3A_170] : memref<160x128xi32, #tpu.memory_space<vmem>> -> memref<1x128xi32, #tpu.memory_space<vmem>>
      %dma_start3A_172 = tpu.memref_squeeze %dma_start3A_171 : memref<1x128xi32, #tpu.memory_space<vmem>> -> memref<128xi32, #tpu.memory_space<vmem>>
      %dma_start3A_173 = arith.constant 0 : i32
      %dma_start3A_174 = arith.constant 0 : i32
      %dma_start3A_175 = tpu.memref_slice %arg13[%dma_start3A_173, %dma_start3A_174] : memref<10112x64xf32, #tpu.memory_space<vmem_shared>> -> memref<10112x64xf32, #tpu.memory_space<vmem_shared>>
      tpu.enqueue_indirect_dma source(%arg12 : memref<128x64xf32, #tpu.memory_space<vmem>>) target(%dma_start3A_175 : memref<10112x64xf32, #tpu.memory_space<vmem_shared>>) offsets(%dma_start3A_172 : memref<128xi32, #tpu.memory_space<vmem>>) semaphore(%arg21 : memref<!tpu.dma_semaphore, #tpu.memory_space<semaphore_mem>>) {add = true}
      %ge3A_176 = arith.constant 2 : i32
      %ge3A_177 = arith.cmpi sge, %add3A_159, %ge3A_176 : i32
      %convert_element_type3A_178 = arith.extui %ge3A_177 : i1 to i32
      %cond3A_179 = arith.constant 0 : i32
      %cond3A_180 = arith.cmpi ne, %convert_element_type3A_178, %cond3A_179 : i32
      scf.if %cond3A_180 {
        %sub3A = arith.constant 2 : i32
        %sub3A_188 = arith.subi %add3A_159, %sub3A : i32
        %dma_wait3A_189 = arith.constant 0 : i32
        %dma_wait3A_190 = tpu.memref_slice %arg8[%sub3A_188, %dma_wait3A_189] : memref<160x128xi32, #tpu.memory_space<vmem>> -> memref<1x128xi32, #tpu.memory_space<vmem>>
        %dma_wait3A_191 = tpu.memref_squeeze %dma_wait3A_190 : memref<1x128xi32, #tpu.memory_space<vmem>> -> memref<128xi32, #tpu.memory_space<vmem>>
        %dma_wait3A_192 = arith.constant 0 : i32
        %dma_wait3A_193 = arith.constant 0 : i32
        %dma_wait3A_194 = tpu.memref_slice %arg13[%dma_wait3A_192, %dma_wait3A_193] : memref<10112x64xf32, #tpu.memory_space<vmem_shared>> -> memref<10112x64xf32, #tpu.memory_space<vmem_shared>>
        tpu.wait_indirect_dma semaphore(%arg19 : memref<!tpu.dma_semaphore, #tpu.memory_space<semaphore_mem>>) src(%arg10 : memref<128x64xf32, #tpu.memory_space<vmem>>) dst(%dma_wait3A_194 : memref<10112x64xf32, #tpu.memory_space<vmem_shared>>)
      } else {
      }
      %add3A_181 = arith.constant 2 : i32
      %add3A_182 = arith.addi %add3A_159, %add3A_181 : i32
      %lt3A_183 = arith.constant 160 : i32
      %lt3A_184 = arith.cmpi slt, %add3A_182, %lt3A_183 : i32
      %convert_element_type3A_185 = arith.extui %lt3A_184 : i1 to i32
      %cond3A_186 = arith.constant 0 : i32
      %cond3A_187 = arith.cmpi ne, %convert_element_type3A_185, %cond3A_186 : i32
      scf.if %cond3A_187 {
        %add3A_188 = arith.constant 2 : i32
        %add3A_189 = arith.addi %add3A_159, %add3A_188 : i32
        %dma_start3A_190 = arith.constant 0 : i32
        %dma_start3A_191 = tpu.memref_slice %arg7[%add3A_189, %dma_start3A_190] : memref<160x128xi32, #tpu.memory_space<vmem>> -> memref<1x128xi32, #tpu.memory_space<vmem>>
        %dma_start3A_192 = tpu.memref_squeeze %dma_start3A_191 : memref<1x128xi32, #tpu.memory_space<vmem>> -> memref<128xi32, #tpu.memory_space<vmem>>
        %dma_start3A_193 = arith.constant 0 : i32
        %dma_start3A_194 = arith.constant 0 : i32
        %dma_start3A_195 = tpu.memref_slice %arg2[%arg0, %dma_start3A_193, %dma_start3A_194] : memref<2x10000x64xf32, #tpu.memory_space<hbm>> -> memref<1x10000x64xf32, #tpu.memory_space<hbm>>
        %dma_start3A_196 = tpu.memref_squeeze %dma_start3A_195 : memref<1x10000x64xf32, #tpu.memory_space<hbm>> -> memref<10000x64xf32, #tpu.memory_space<hbm>>
        %dma_start3A_197 = arith.constant 0 : i32
        %dma_start3A_198 = arith.constant 0 : i32
        %dma_start3A_199 = tpu.memref_slice %dma_start3A_196[%dma_start3A_197, %dma_start3A_198] : memref<10000x64xf32, #tpu.memory_space<hbm>> -> memref<10000x64xf32, #tpu.memory_space<hbm>>
        tpu.enqueue_indirect_dma source(%dma_start3A_199 : memref<10000x64xf32, #tpu.memory_space<hbm>>) target(%arg10 : memref<128x64xf32, #tpu.memory_space<vmem>>) offsets(%dma_start3A_192 : memref<128xi32, #tpu.memory_space<vmem>>) semaphore(%arg15 : memref<!tpu.dma_semaphore, #tpu.memory_space<semaphore_mem>>)
      } else {
      }
    }
    %scan3A_48 = arith.constant 40 : i32
    %dma_wait3A_49 = arith.constant 158 : i32
    %dma_wait3A_50 = arith.constant 0 : i32
    %dma_wait3A_51 = tpu.memref_slice %arg8[%dma_wait3A_49, %dma_wait3A_50] : memref<160x128xi32, #tpu.memory_space<vmem>> -> memref<1x128xi32, #tpu.memory_space<vmem>>
    %dma_wait3A_52 = tpu.memref_squeeze %dma_wait3A_51 : memref<1x128xi32, #tpu.memory_space<vmem>> -> memref<128xi32, #tpu.memory_space<vmem>>
    %dma_wait3A_53 = arith.constant 0 : i32
    %dma_wait3A_54 = arith.constant 0 : i32
    %dma_wait3A_55 = tpu.memref_slice %arg13[%dma_wait3A_53, %dma_wait3A_54] : memref<10112x64xf32, #tpu.memory_space<vmem_shared>> -> memref<10112x64xf32, #tpu.memory_space<vmem_shared>>
    tpu.wait_indirect_dma semaphore(%arg20 : memref<!tpu.dma_semaphore, #tpu.memory_space<semaphore_mem>>) src(%arg11 : memref<128x64xf32, #tpu.memory_space<vmem>>) dst(%dma_wait3A_55 : memref<10112x64xf32, #tpu.memory_space<vmem_shared>>)
    %dma_wait3A_56 = arith.constant 159 : i32
    %dma_wait3A_57 = arith.constant 0 : i32
    %dma_wait3A_58 = tpu.memref_slice %arg8[%dma_wait3A_56, %dma_wait3A_57] : memref<160x128xi32, #tpu.memory_space<vmem>> -> memref<1x128xi32, #tpu.memory_space<vmem>>
    %dma_wait3A_59 = tpu.memref_squeeze %dma_wait3A_58 : memref<1x128xi32, #tpu.memory_space<vmem>> -> memref<128xi32, #tpu.memory_space<vmem>>
    %dma_wait3A_60 = arith.constant 0 : i32
    %dma_wait3A_61 = arith.constant 0 : i32
    %dma_wait3A_62 = tpu.memref_slice %arg13[%dma_wait3A_60, %dma_wait3A_61] : memref<10112x64xf32, #tpu.memory_space<vmem_shared>> -> memref<10112x64xf32, #tpu.memory_space<vmem_shared>>
    tpu.wait_indirect_dma semaphore(%arg21 : memref<!tpu.dma_semaphore, #tpu.memory_space<semaphore_mem>>) src(%arg12 : memref<128x64xf32, #tpu.memory_space<vmem>>) dst(%dma_wait3A_62 : memref<10112x64xf32, #tpu.memory_space<vmem_shared>>)
    %barrier3A_63 = arith.constant 0 : index
    tpu.barrier barrier_id(%barrier3A_63)
    %mul3A_64 = arith.constant 632 : i32
    %mul3A_65 = arith.muli %arg1, %mul3A_64 : i32
    %mul3A_66 = arith.constant 632 : i32
    %mul3A_67 = arith.muli %arg1, %mul3A_66 : i32
    "tpu.region"() ({
      %run_scoped3A = tpu.sem_alloc : memref<!tpu.dma_semaphore, #tpu.memory_space<semaphore_mem>>
      %dma_start3A_68 = arith.constant 0 : i32
      %dma_start3A_69 = arith.constant 0 : i32
      %dma_start3A_70 = tpu.memref_slice %arg6[%arg0, %dma_start3A_68, %dma_start3A_69] : memref<2x10112x64xf32, #tpu.memory_space<hbm>> -> memref<1x10112x64xf32, #tpu.memory_space<hbm>>
      %dma_start3A_71 = tpu.memref_squeeze %dma_start3A_70 : memref<1x10112x64xf32, #tpu.memory_space<hbm>> -> memref<10112x64xf32, #tpu.memory_space<hbm>>
      %dma_start3A_72 = arith.constant 0 : i32
      %dma_start3A_73 = tpu.memref_slice %dma_start3A_71[%mul3A_67, %dma_start3A_72] : memref<10112x64xf32, #tpu.memory_space<hbm>> -> memref<632x64xf32, #tpu.memory_space<hbm>>
      %dma_start3A_74 = arith.constant 0 : i32
      %dma_start3A_75 = tpu.memref_slice %arg13[%mul3A_65, %dma_start3A_74] : memref<10112x64xf32, #tpu.memory_space<vmem_shared>> -> memref<632x64xf32, #tpu.memory_space<vmem_shared>>
      tpu.enqueue_dma source(%dma_start3A_75 : memref<632x64xf32, #tpu.memory_space<vmem_shared>>) target(%dma_start3A_73 : memref<632x64xf32, #tpu.memory_space<hbm>>) target_semaphore(%run_scoped3A : memref<!tpu.dma_semaphore, #tpu.memory_space<semaphore_mem>>)
      %dma_wait3A_76 = arith.constant 0 : i32
      %dma_wait3A_77 = arith.constant 0 : i32
      %dma_wait3A_78 = tpu.memref_slice %arg6[%arg0, %dma_wait3A_76, %dma_wait3A_77] : memref<2x10112x64xf32, #tpu.memory_space<hbm>> -> memref<1x10112x64xf32, #tpu.memory_space<hbm>>
      %dma_wait3A_79 = tpu.memref_squeeze %dma_wait3A_78 : memref<1x10112x64xf32, #tpu.memory_space<hbm>> -> memref<10112x64xf32, #tpu.memory_space<hbm>>
      %dma_wait3A_80 = arith.constant 0 : i32
      %dma_wait3A_81 = tpu.memref_slice %dma_wait3A_79[%mul3A_67, %dma_wait3A_80] : memref<10112x64xf32, #tpu.memory_space<hbm>> -> memref<632x64xf32, #tpu.memory_space<hbm>>
      %dma_wait3A_82 = arith.constant 0 : i32
      %dma_wait3A_83 = tpu.memref_slice %arg13[%mul3A_65, %dma_wait3A_82] : memref<10112x64xf32, #tpu.memory_space<vmem_shared>> -> memref<632x64xf32, #tpu.memory_space<vmem_shared>>
      tpu.wait_dma2 semaphore(%run_scoped3A : memref<!tpu.dma_semaphore, #tpu.memory_space<semaphore_mem>>) src(%dma_wait3A_83 : memref<632x64xf32, #tpu.memory_space<vmem_shared>>) dst(%dma_wait3A_81 : memref<632x64xf32, #tpu.memory_space<hbm>>)
      tpu.yield
    }) : () -> ()
    return
  }
}

#map = affine_map<(d0, d1) -> (0, 0, 0)>
#map1 = affine_map<(d0, d1) -> (0, 0)>
module attributes {stable_mosaic.version = 14 : i64} {
  func.func @_sc_scatter(%arg0: i32, %arg1: i32, %arg2: memref<2x10000x64xf32, #tpu.memory_space<hbm>>, %arg3: memref<2560x128xi32, #tpu.memory_space<hbm>>, %arg4: memref<2560x128xi32, #tpu.memory_space<hbm>>, %arg5: memref<632x64xf32, #tpu.memory_space<hbm>>, %arg6: memref<2x10112x64xf32, #tpu.memory_space<hbm>>, %arg7: memref<160x128xi32, #tpu.memory_space<vmem>>, %arg8: memref<160x128xi32, #tpu.memory_space<vmem>>, %arg9: memref<128x64xf32, #tpu.memory_space<vmem>>, %arg10: memref<128x64xf32, #tpu.memory_space<vmem>>, %arg11: memref<128x64xf32, #tpu.memory_space<vmem>>, %arg12: memref<128x64xf32, #tpu.memory_space<vmem>>, %arg13: memref<10112x64xf32, #tpu.memory_space<vmem_shared>>, %arg14: memref<!tpu.dma_semaphore, #tpu.memory_space<semaphore_mem>>, %arg15: memref<!tpu.dma_semaphore, #tpu.memory_space<semaphore_mem>>, %arg16: memref<!tpu.dma_semaphore, #tpu.memory_space<semaphore_mem>>, %arg17: memref<!tpu.dma_semaphore, #tpu.memory_space<semaphore_mem>>, %arg18: memref<!tpu.dma_semaphore, #tpu.memory_space<semaphore_mem>>, %arg19: memref<!tpu.dma_semaphore, #tpu.memory_space<semaphore_mem>>, %arg20: memref<!tpu.dma_semaphore, #tpu.memory_space<semaphore_mem>>, %arg21: memref<!tpu.dma_semaphore, #tpu.memory_space<semaphore_mem>>) attributes {dimension_semantics = [#tpu.dimension_semantics<core_parallel>, #tpu.dimension_semantics<subcore_parallel>], iteration_bounds = array<i64: 2, 16>, scalar_prefetch = 0 : i64, scratch_operands = 15 : i64, tpu.core_type = #tpu.core_type<sc_vector_subcore>, window_params = [{transform_indices = #map}, {transform_indices = #map1}, {transform_indices = #map1}, {transform_indices = #map1}, {transform_indices = #map}]} {
    %mul3A = arith.constant 632 : i32
    %mul3A_0 = arith.muli %arg1, %mul3A : i32
    %dma_start3A = arith.constant 0 : i32
    %dma_start3A_1 = tpu.memref_slice %arg13[%mul3A_0, %dma_start3A] : memref<10112x64xf32, #tpu.memory_space<vmem_shared>> -> memref<632x64xf32, #tpu.memory_space<vmem_shared>>
    tpu.enqueue_dma source(%arg5 : memref<632x64xf32, #tpu.memory_space<hbm>>) target(%dma_start3A_1 : memref<632x64xf32, #tpu.memory_space<vmem_shared>>) target_semaphore(%arg14 : memref<!tpu.dma_semaphore, #tpu.memory_space<semaphore_mem>>)
    %mul3A_2 = arith.constant 160 : i32
    %mul3A_3 = arith.muli %arg1, %mul3A_2 : i32
    %dma_start3A_4 = arith.constant 0 : i32
    %dma_start3A_5 = tpu.memref_slice %arg3[%mul3A_3, %dma_start3A_4] : memref<2560x128xi32, #tpu.memory_space<hbm>> -> memref<160x128xi32, #tpu.memory_space<hbm>>
    %dma_start3A_6 = arith.constant 0 : i32
    %dma_start3A_7 = tpu.memref_slice %arg3[%mul3A_3, %dma_start3A_6] : memref<2560x128xi32, #tpu.memory_space<hbm>> -> memref<160x128xi32, #tpu.memory_space<hbm>>
    tpu.enqueue_dma source(%dma_start3A_7 : memref<160x128xi32, #tpu.memory_space<hbm>>) target(%arg7 : memref<160x128xi32, #tpu.memory_space<vmem>>) target_semaphore(%arg15 : memref<!tpu.dma_semaphore, #tpu.memory_space<semaphore_mem>>)
    %mul3A_8 = arith.constant 160 : i32
    %mul3A_9 = arith.muli %arg1, %mul3A_8 : i32
    %dma_start3A_10 = arith.constant 0 : i32
    %dma_start3A_11 = tpu.memref_slice %arg4[%mul3A_9, %dma_start3A_10] : memref<2560x128xi32, #tpu.memory_space<hbm>> -> memref<160x128xi32, #tpu.memory_space<hbm>>
    %dma_start3A_12 = arith.constant 0 : i32
    %dma_start3A_13 = tpu.memref_slice %arg4[%mul3A_9, %dma_start3A_12] : memref<2560x128xi32, #tpu.memory_space<hbm>> -> memref<160x128xi32, #tpu.memory_space<hbm>>
    tpu.enqueue_dma source(%dma_start3A_13 : memref<160x128xi32, #tpu.memory_space<hbm>>) target(%arg8 : memref<160x128xi32, #tpu.memory_space<vmem>>) target_semaphore(%arg16 : memref<!tpu.dma_semaphore, #tpu.memory_space<semaphore_mem>>)
    %dma_wait3A = arith.constant 0 : i32
    %dma_wait3A_14 = tpu.memref_slice %arg13[%mul3A_0, %dma_wait3A] : memref<10112x64xf32, #tpu.memory_space<vmem_shared>> -> memref<632x64xf32, #tpu.memory_space<vmem_shared>>
    tpu.wait_dma2 semaphore(%arg14 : memref<!tpu.dma_semaphore, #tpu.memory_space<semaphore_mem>>) src(%arg5 : memref<632x64xf32, #tpu.memory_space<hbm>>) dst(%dma_wait3A_14 : memref<632x64xf32, #tpu.memory_space<vmem_shared>>)
    %dma_wait3A_15 = arith.constant 0 : i32
    %dma_wait3A_16 = tpu.memref_slice %arg3[%mul3A_3, %dma_wait3A_15] : memref<2560x128xi32, #tpu.memory_space<hbm>> -> memref<160x128xi32, #tpu.memory_space<hbm>>
    %dma_wait3A_17 = arith.constant 0 : i32
    %dma_wait3A_18 = tpu.memref_slice %arg3[%mul3A_3, %dma_wait3A_17] : memref<2560x128xi32, #tpu.memory_space<hbm>> -> memref<160x128xi32, #tpu.memory_space<hbm>>
    tpu.wait_dma2 semaphore(%arg15 : memref<!tpu.dma_semaphore, #tpu.memory_space<semaphore_mem>>) src(%dma_wait3A_18 : memref<160x128xi32, #tpu.memory_space<hbm>>) dst(%arg7 : memref<160x128xi32, #tpu.memory_space<vmem>>)
    %dma_wait3A_19 = arith.constant 0 : i32
    %dma_wait3A_20 = tpu.memref_slice %arg4[%mul3A_9, %dma_wait3A_19] : memref<2560x128xi32, #tpu.memory_space<hbm>> -> memref<160x128xi32, #tpu.memory_space<hbm>>
    %dma_wait3A_21 = arith.constant 0 : i32
    %dma_wait3A_22 = tpu.memref_slice %arg4[%mul3A_9, %dma_wait3A_21] : memref<2560x128xi32, #tpu.memory_space<hbm>> -> memref<160x128xi32, #tpu.memory_space<hbm>>
    tpu.wait_dma2 semaphore(%arg16 : memref<!tpu.dma_semaphore, #tpu.memory_space<semaphore_mem>>) src(%dma_wait3A_22 : memref<160x128xi32, #tpu.memory_space<hbm>>) dst(%arg8 : memref<160x128xi32, #tpu.memory_space<vmem>>)
    %barrier3A = arith.constant 0 : index
    tpu.barrier barrier_id(%barrier3A)
    %dma_start3A_23 = arith.constant 0 : i32
    %dma_start3A_24 = arith.constant 0 : i32
    %dma_start3A_25 = tpu.memref_slice %arg7[%dma_start3A_23, %dma_start3A_24] : memref<160x128xi32, #tpu.memory_space<vmem>> -> memref<1x128xi32, #tpu.memory_space<vmem>>
    %dma_start3A_26 = tpu.memref_squeeze %dma_start3A_25 : memref<1x128xi32, #tpu.memory_space<vmem>> -> memref<128xi32, #tpu.memory_space<vmem>>
    %dma_start3A_27 = arith.constant 0 : i32
    %dma_start3A_28 = arith.constant 0 : i32
    %dma_start3A_29 = tpu.memref_slice %arg2[%arg0, %dma_start3A_27, %dma_start3A_28] : memref<2x10000x64xf32, #tpu.memory_space<hbm>> -> memref<1x10000x64xf32, #tpu.memory_space<hbm>>
    %dma_start3A_30 = tpu.memref_squeeze %dma_start3A_29 : memref<1x10000x64xf32, #tpu.memory_space<hbm>> -> memref<10000x64xf32, #tpu.memory_space<hbm>>
    %dma_start3A_31 = arith.constant 0 : i32
    %dma_start3A_32 = arith.constant 0 : i32
    %dma_start3A_33 = tpu.memref_slice %dma_start3A_30[%dma_start3A_31, %dma_start3A_32] : memref<10000x64xf32, #tpu.memory_space<hbm>> -> memref<10000x64xf32, #tpu.memory_space<hbm>>
    tpu.enqueue_indirect_dma source(%dma_start3A_33 : memref<10000x64xf32, #tpu.memory_space<hbm>>) target(%arg9 : memref<128x64xf32, #tpu.memory_space<vmem>>) offsets(%dma_start3A_26 : memref<128xi32, #tpu.memory_space<vmem>>) semaphore(%arg14 : memref<!tpu.dma_semaphore, #tpu.memory_space<semaphore_mem>>)
    %dma_start3A_34 = arith.constant 1 : i32
    %dma_start3A_35 = arith.constant 0 : i32
    %dma_start3A_36 = tpu.memref_slice %arg7[%dma_start3A_34, %dma_start3A_35] : memref<160x128xi32, #tpu.memory_space<vmem>> -> memref<1x128xi32, #tpu.memory_space<vmem>>
    %dma_start3A_37 = tpu.memref_squeeze %dma_start3A_36 : memref<1x128xi32, #tpu.memory_space<vmem>> -> memref<128xi32, #tpu.memory_space<vmem>>
    %dma_start3A_38 = arith.constant 0 : i32
    %dma_start3A_39 = arith.constant 0 : i32
    %dma_start3A_40 = tpu.memref_slice %arg2[%arg0, %dma_start3A_38, %dma_start3A_39] : memref<2x10000x64xf32, #tpu.memory_space<hbm>> -> memref<1x10000x64xf32, #tpu.memory_space<hbm>>
    %dma_start3A_41 = tpu.memref_squeeze %dma_start3A_40 : memref<1x10000x64xf32, #tpu.memory_space<hbm>> -> memref<10000x64xf32, #tpu.memory_space<hbm>>
    %dma_start3A_42 = arith.constant 0 : i32
    %dma_start3A_43 = arith.constant 0 : i32
    %dma_start3A_44 = tpu.memref_slice %dma_start3A_41[%dma_start3A_42, %dma_start3A_43] : memref<10000x64xf32, #tpu.memory_space<hbm>> -> memref<10000x64xf32, #tpu.memory_space<hbm>>
    tpu.enqueue_indirect_dma source(%dma_start3A_44 : memref<10000x64xf32, #tpu.memory_space<hbm>>) target(%arg10 : memref<128x64xf32, #tpu.memory_space<vmem>>) offsets(%dma_start3A_37 : memref<128xi32, #tpu.memory_space<vmem>>) semaphore(%arg15 : memref<!tpu.dma_semaphore, #tpu.memory_space<semaphore_mem>>)
    %scan3A = arith.constant 0 : i32
    %scan3A_45 = arith.constant 40 : i32
    %scan3A_46 = arith.addi %scan3A, %scan3A_45 : i32
    %scan3A_47 = arith.constant 1 : i32
    scf.for %scan3A_68 = %scan3A to %scan3A_46 step %scan3A_47  : i32 {
      %mul3A_69 = arith.constant 4 : i32
      %mul3A_70 = arith.muli %scan3A_68, %mul3A_69 : i32
      %add3A = arith.constant 0 : i32
      %add3A_71 = arith.addi %add3A, %mul3A_70 : i32
      %add3A_72 = arith.constant 0 : i32
      %add3A_73 = arith.addi %add3A_71, %add3A_72 : i32
      %dma_wait3A_74 = arith.constant 0 : i32
      %dma_wait3A_75 = tpu.memref_slice %arg7[%add3A_73, %dma_wait3A_74] : memref<160x128xi32, #tpu.memory_space<vmem>> -> memref<1x128xi32, #tpu.memory_space<vmem>>
      %dma_wait3A_76 = tpu.memref_squeeze %dma_wait3A_75 : memref<1x128xi32, #tpu.memory_space<vmem>> -> memref<128xi32, #tpu.memory_space<vmem>>
      %dma_wait3A_77 = arith.constant 0 : i32
      %dma_wait3A_78 = arith.constant 0 : i32
      %dma_wait3A_79 = tpu.memref_slice %arg2[%arg0, %dma_wait3A_77, %dma_wait3A_78] : memref<2x10000x64xf32, #tpu.memory_space<hbm>> -> memref<1x10000x64xf32, #tpu.memory_space<hbm>>
      %dma_wait3A_80 = tpu.memref_squeeze %dma_wait3A_79 : memref<1x10000x64xf32, #tpu.memory_space<hbm>> -> memref<10000x64xf32, #tpu.memory_space<hbm>>
      %dma_wait3A_81 = arith.constant 0 : i32
      %dma_wait3A_82 = arith.constant 0 : i32
      %dma_wait3A_83 = tpu.memref_slice %dma_wait3A_80[%dma_wait3A_81, %dma_wait3A_82] : memref<10000x64xf32, #tpu.memory_space<hbm>> -> memref<10000x64xf32, #tpu.memory_space<hbm>>
      tpu.wait_indirect_dma semaphore(%arg14 : memref<!tpu.dma_semaphore, #tpu.memory_space<semaphore_mem>>) src(%dma_wait3A_83 : memref<10000x64xf32, #tpu.memory_space<hbm>>) dst(%arg9 : memref<128x64xf32, #tpu.memory_space<vmem>>)
      %dma_start3A_84 = arith.constant 0 : i32
      %dma_start3A_85 = tpu.memref_slice %arg8[%add3A_73, %dma_start3A_84] : memref<160x128xi32, #tpu.memory_space<vmem>> -> memref<1x128xi32, #tpu.memory_space<vmem>>
      %dma_start3A_86 = tpu.memref_squeeze %dma_start3A_85 : memref<1x128xi32, #tpu.memory_space<vmem>> -> memref<128xi32, #tpu.memory_space<vmem>>
      %dma_start3A_87 = arith.constant 0 : i32
      %dma_start3A_88 = arith.constant 0 : i32
      %dma_start3A_89 = tpu.memref_slice %arg13[%dma_start3A_87, %dma_start3A_88] : memref<10112x64xf32, #tpu.memory_space<vmem_shared>> -> memref<10112x64xf32, #tpu.memory_space<vmem_shared>>
      tpu.enqueue_indirect_dma source(%arg9 : memref<128x64xf32, #tpu.memory_space<vmem>>) target(%dma_start3A_89 : memref<10112x64xf32, #tpu.memory_space<vmem_shared>>) offsets(%dma_start3A_86 : memref<128xi32, #tpu.memory_space<vmem>>) semaphore(%arg18 : memref<!tpu.dma_semaphore, #tpu.memory_space<semaphore_mem>>) {add = true}
      %ge3A = arith.constant 2 : i32
      %ge3A_90 = arith.cmpi sge, %add3A_73, %ge3A : i32
      %convert_element_type3A = arith.extui %ge3A_90 : i1 to i32
      %cond3A = arith.constant 0 : i32
      %cond3A_91 = arith.cmpi ne, %convert_element_type3A, %cond3A : i32
      scf.if %cond3A_91 {
        %sub3A = arith.constant 2 : i32
        %sub3A_188 = arith.subi %add3A_73, %sub3A : i32
        %dma_wait3A_189 = arith.constant 0 : i32
        %dma_wait3A_190 = tpu.memref_slice %arg8[%sub3A_188, %dma_wait3A_189] : memref<160x128xi32, #tpu.memory_space<vmem>> -> memref<1x128xi32, #tpu.memory_space<vmem>>
        %dma_wait3A_191 = tpu.memref_squeeze %dma_wait3A_190 : memref<1x128xi32, #tpu.memory_space<vmem>> -> memref<128xi32, #tpu.memory_space<vmem>>
        %dma_wait3A_192 = arith.constant 0 : i32
        %dma_wait3A_193 = arith.constant 0 : i32
        %dma_wait3A_194 = tpu.memref_slice %arg13[%dma_wait3A_192, %dma_wait3A_193] : memref<10112x64xf32, #tpu.memory_space<vmem_shared>> -> memref<10112x64xf32, #tpu.memory_space<vmem_shared>>
        tpu.wait_indirect_dma semaphore(%arg20 : memref<!tpu.dma_semaphore, #tpu.memory_space<semaphore_mem>>) src(%arg11 : memref<128x64xf32, #tpu.memory_space<vmem>>) dst(%dma_wait3A_194 : memref<10112x64xf32, #tpu.memory_space<vmem_shared>>)
      } else {
      }
      %add3A_92 = arith.constant 2 : i32
      %add3A_93 = arith.addi %add3A_73, %add3A_92 : i32
      %lt3A = arith.constant 160 : i32
      %lt3A_94 = arith.cmpi slt, %add3A_93, %lt3A : i32
      %convert_element_type3A_95 = arith.extui %lt3A_94 : i1 to i32
      %cond3A_96 = arith.constant 0 : i32
      %cond3A_97 = arith.cmpi ne, %convert_element_type3A_95, %cond3A_96 : i32
      scf.if %cond3A_97 {
        %add3A_188 = arith.constant 2 : i32
        %add3A_189 = arith.addi %add3A_73, %add3A_188 : i32
        %dma_start3A_190 = arith.constant 0 : i32
        %dma_start3A_191 = tpu.memref_slice %arg7[%add3A_189, %dma_start3A_190] : memref<160x128xi32, #tpu.memory_space<vmem>> -> memref<1x128xi32, #tpu.memory_space<vmem>>
        %dma_start3A_192 = tpu.memref_squeeze %dma_start3A_191 : memref<1x128xi32, #tpu.memory_space<vmem>> -> memref<128xi32, #tpu.memory_space<vmem>>
        %dma_start3A_193 = arith.constant 0 : i32
        %dma_start3A_194 = arith.constant 0 : i32
        %dma_start3A_195 = tpu.memref_slice %arg2[%arg0, %dma_start3A_193, %dma_start3A_194] : memref<2x10000x64xf32, #tpu.memory_space<hbm>> -> memref<1x10000x64xf32, #tpu.memory_space<hbm>>
        %dma_start3A_196 = tpu.memref_squeeze %dma_start3A_195 : memref<1x10000x64xf32, #tpu.memory_space<hbm>> -> memref<10000x64xf32, #tpu.memory_space<hbm>>
        %dma_start3A_197 = arith.constant 0 : i32
        %dma_start3A_198 = arith.constant 0 : i32
        %dma_start3A_199 = tpu.memref_slice %dma_start3A_196[%dma_start3A_197, %dma_start3A_198] : memref<10000x64xf32, #tpu.memory_space<hbm>> -> memref<10000x64xf32, #tpu.memory_space<hbm>>
        tpu.enqueue_indirect_dma source(%dma_start3A_199 : memref<10000x64xf32, #tpu.memory_space<hbm>>) target(%arg11 : memref<128x64xf32, #tpu.memory_space<vmem>>) offsets(%dma_start3A_192 : memref<128xi32, #tpu.memory_space<vmem>>) semaphore(%arg16 : memref<!tpu.dma_semaphore, #tpu.memory_space<semaphore_mem>>)
      } else {
      }
      %add3A_98 = arith.constant 1 : i32
      %add3A_99 = arith.addi %add3A_71, %add3A_98 : i32
      %dma_wait3A_100 = arith.constant 0 : i32
      %dma_wait3A_101 = tpu.memref_slice %arg7[%add3A_99, %dma_wait3A_100] : memref<160x128xi32, #tpu.memory_space<vmem>> -> memref<1x128xi32, #tpu.memory_space<vmem>>
      %dma_wait3A_102 = tpu.memref_squeeze %dma_wait3A_101 : memref<1x128xi32, #tpu.memory_space<vmem>> -> memref<128xi32, #tpu.memory_space<vmem>>
      %dma_wait3A_103 = arith.constant 0 : i32
      %dma_wait3A_104 = arith.constant 0 : i32
      %dma_wait3A_105 = tpu.memref_slice %arg2[%arg0, %dma_wait3A_103, %dma_wait3A_104] : memref<2x10000x64xf32, #tpu.memory_space<hbm>> -> memref<1x10000x64xf32, #tpu.memory_space<hbm>>
      %dma_wait3A_106 = tpu.memref_squeeze %dma_wait3A_105 : memref<1x10000x64xf32, #tpu.memory_space<hbm>> -> memref<10000x64xf32, #tpu.memory_space<hbm>>
      %dma_wait3A_107 = arith.constant 0 : i32
      %dma_wait3A_108 = arith.constant 0 : i32
      %dma_wait3A_109 = tpu.memref_slice %dma_wait3A_106[%dma_wait3A_107, %dma_wait3A_108] : memref<10000x64xf32, #tpu.memory_space<hbm>> -> memref<10000x64xf32, #tpu.memory_space<hbm>>
      tpu.wait_indirect_dma semaphore(%arg15 : memref<!tpu.dma_semaphore, #tpu.memory_space<semaphore_mem>>) src(%dma_wait3A_109 : memref<10000x64xf32, #tpu.memory_space<hbm>>) dst(%arg10 : memref<128x64xf32, #tpu.memory_space<vmem>>)
      %dma_start3A_110 = arith.constant 0 : i32
      %dma_start3A_111 = tpu.memref_slice %arg8[%add3A_99, %dma_start3A_110] : memref<160x128xi32, #tpu.memory_space<vmem>> -> memref<1x128xi32, #tpu.memory_space<vmem>>
      %dma_start3A_112 = tpu.memref_squeeze %dma_start3A_111 : memref<1x128xi32, #tpu.memory_space<vmem>> -> memref<128xi32, #tpu.memory_space<vmem>>
      %dma_start3A_113 = arith.constant 0 : i32
      %dma_start3A_114 = arith.constant 0 : i32
      %dma_start3A_115 = tpu.memref_slice %arg13[%dma_start3A_113, %dma_start3A_114] : memref<10112x64xf32, #tpu.memory_space<vmem_shared>> -> memref<10112x64xf32, #tpu.memory_space<vmem_shared>>
      tpu.enqueue_indirect_dma source(%arg10 : memref<128x64xf32, #tpu.memory_space<vmem>>) target(%dma_start3A_115 : memref<10112x64xf32, #tpu.memory_space<vmem_shared>>) offsets(%dma_start3A_112 : memref<128xi32, #tpu.memory_space<vmem>>) semaphore(%arg19 : memref<!tpu.dma_semaphore, #tpu.memory_space<semaphore_mem>>) {add = true}
      %ge3A_116 = arith.constant 2 : i32
      %ge3A_117 = arith.cmpi sge, %add3A_99, %ge3A_116 : i32
      %convert_element_type3A_118 = arith.extui %ge3A_117 : i1 to i32
      %cond3A_119 = arith.constant 0 : i32
      %cond3A_120 = arith.cmpi ne, %convert_element_type3A_118, %cond3A_119 : i32
      scf.if %cond3A_120 {
        %sub3A = arith.constant 2 : i32
        %sub3A_188 = arith.subi %add3A_99, %sub3A : i32
        %dma_wait3A_189 = arith.constant 0 : i32
        %dma_wait3A_190 = tpu.memref_slice %arg8[%sub3A_188, %dma_wait3A_189] : memref<160x128xi32, #tpu.memory_space<vmem>> -> memref<1x128xi32, #tpu.memory_space<vmem>>
        %dma_wait3A_191 = tpu.memref_squeeze %dma_wait3A_190 : memref<1x128xi32, #tpu.memory_space<vmem>> -> memref<128xi32, #tpu.memory_space<vmem>>
        %dma_wait3A_192 = arith.constant 0 : i32
        %dma_wait3A_193 = arith.constant 0 : i32
        %dma_wait3A_194 = tpu.memref_slice %arg13[%dma_wait3A_192, %dma_wait3A_193] : memref<10112x64xf32, #tpu.memory_space<vmem_shared>> -> memref<10112x64xf32, #tpu.memory_space<vmem_shared>>
        tpu.wait_indirect_dma semaphore(%arg21 : memref<!tpu.dma_semaphore, #tpu.memory_space<semaphore_mem>>) src(%arg12 : memref<128x64xf32, #tpu.memory_space<vmem>>) dst(%dma_wait3A_194 : memref<10112x64xf32, #tpu.memory_space<vmem_shared>>)
      } else {
      }
      %add3A_121 = arith.constant 2 : i32
      %add3A_122 = arith.addi %add3A_99, %add3A_121 : i32
      %lt3A_123 = arith.constant 160 : i32
      %lt3A_124 = arith.cmpi slt, %add3A_122, %lt3A_123 : i32
      %convert_element_type3A_125 = arith.extui %lt3A_124 : i1 to i32
      %cond3A_126 = arith.constant 0 : i32
      %cond3A_127 = arith.cmpi ne, %convert_element_type3A_125, %cond3A_126 : i32
      scf.if %cond3A_127 {
        %add3A_188 = arith.constant 2 : i32
        %add3A_189 = arith.addi %add3A_99, %add3A_188 : i32
        %dma_start3A_190 = arith.constant 0 : i32
        %dma_start3A_191 = tpu.memref_slice %arg7[%add3A_189, %dma_start3A_190] : memref<160x128xi32, #tpu.memory_space<vmem>> -> memref<1x128xi32, #tpu.memory_space<vmem>>
        %dma_start3A_192 = tpu.memref_squeeze %dma_start3A_191 : memref<1x128xi32, #tpu.memory_space<vmem>> -> memref<128xi32, #tpu.memory_space<vmem>>
        %dma_start3A_193 = arith.constant 0 : i32
        %dma_start3A_194 = arith.constant 0 : i32
        %dma_start3A_195 = tpu.memref_slice %arg2[%arg0, %dma_start3A_193, %dma_start3A_194] : memref<2x10000x64xf32, #tpu.memory_space<hbm>> -> memref<1x10000x64xf32, #tpu.memory_space<hbm>>
        %dma_start3A_196 = tpu.memref_squeeze %dma_start3A_195 : memref<1x10000x64xf32, #tpu.memory_space<hbm>> -> memref<10000x64xf32, #tpu.memory_space<hbm>>
        %dma_start3A_197 = arith.constant 0 : i32
        %dma_start3A_198 = arith.constant 0 : i32
        %dma_start3A_199 = tpu.memref_slice %dma_start3A_196[%dma_start3A_197, %dma_start3A_198] : memref<10000x64xf32, #tpu.memory_space<hbm>> -> memref<10000x64xf32, #tpu.memory_space<hbm>>
        tpu.enqueue_indirect_dma source(%dma_start3A_199 : memref<10000x64xf32, #tpu.memory_space<hbm>>) target(%arg12 : memref<128x64xf32, #tpu.memory_space<vmem>>) offsets(%dma_start3A_192 : memref<128xi32, #tpu.memory_space<vmem>>) semaphore(%arg17 : memref<!tpu.dma_semaphore, #tpu.memory_space<semaphore_mem>>)
      } else {
      }
      %add3A_128 = arith.constant 2 : i32
      %add3A_129 = arith.addi %add3A_71, %add3A_128 : i32
      %dma_wait3A_130 = arith.constant 0 : i32
      %dma_wait3A_131 = tpu.memref_slice %arg7[%add3A_129, %dma_wait3A_130] : memref<160x128xi32, #tpu.memory_space<vmem>> -> memref<1x128xi32, #tpu.memory_space<vmem>>
      %dma_wait3A_132 = tpu.memref_squeeze %dma_wait3A_131 : memref<1x128xi32, #tpu.memory_space<vmem>> -> memref<128xi32, #tpu.memory_space<vmem>>
      %dma_wait3A_133 = arith.constant 0 : i32
      %dma_wait3A_134 = arith.constant 0 : i32
      %dma_wait3A_135 = tpu.memref_slice %arg2[%arg0, %dma_wait3A_133, %dma_wait3A_134] : memref<2x10000x64xf32, #tpu.memory_space<hbm>> -> memref<1x10000x64xf32, #tpu.memory_space<hbm>>
      %dma_wait3A_136 = tpu.memref_squeeze %dma_wait3A_135 : memref<1x10000x64xf32, #tpu.memory_space<hbm>> -> memref<10000x64xf32, #tpu.memory_space<hbm>>
      %dma_wait3A_137 = arith.constant 0 : i32
      %dma_wait3A_138 = arith.constant 0 : i32
      %dma_wait3A_139 = tpu.memref_slice %dma_wait3A_136[%dma_wait3A_137, %dma_wait3A_138] : memref<10000x64xf32, #tpu.memory_space<hbm>> -> memref<10000x64xf32, #tpu.memory_space<hbm>>
      tpu.wait_indirect_dma semaphore(%arg16 : memref<!tpu.dma_semaphore, #tpu.memory_space<semaphore_mem>>) src(%dma_wait3A_139 : memref<10000x64xf32, #tpu.memory_space<hbm>>) dst(%arg11 : memref<128x64xf32, #tpu.memory_space<vmem>>)
      %dma_start3A_140 = arith.constant 0 : i32
      %dma_start3A_141 = tpu.memref_slice %arg8[%add3A_129, %dma_start3A_140] : memref<160x128xi32, #tpu.memory_space<vmem>> -> memref<1x128xi32, #tpu.memory_space<vmem>>
      %dma_start3A_142 = tpu.memref_squeeze %dma_start3A_141 : memref<1x128xi32, #tpu.memory_space<vmem>> -> memref<128xi32, #tpu.memory_space<vmem>>
      %dma_start3A_143 = arith.constant 0 : i32
      %dma_start3A_144 = arith.constant 0 : i32
      %dma_start3A_145 = tpu.memref_slice %arg13[%dma_start3A_143, %dma_start3A_144] : memref<10112x64xf32, #tpu.memory_space<vmem_shared>> -> memref<10112x64xf32, #tpu.memory_space<vmem_shared>>
      tpu.enqueue_indirect_dma source(%arg11 : memref<128x64xf32, #tpu.memory_space<vmem>>) target(%dma_start3A_145 : memref<10112x64xf32, #tpu.memory_space<vmem_shared>>) offsets(%dma_start3A_142 : memref<128xi32, #tpu.memory_space<vmem>>) semaphore(%arg20 : memref<!tpu.dma_semaphore, #tpu.memory_space<semaphore_mem>>) {add = true}
      %ge3A_146 = arith.constant 2 : i32
      %ge3A_147 = arith.cmpi sge, %add3A_129, %ge3A_146 : i32
      %convert_element_type3A_148 = arith.extui %ge3A_147 : i1 to i32
      %cond3A_149 = arith.constant 0 : i32
      %cond3A_150 = arith.cmpi ne, %convert_element_type3A_148, %cond3A_149 : i32
      scf.if %cond3A_150 {
        %sub3A = arith.constant 2 : i32
        %sub3A_188 = arith.subi %add3A_129, %sub3A : i32
        %dma_wait3A_189 = arith.constant 0 : i32
        %dma_wait3A_190 = tpu.memref_slice %arg8[%sub3A_188, %dma_wait3A_189] : memref<160x128xi32, #tpu.memory_space<vmem>> -> memref<1x128xi32, #tpu.memory_space<vmem>>
        %dma_wait3A_191 = tpu.memref_squeeze %dma_wait3A_190 : memref<1x128xi32, #tpu.memory_space<vmem>> -> memref<128xi32, #tpu.memory_space<vmem>>
        %dma_wait3A_192 = arith.constant 0 : i32
        %dma_wait3A_193 = arith.constant 0 : i32
        %dma_wait3A_194 = tpu.memref_slice %arg13[%dma_wait3A_192, %dma_wait3A_193] : memref<10112x64xf32, #tpu.memory_space<vmem_shared>> -> memref<10112x64xf32, #tpu.memory_space<vmem_shared>>
        tpu.wait_indirect_dma semaphore(%arg18 : memref<!tpu.dma_semaphore, #tpu.memory_space<semaphore_mem>>) src(%arg9 : memref<128x64xf32, #tpu.memory_space<vmem>>) dst(%dma_wait3A_194 : memref<10112x64xf32, #tpu.memory_space<vmem_shared>>)
      } else {
      }
      %add3A_151 = arith.constant 2 : i32
      %add3A_152 = arith.addi %add3A_129, %add3A_151 : i32
      %lt3A_153 = arith.constant 160 : i32
      %lt3A_154 = arith.cmpi slt, %add3A_152, %lt3A_153 : i32
      %convert_element_type3A_155 = arith.extui %lt3A_154 : i1 to i32
      %cond3A_156 = arith.constant 0 : i32
      %cond3A_157 = arith.cmpi ne, %convert_element_type3A_155, %cond3A_156 : i32
      scf.if %cond3A_157 {
        %add3A_188 = arith.constant 2 : i32
        %add3A_189 = arith.addi %add3A_129, %add3A_188 : i32
        %dma_start3A_190 = arith.constant 0 : i32
        %dma_start3A_191 = tpu.memref_slice %arg7[%add3A_189, %dma_start3A_190] : memref<160x128xi32, #tpu.memory_space<vmem>> -> memref<1x128xi32, #tpu.memory_space<vmem>>
        %dma_start3A_192 = tpu.memref_squeeze %dma_start3A_191 : memref<1x128xi32, #tpu.memory_space<vmem>> -> memref<128xi32, #tpu.memory_space<vmem>>
        %dma_start3A_193 = arith.constant 0 : i32
        %dma_start3A_194 = arith.constant 0 : i32
        %dma_start3A_195 = tpu.memref_slice %arg2[%arg0, %dma_start3A_193, %dma_start3A_194] : memref<2x10000x64xf32, #tpu.memory_space<hbm>> -> memref<1x10000x64xf32, #tpu.memory_space<hbm>>
        %dma_start3A_196 = tpu.memref_squeeze %dma_start3A_195 : memref<1x10000x64xf32, #tpu.memory_space<hbm>> -> memref<10000x64xf32, #tpu.memory_space<hbm>>
        %dma_start3A_197 = arith.constant 0 : i32
        %dma_start3A_198 = arith.constant 0 : i32
        %dma_start3A_199 = tpu.memref_slice %dma_start3A_196[%dma_start3A_197, %dma_start3A_198] : memref<10000x64xf32, #tpu.memory_space<hbm>> -> memref<10000x64xf32, #tpu.memory_space<hbm>>
        tpu.enqueue_indirect_dma source(%dma_start3A_199 : memref<10000x64xf32, #tpu.memory_space<hbm>>) target(%arg9 : memref<128x64xf32, #tpu.memory_space<vmem>>) offsets(%dma_start3A_192 : memref<128xi32, #tpu.memory_space<vmem>>) semaphore(%arg14 : memref<!tpu.dma_semaphore, #tpu.memory_space<semaphore_mem>>)
      } else {
      }
      %add3A_158 = arith.constant 3 : i32
      %add3A_159 = arith.addi %add3A_71, %add3A_158 : i32
      %dma_wait3A_160 = arith.constant 0 : i32
      %dma_wait3A_161 = tpu.memref_slice %arg7[%add3A_159, %dma_wait3A_160] : memref<160x128xi32, #tpu.memory_space<vmem>> -> memref<1x128xi32, #tpu.memory_space<vmem>>
      %dma_wait3A_162 = tpu.memref_squeeze %dma_wait3A_161 : memref<1x128xi32, #tpu.memory_space<vmem>> -> memref<128xi32, #tpu.memory_space<vmem>>
      %dma_wait3A_163 = arith.constant 0 : i32
      %dma_wait3A_164 = arith.constant 0 : i32
      %dma_wait3A_165 = tpu.memref_slice %arg2[%arg0, %dma_wait3A_163, %dma_wait3A_164] : memref<2x10000x64xf32, #tpu.memory_space<hbm>> -> memref<1x10000x64xf32, #tpu.memory_space<hbm>>
      %dma_wait3A_166 = tpu.memref_squeeze %dma_wait3A_165 : memref<1x10000x64xf32, #tpu.memory_space<hbm>> -> memref<10000x64xf32, #tpu.memory_space<hbm>>
      %dma_wait3A_167 = arith.constant 0 : i32
      %dma_wait3A_168 = arith.constant 0 : i32
      %dma_wait3A_169 = tpu.memref_slice %dma_wait3A_166[%dma_wait3A_167, %dma_wait3A_168] : memref<10000x64xf32, #tpu.memory_space<hbm>> -> memref<10000x64xf32, #tpu.memory_space<hbm>>
      tpu.wait_indirect_dma semaphore(%arg17 : memref<!tpu.dma_semaphore, #tpu.memory_space<semaphore_mem>>) src(%dma_wait3A_169 : memref<10000x64xf32, #tpu.memory_space<hbm>>) dst(%arg12 : memref<128x64xf32, #tpu.memory_space<vmem>>)
      %dma_start3A_170 = arith.constant 0 : i32
      %dma_start3A_171 = tpu.memref_slice %arg8[%add3A_159, %dma_start3A_170] : memref<160x128xi32, #tpu.memory_space<vmem>> -> memref<1x128xi32, #tpu.memory_space<vmem>>
      %dma_start3A_172 = tpu.memref_squeeze %dma_start3A_171 : memref<1x128xi32, #tpu.memory_space<vmem>> -> memref<128xi32, #tpu.memory_space<vmem>>
      %dma_start3A_173 = arith.constant 0 : i32
      %dma_start3A_174 = arith.constant 0 : i32
      %dma_start3A_175 = tpu.memref_slice %arg13[%dma_start3A_173, %dma_start3A_174] : memref<10112x64xf32, #tpu.memory_space<vmem_shared>> -> memref<10112x64xf32, #tpu.memory_space<vmem_shared>>
      tpu.enqueue_indirect_dma source(%arg12 : memref<128x64xf32, #tpu.memory_space<vmem>>) target(%dma_start3A_175 : memref<10112x64xf32, #tpu.memory_space<vmem_shared>>) offsets(%dma_start3A_172 : memref<128xi32, #tpu.memory_space<vmem>>) semaphore(%arg21 : memref<!tpu.dma_semaphore, #tpu.memory_space<semaphore_mem>>) {add = true}
      %ge3A_176 = arith.constant 2 : i32
      %ge3A_177 = arith.cmpi sge, %add3A_159, %ge3A_176 : i32
      %convert_element_type3A_178 = arith.extui %ge3A_177 : i1 to i32
      %cond3A_179 = arith.constant 0 : i32
      %cond3A_180 = arith.cmpi ne, %convert_element_type3A_178, %cond3A_179 : i32
      scf.if %cond3A_180 {
        %sub3A = arith.constant 2 : i32
        %sub3A_188 = arith.subi %add3A_159, %sub3A : i32
        %dma_wait3A_189 = arith.constant 0 : i32
        %dma_wait3A_190 = tpu.memref_slice %arg8[%sub3A_188, %dma_wait3A_189] : memref<160x128xi32, #tpu.memory_space<vmem>> -> memref<1x128xi32, #tpu.memory_space<vmem>>
        %dma_wait3A_191 = tpu.memref_squeeze %dma_wait3A_190 : memref<1x128xi32, #tpu.memory_space<vmem>> -> memref<128xi32, #tpu.memory_space<vmem>>
        %dma_wait3A_192 = arith.constant 0 : i32
        %dma_wait3A_193 = arith.constant 0 : i32
        %dma_wait3A_194 = tpu.memref_slice %arg13[%dma_wait3A_192, %dma_wait3A_193] : memref<10112x64xf32, #tpu.memory_space<vmem_shared>> -> memref<10112x64xf32, #tpu.memory_space<vmem_shared>>
        tpu.wait_indirect_dma semaphore(%arg19 : memref<!tpu.dma_semaphore, #tpu.memory_space<semaphore_mem>>) src(%arg10 : memref<128x64xf32, #tpu.memory_space<vmem>>) dst(%dma_wait3A_194 : memref<10112x64xf32, #tpu.memory_space<vmem_shared>>)
      } else {
      }
      %add3A_181 = arith.constant 2 : i32
      %add3A_182 = arith.addi %add3A_159, %add3A_181 : i32
      %lt3A_183 = arith.constant 160 : i32
      %lt3A_184 = arith.cmpi slt, %add3A_182, %lt3A_183 : i32
      %convert_element_type3A_185 = arith.extui %lt3A_184 : i1 to i32
      %cond3A_186 = arith.constant 0 : i32
      %cond3A_187 = arith.cmpi ne, %convert_element_type3A_185, %cond3A_186 : i32
      scf.if %cond3A_187 {
        %add3A_188 = arith.constant 2 : i32
        %add3A_189 = arith.addi %add3A_159, %add3A_188 : i32
        %dma_start3A_190 = arith.constant 0 : i32
        %dma_start3A_191 = tpu.memref_slice %arg7[%add3A_189, %dma_start3A_190] : memref<160x128xi32, #tpu.memory_space<vmem>> -> memref<1x128xi32, #tpu.memory_space<vmem>>
        %dma_start3A_192 = tpu.memref_squeeze %dma_start3A_191 : memref<1x128xi32, #tpu.memory_space<vmem>> -> memref<128xi32, #tpu.memory_space<vmem>>
        %dma_start3A_193 = arith.constant 0 : i32
        %dma_start3A_194 = arith.constant 0 : i32
        %dma_start3A_195 = tpu.memref_slice %arg2[%arg0, %dma_start3A_193, %dma_start3A_194] : memref<2x10000x64xf32, #tpu.memory_space<hbm>> -> memref<1x10000x64xf32, #tpu.memory_space<hbm>>
        %dma_start3A_196 = tpu.memref_squeeze %dma_start3A_195 : memref<1x10000x64xf32, #tpu.memory_space<hbm>> -> memref<10000x64xf32, #tpu.memory_space<hbm>>
        %dma_start3A_197 = arith.constant 0 : i32
        %dma_start3A_198 = arith.constant 0 : i32
        %dma_start3A_199 = tpu.memref_slice %dma_start3A_196[%dma_start3A_197, %dma_start3A_198] : memref<10000x64xf32, #tpu.memory_space<hbm>> -> memref<10000x64xf32, #tpu.memory_space<hbm>>
        tpu.enqueue_indirect_dma source(%dma_start3A_199 : memref<10000x64xf32, #tpu.memory_space<hbm>>) target(%arg10 : memref<128x64xf32, #tpu.memory_space<vmem>>) offsets(%dma_start3A_192 : memref<128xi32, #tpu.memory_space<vmem>>) semaphore(%arg15 : memref<!tpu.dma_semaphore, #tpu.memory_space<semaphore_mem>>)
      } else {
      }
    }
    %scan3A_48 = arith.constant 40 : i32
    %dma_wait3A_49 = arith.constant 158 : i32
    %dma_wait3A_50 = arith.constant 0 : i32
    %dma_wait3A_51 = tpu.memref_slice %arg8[%dma_wait3A_49, %dma_wait3A_50] : memref<160x128xi32, #tpu.memory_space<vmem>> -> memref<1x128xi32, #tpu.memory_space<vmem>>
    %dma_wait3A_52 = tpu.memref_squeeze %dma_wait3A_51 : memref<1x128xi32, #tpu.memory_space<vmem>> -> memref<128xi32, #tpu.memory_space<vmem>>
    %dma_wait3A_53 = arith.constant 0 : i32
    %dma_wait3A_54 = arith.constant 0 : i32
    %dma_wait3A_55 = tpu.memref_slice %arg13[%dma_wait3A_53, %dma_wait3A_54] : memref<10112x64xf32, #tpu.memory_space<vmem_shared>> -> memref<10112x64xf32, #tpu.memory_space<vmem_shared>>
    tpu.wait_indirect_dma semaphore(%arg20 : memref<!tpu.dma_semaphore, #tpu.memory_space<semaphore_mem>>) src(%arg11 : memref<128x64xf32, #tpu.memory_space<vmem>>) dst(%dma_wait3A_55 : memref<10112x64xf32, #tpu.memory_space<vmem_shared>>)
    %dma_wait3A_56 = arith.constant 159 : i32
    %dma_wait3A_57 = arith.constant 0 : i32
    %dma_wait3A_58 = tpu.memref_slice %arg8[%dma_wait3A_56, %dma_wait3A_57] : memref<160x128xi32, #tpu.memory_space<vmem>> -> memref<1x128xi32, #tpu.memory_space<vmem>>
    %dma_wait3A_59 = tpu.memref_squeeze %dma_wait3A_58 : memref<1x128xi32, #tpu.memory_space<vmem>> -> memref<128xi32, #tpu.memory_space<vmem>>
    %dma_wait3A_60 = arith.constant 0 : i32
    %dma_wait3A_61 = arith.constant 0 : i32
    %dma_wait3A_62 = tpu.memref_slice %arg13[%dma_wait3A_60, %dma_wait3A_61] : memref<10112x64xf32, #tpu.memory_space<vmem_shared>> -> memref<10112x64xf32, #tpu.memory_space<vmem_shared>>
    tpu.wait_indirect_dma semaphore(%arg21 : memref<!tpu.dma_semaphore, #tpu.memory_space<semaphore_mem>>) src(%arg12 : memref<128x64xf32, #tpu.memory_space<vmem>>) dst(%dma_wait3A_62 : memref<10112x64xf32, #tpu.memory_space<vmem_shared>>)
    %barrier3A_63 = arith.constant 0 : index
    tpu.barrier barrier_id(%barrier3A_63)
    %mul3A_64 = arith.constant 632 : i32
    %mul3A_65 = arith.muli %arg1, %mul3A_64 : i32
    %mul3A_66 = arith.constant 632 : i32
    %mul3A_67 = arith.muli %arg1, %mul3A_66 : i32
    "tpu.region"() ({
      %run_scoped3A = tpu.sem_alloc : memref<!tpu.dma_semaphore, #tpu.memory_space<semaphore_mem>>
      %dma_start3A_68 = arith.constant 0 : i32
      %dma_start3A_69 = arith.constant 0 : i32
      %dma_start3A_70 = tpu.memref_slice %arg6[%arg0, %dma_start3A_68, %dma_start3A_69] : memref<2x10112x64xf32, #tpu.memory_space<hbm>> -> memref<1x10112x64xf32, #tpu.memory_space<hbm>>
      %dma_start3A_71 = tpu.memref_squeeze %dma_start3A_70 : memref<1x10112x64xf32, #tpu.memory_space<hbm>> -> memref<10112x64xf32, #tpu.memory_space<hbm>>
      %dma_start3A_72 = arith.constant 0 : i32
      %dma_start3A_73 = tpu.memref_slice %dma_start3A_71[%mul3A_67, %dma_start3A_72] : memref<10112x64xf32, #tpu.memory_space<hbm>> -> memref<632x64xf32, #tpu.memory_space<hbm>>
      %dma_start3A_74 = arith.constant 0 : i32
      %dma_start3A_75 = tpu.memref_slice %arg13[%mul3A_65, %dma_start3A_74] : memref<10112x64xf32, #tpu.memory_space<vmem_shared>> -> memref<632x64xf32, #tpu.memory_space<vmem_shared>>
      tpu.enqueue_dma source(%dma_start3A_75 : memref<632x64xf32, #tpu.memory_space<vmem_shared>>) target(%dma_start3A_73 : memref<632x64xf32, #tpu.memory_space<hbm>>) target_semaphore(%run_scoped3A : memref<!tpu.dma_semaphore, #tpu.memory_space<semaphore_mem>>)
      %dma_wait3A_76 = arith.constant 0 : i32
      %dma_wait3A_77 = arith.constant 0 : i32
      %dma_wait3A_78 = tpu.memref_slice %arg6[%arg0, %dma_wait3A_76, %dma_wait3A_77] : memref<2x10112x64xf32, #tpu.memory_space<hbm>> -> memref<1x10112x64xf32, #tpu.memory_space<hbm>>
      %dma_wait3A_79 = tpu.memref_squeeze %dma_wait3A_78 : memref<1x10112x64xf32, #tpu.memory_space<hbm>> -> memref<10112x64xf32, #tpu.memory_space<hbm>>
      %dma_wait3A_80 = arith.constant 0 : i32
      %dma_wait3A_81 = tpu.memref_slice %dma_wait3A_79[%mul3A_67, %dma_wait3A_80] : memref<10112x64xf32, #tpu.memory_space<hbm>> -> memref<632x64xf32, #tpu.memory_space<hbm>>
      %dma_wait3A_82 = arith.constant 0 : i32
      %dma_wait3A_83 = tpu.memref_slice %arg13[%mul3A_65, %dma_wait3A_82] : memref<10112x64xf32, #tpu.memory_space<vmem_shared>> -> memref<632x64xf32, #tpu.memory_space<vmem_shared>>
      tpu.wait_dma2 semaphore(%run_scoped3A : memref<!tpu.dma_semaphore, #tpu.memory_space<semaphore_mem>>) src(%dma_wait3A_83 : memref<632x64xf32, #tpu.memory_space<vmem_shared>>) dst(%dma_wait3A_81 : memref<632x64xf32, #tpu.memory_space<hbm>>)
      tpu.yield
    }) : () -> ()
    return
  }
}

#map = affine_map<(d0, d1) -> (0, 0, 0)>
#map1 = affine_map<(d0, d1) -> (0, 0)>
module attributes {stable_mosaic.version = 14 : i64} {
  func.func @_sc_scatter(%arg0: i32, %arg1: i32, %arg2: memref<2x10000x64xf32, #tpu.memory_space<hbm>>, %arg3: memref<2560x128xi32, #tpu.memory_space<hbm>>, %arg4: memref<2560x128xi32, #tpu.memory_space<hbm>>, %arg5: memref<632x64xf32, #tpu.memory_space<hbm>>, %arg6: memref<2x10112x64xf32, #tpu.memory_space<hbm>>, %arg7: memref<160x128xi32, #tpu.memory_space<vmem>>, %arg8: memref<160x128xi32, #tpu.memory_space<vmem>>, %arg9: memref<128x64xf32, #tpu.memory_space<vmem>>, %arg10: memref<128x64xf32, #tpu.memory_space<vmem>>, %arg11: memref<128x64xf32, #tpu.memory_space<vmem>>, %arg12: memref<128x64xf32, #tpu.memory_space<vmem>>, %arg13: memref<10112x64xf32, #tpu.memory_space<vmem_shared>>, %arg14: memref<!tpu.dma_semaphore, #tpu.memory_space<semaphore_mem>>, %arg15: memref<!tpu.dma_semaphore, #tpu.memory_space<semaphore_mem>>, %arg16: memref<!tpu.dma_semaphore, #tpu.memory_space<semaphore_mem>>, %arg17: memref<!tpu.dma_semaphore, #tpu.memory_space<semaphore_mem>>, %arg18: memref<!tpu.dma_semaphore, #tpu.memory_space<semaphore_mem>>, %arg19: memref<!tpu.dma_semaphore, #tpu.memory_space<semaphore_mem>>, %arg20: memref<!tpu.dma_semaphore, #tpu.memory_space<semaphore_mem>>, %arg21: memref<!tpu.dma_semaphore, #tpu.memory_space<semaphore_mem>>) attributes {dimension_semantics = [#tpu.dimension_semantics<core_parallel>, #tpu.dimension_semantics<subcore_parallel>], iteration_bounds = array<i64: 2, 16>, scalar_prefetch = 0 : i64, scratch_operands = 15 : i64, tpu.core_type = #tpu.core_type<sc_vector_subcore>, window_params = [{transform_indices = #map}, {transform_indices = #map1}, {transform_indices = #map1}, {transform_indices = #map1}, {transform_indices = #map}]} {
    %mul3A = arith.constant 632 : i32
    %mul3A_0 = arith.muli %arg1, %mul3A : i32
    %dma_start3A = arith.constant 0 : i32
    %dma_start3A_1 = tpu.memref_slice %arg13[%mul3A_0, %dma_start3A] : memref<10112x64xf32, #tpu.memory_space<vmem_shared>> -> memref<632x64xf32, #tpu.memory_space<vmem_shared>>
    tpu.enqueue_dma source(%arg5 : memref<632x64xf32, #tpu.memory_space<hbm>>) target(%dma_start3A_1 : memref<632x64xf32, #tpu.memory_space<vmem_shared>>) target_semaphore(%arg14 : memref<!tpu.dma_semaphore, #tpu.memory_space<semaphore_mem>>)
    %mul3A_2 = arith.constant 160 : i32
    %mul3A_3 = arith.muli %arg1, %mul3A_2 : i32
    %dma_start3A_4 = arith.constant 0 : i32
    %dma_start3A_5 = tpu.memref_slice %arg3[%mul3A_3, %dma_start3A_4] : memref<2560x128xi32, #tpu.memory_space<hbm>> -> memref<160x128xi32, #tpu.memory_space<hbm>>
    %dma_start3A_6 = arith.constant 0 : i32
    %dma_start3A_7 = tpu.memref_slice %arg3[%mul3A_3, %dma_start3A_6] : memref<2560x128xi32, #tpu.memory_space<hbm>> -> memref<160x128xi32, #tpu.memory_space<hbm>>
    tpu.enqueue_dma source(%dma_start3A_7 : memref<160x128xi32, #tpu.memory_space<hbm>>) target(%arg7 : memref<160x128xi32, #tpu.memory_space<vmem>>) target_semaphore(%arg15 : memref<!tpu.dma_semaphore, #tpu.memory_space<semaphore_mem>>)
    %mul3A_8 = arith.constant 160 : i32
    %mul3A_9 = arith.muli %arg1, %mul3A_8 : i32
    %dma_start3A_10 = arith.constant 0 : i32
    %dma_start3A_11 = tpu.memref_slice %arg4[%mul3A_9, %dma_start3A_10] : memref<2560x128xi32, #tpu.memory_space<hbm>> -> memref<160x128xi32, #tpu.memory_space<hbm>>
    %dma_start3A_12 = arith.constant 0 : i32
    %dma_start3A_13 = tpu.memref_slice %arg4[%mul3A_9, %dma_start3A_12] : memref<2560x128xi32, #tpu.memory_space<hbm>> -> memref<160x128xi32, #tpu.memory_space<hbm>>
    tpu.enqueue_dma source(%dma_start3A_13 : memref<160x128xi32, #tpu.memory_space<hbm>>) target(%arg8 : memref<160x128xi32, #tpu.memory_space<vmem>>) target_semaphore(%arg16 : memref<!tpu.dma_semaphore, #tpu.memory_space<semaphore_mem>>)
    %dma_wait3A = arith.constant 0 : i32
    %dma_wait3A_14 = tpu.memref_slice %arg13[%mul3A_0, %dma_wait3A] : memref<10112x64xf32, #tpu.memory_space<vmem_shared>> -> memref<632x64xf32, #tpu.memory_space<vmem_shared>>
    tpu.wait_dma2 semaphore(%arg14 : memref<!tpu.dma_semaphore, #tpu.memory_space<semaphore_mem>>) src(%arg5 : memref<632x64xf32, #tpu.memory_space<hbm>>) dst(%dma_wait3A_14 : memref<632x64xf32, #tpu.memory_space<vmem_shared>>)
    %dma_wait3A_15 = arith.constant 0 : i32
    %dma_wait3A_16 = tpu.memref_slice %arg3[%mul3A_3, %dma_wait3A_15] : memref<2560x128xi32, #tpu.memory_space<hbm>> -> memref<160x128xi32, #tpu.memory_space<hbm>>
    %dma_wait3A_17 = arith.constant 0 : i32
    %dma_wait3A_18 = tpu.memref_slice %arg3[%mul3A_3, %dma_wait3A_17] : memref<2560x128xi32, #tpu.memory_space<hbm>> -> memref<160x128xi32, #tpu.memory_space<hbm>>
    tpu.wait_dma2 semaphore(%arg15 : memref<!tpu.dma_semaphore, #tpu.memory_space<semaphore_mem>>) src(%dma_wait3A_18 : memref<160x128xi32, #tpu.memory_space<hbm>>) dst(%arg7 : memref<160x128xi32, #tpu.memory_space<vmem>>)
    %dma_wait3A_19 = arith.constant 0 : i32
    %dma_wait3A_20 = tpu.memref_slice %arg4[%mul3A_9, %dma_wait3A_19] : memref<2560x128xi32, #tpu.memory_space<hbm>> -> memref<160x128xi32, #tpu.memory_space<hbm>>
    %dma_wait3A_21 = arith.constant 0 : i32
    %dma_wait3A_22 = tpu.memref_slice %arg4[%mul3A_9, %dma_wait3A_21] : memref<2560x128xi32, #tpu.memory_space<hbm>> -> memref<160x128xi32, #tpu.memory_space<hbm>>
    tpu.wait_dma2 semaphore(%arg16 : memref<!tpu.dma_semaphore, #tpu.memory_space<semaphore_mem>>) src(%dma_wait3A_22 : memref<160x128xi32, #tpu.memory_space<hbm>>) dst(%arg8 : memref<160x128xi32, #tpu.memory_space<vmem>>)
    %barrier3A = arith.constant 0 : index
    tpu.barrier barrier_id(%barrier3A)
    %dma_start3A_23 = arith.constant 0 : i32
    %dma_start3A_24 = arith.constant 0 : i32
    %dma_start3A_25 = tpu.memref_slice %arg7[%dma_start3A_23, %dma_start3A_24] : memref<160x128xi32, #tpu.memory_space<vmem>> -> memref<1x128xi32, #tpu.memory_space<vmem>>
    %dma_start3A_26 = tpu.memref_squeeze %dma_start3A_25 : memref<1x128xi32, #tpu.memory_space<vmem>> -> memref<128xi32, #tpu.memory_space<vmem>>
    %dma_start3A_27 = arith.constant 0 : i32
    %dma_start3A_28 = arith.constant 0 : i32
    %dma_start3A_29 = tpu.memref_slice %arg2[%arg0, %dma_start3A_27, %dma_start3A_28] : memref<2x10000x64xf32, #tpu.memory_space<hbm>> -> memref<1x10000x64xf32, #tpu.memory_space<hbm>>
    %dma_start3A_30 = tpu.memref_squeeze %dma_start3A_29 : memref<1x10000x64xf32, #tpu.memory_space<hbm>> -> memref<10000x64xf32, #tpu.memory_space<hbm>>
    %dma_start3A_31 = arith.constant 0 : i32
    %dma_start3A_32 = arith.constant 0 : i32
    %dma_start3A_33 = tpu.memref_slice %dma_start3A_30[%dma_start3A_31, %dma_start3A_32] : memref<10000x64xf32, #tpu.memory_space<hbm>> -> memref<10000x64xf32, #tpu.memory_space<hbm>>
    tpu.enqueue_indirect_dma source(%dma_start3A_33 : memref<10000x64xf32, #tpu.memory_space<hbm>>) target(%arg9 : memref<128x64xf32, #tpu.memory_space<vmem>>) offsets(%dma_start3A_26 : memref<128xi32, #tpu.memory_space<vmem>>) semaphore(%arg14 : memref<!tpu.dma_semaphore, #tpu.memory_space<semaphore_mem>>)
    %dma_start3A_34 = arith.constant 1 : i32
    %dma_start3A_35 = arith.constant 0 : i32
    %dma_start3A_36 = tpu.memref_slice %arg7[%dma_start3A_34, %dma_start3A_35] : memref<160x128xi32, #tpu.memory_space<vmem>> -> memref<1x128xi32, #tpu.memory_space<vmem>>
    %dma_start3A_37 = tpu.memref_squeeze %dma_start3A_36 : memref<1x128xi32, #tpu.memory_space<vmem>> -> memref<128xi32, #tpu.memory_space<vmem>>
    %dma_start3A_38 = arith.constant 0 : i32
    %dma_start3A_39 = arith.constant 0 : i32
    %dma_start3A_40 = tpu.memref_slice %arg2[%arg0, %dma_start3A_38, %dma_start3A_39] : memref<2x10000x64xf32, #tpu.memory_space<hbm>> -> memref<1x10000x64xf32, #tpu.memory_space<hbm>>
    %dma_start3A_41 = tpu.memref_squeeze %dma_start3A_40 : memref<1x10000x64xf32, #tpu.memory_space<hbm>> -> memref<10000x64xf32, #tpu.memory_space<hbm>>
    %dma_start3A_42 = arith.constant 0 : i32
    %dma_start3A_43 = arith.constant 0 : i32
    %dma_start3A_44 = tpu.memref_slice %dma_start3A_41[%dma_start3A_42, %dma_start3A_43] : memref<10000x64xf32, #tpu.memory_space<hbm>> -> memref<10000x64xf32, #tpu.memory_space<hbm>>
    tpu.enqueue_indirect_dma source(%dma_start3A_44 : memref<10000x64xf32, #tpu.memory_space<hbm>>) target(%arg10 : memref<128x64xf32, #tpu.memory_space<vmem>>) offsets(%dma_start3A_37 : memref<128xi32, #tpu.memory_space<vmem>>) semaphore(%arg15 : memref<!tpu.dma_semaphore, #tpu.memory_space<semaphore_mem>>)
    %scan3A = arith.constant 0 : i32
    %scan3A_45 = arith.constant 40 : i32
    %scan3A_46 = arith.addi %scan3A, %scan3A_45 : i32
    %scan3A_47 = arith.constant 1 : i32
    scf.for %scan3A_68 = %scan3A to %scan3A_46 step %scan3A_47  : i32 {
      %mul3A_69 = arith.constant 4 : i32
      %mul3A_70 = arith.muli %scan3A_68, %mul3A_69 : i32
      %add3A = arith.constant 0 : i32
      %add3A_71 = arith.addi %add3A, %mul3A_70 : i32
      %add3A_72 = arith.constant 0 : i32
      %add3A_73 = arith.addi %add3A_71, %add3A_72 : i32
      %dma_wait3A_74 = arith.constant 0 : i32
      %dma_wait3A_75 = tpu.memref_slice %arg7[%add3A_73, %dma_wait3A_74] : memref<160x128xi32, #tpu.memory_space<vmem>> -> memref<1x128xi32, #tpu.memory_space<vmem>>
      %dma_wait3A_76 = tpu.memref_squeeze %dma_wait3A_75 : memref<1x128xi32, #tpu.memory_space<vmem>> -> memref<128xi32, #tpu.memory_space<vmem>>
      %dma_wait3A_77 = arith.constant 0 : i32
      %dma_wait3A_78 = arith.constant 0 : i32
      %dma_wait3A_79 = tpu.memref_slice %arg2[%arg0, %dma_wait3A_77, %dma_wait3A_78] : memref<2x10000x64xf32, #tpu.memory_space<hbm>> -> memref<1x10000x64xf32, #tpu.memory_space<hbm>>
      %dma_wait3A_80 = tpu.memref_squeeze %dma_wait3A_79 : memref<1x10000x64xf32, #tpu.memory_space<hbm>> -> memref<10000x64xf32, #tpu.memory_space<hbm>>
      %dma_wait3A_81 = arith.constant 0 : i32
      %dma_wait3A_82 = arith.constant 0 : i32
      %dma_wait3A_83 = tpu.memref_slice %dma_wait3A_80[%dma_wait3A_81, %dma_wait3A_82] : memref<10000x64xf32, #tpu.memory_space<hbm>> -> memref<10000x64xf32, #tpu.memory_space<hbm>>
      tpu.wait_indirect_dma semaphore(%arg14 : memref<!tpu.dma_semaphore, #tpu.memory_space<semaphore_mem>>) src(%dma_wait3A_83 : memref<10000x64xf32, #tpu.memory_space<hbm>>) dst(%arg9 : memref<128x64xf32, #tpu.memory_space<vmem>>)
      %dma_start3A_84 = arith.constant 0 : i32
      %dma_start3A_85 = tpu.memref_slice %arg8[%add3A_73, %dma_start3A_84] : memref<160x128xi32, #tpu.memory_space<vmem>> -> memref<1x128xi32, #tpu.memory_space<vmem>>
      %dma_start3A_86 = tpu.memref_squeeze %dma_start3A_85 : memref<1x128xi32, #tpu.memory_space<vmem>> -> memref<128xi32, #tpu.memory_space<vmem>>
      %dma_start3A_87 = arith.constant 0 : i32
      %dma_start3A_88 = arith.constant 0 : i32
      %dma_start3A_89 = tpu.memref_slice %arg13[%dma_start3A_87, %dma_start3A_88] : memref<10112x64xf32, #tpu.memory_space<vmem_shared>> -> memref<10112x64xf32, #tpu.memory_space<vmem_shared>>
      tpu.enqueue_indirect_dma source(%arg9 : memref<128x64xf32, #tpu.memory_space<vmem>>) target(%dma_start3A_89 : memref<10112x64xf32, #tpu.memory_space<vmem_shared>>) offsets(%dma_start3A_86 : memref<128xi32, #tpu.memory_space<vmem>>) semaphore(%arg18 : memref<!tpu.dma_semaphore, #tpu.memory_space<semaphore_mem>>) {add = true}
      %ge3A = arith.constant 2 : i32
      %ge3A_90 = arith.cmpi sge, %add3A_73, %ge3A : i32
      %convert_element_type3A = arith.extui %ge3A_90 : i1 to i32
      %cond3A = arith.constant 0 : i32
      %cond3A_91 = arith.cmpi ne, %convert_element_type3A, %cond3A : i32
      scf.if %cond3A_91 {
        %sub3A = arith.constant 2 : i32
        %sub3A_188 = arith.subi %add3A_73, %sub3A : i32
        %dma_wait3A_189 = arith.constant 0 : i32
        %dma_wait3A_190 = tpu.memref_slice %arg8[%sub3A_188, %dma_wait3A_189] : memref<160x128xi32, #tpu.memory_space<vmem>> -> memref<1x128xi32, #tpu.memory_space<vmem>>
        %dma_wait3A_191 = tpu.memref_squeeze %dma_wait3A_190 : memref<1x128xi32, #tpu.memory_space<vmem>> -> memref<128xi32, #tpu.memory_space<vmem>>
        %dma_wait3A_192 = arith.constant 0 : i32
        %dma_wait3A_193 = arith.constant 0 : i32
        %dma_wait3A_194 = tpu.memref_slice %arg13[%dma_wait3A_192, %dma_wait3A_193] : memref<10112x64xf32, #tpu.memory_space<vmem_shared>> -> memref<10112x64xf32, #tpu.memory_space<vmem_shared>>
        tpu.wait_indirect_dma semaphore(%arg20 : memref<!tpu.dma_semaphore, #tpu.memory_space<semaphore_mem>>) src(%arg11 : memref<128x64xf32, #tpu.memory_space<vmem>>) dst(%dma_wait3A_194 : memref<10112x64xf32, #tpu.memory_space<vmem_shared>>)
      } else {
      }
      %add3A_92 = arith.constant 2 : i32
      %add3A_93 = arith.addi %add3A_73, %add3A_92 : i32
      %lt3A = arith.constant 160 : i32
      %lt3A_94 = arith.cmpi slt, %add3A_93, %lt3A : i32
      %convert_element_type3A_95 = arith.extui %lt3A_94 : i1 to i32
      %cond3A_96 = arith.constant 0 : i32
      %cond3A_97 = arith.cmpi ne, %convert_element_type3A_95, %cond3A_96 : i32
      scf.if %cond3A_97 {
        %add3A_188 = arith.constant 2 : i32
        %add3A_189 = arith.addi %add3A_73, %add3A_188 : i32
        %dma_start3A_190 = arith.constant 0 : i32
        %dma_start3A_191 = tpu.memref_slice %arg7[%add3A_189, %dma_start3A_190] : memref<160x128xi32, #tpu.memory_space<vmem>> -> memref<1x128xi32, #tpu.memory_space<vmem>>
        %dma_start3A_192 = tpu.memref_squeeze %dma_start3A_191 : memref<1x128xi32, #tpu.memory_space<vmem>> -> memref<128xi32, #tpu.memory_space<vmem>>
        %dma_start3A_193 = arith.constant 0 : i32
        %dma_start3A_194 = arith.constant 0 : i32
        %dma_start3A_195 = tpu.memref_slice %arg2[%arg0, %dma_start3A_193, %dma_start3A_194] : memref<2x10000x64xf32, #tpu.memory_space<hbm>> -> memref<1x10000x64xf32, #tpu.memory_space<hbm>>
        %dma_start3A_196 = tpu.memref_squeeze %dma_start3A_195 : memref<1x10000x64xf32, #tpu.memory_space<hbm>> -> memref<10000x64xf32, #tpu.memory_space<hbm>>
        %dma_start3A_197 = arith.constant 0 : i32
        %dma_start3A_198 = arith.constant 0 : i32
        %dma_start3A_199 = tpu.memref_slice %dma_start3A_196[%dma_start3A_197, %dma_start3A_198] : memref<10000x64xf32, #tpu.memory_space<hbm>> -> memref<10000x64xf32, #tpu.memory_space<hbm>>
        tpu.enqueue_indirect_dma source(%dma_start3A_199 : memref<10000x64xf32, #tpu.memory_space<hbm>>) target(%arg11 : memref<128x64xf32, #tpu.memory_space<vmem>>) offsets(%dma_start3A_192 : memref<128xi32, #tpu.memory_space<vmem>>) semaphore(%arg16 : memref<!tpu.dma_semaphore, #tpu.memory_space<semaphore_mem>>)
      } else {
      }
      %add3A_98 = arith.constant 1 : i32
      %add3A_99 = arith.addi %add3A_71, %add3A_98 : i32
      %dma_wait3A_100 = arith.constant 0 : i32
      %dma_wait3A_101 = tpu.memref_slice %arg7[%add3A_99, %dma_wait3A_100] : memref<160x128xi32, #tpu.memory_space<vmem>> -> memref<1x128xi32, #tpu.memory_space<vmem>>
      %dma_wait3A_102 = tpu.memref_squeeze %dma_wait3A_101 : memref<1x128xi32, #tpu.memory_space<vmem>> -> memref<128xi32, #tpu.memory_space<vmem>>
      %dma_wait3A_103 = arith.constant 0 : i32
      %dma_wait3A_104 = arith.constant 0 : i32
      %dma_wait3A_105 = tpu.memref_slice %arg2[%arg0, %dma_wait3A_103, %dma_wait3A_104] : memref<2x10000x64xf32, #tpu.memory_space<hbm>> -> memref<1x10000x64xf32, #tpu.memory_space<hbm>>
      %dma_wait3A_106 = tpu.memref_squeeze %dma_wait3A_105 : memref<1x10000x64xf32, #tpu.memory_space<hbm>> -> memref<10000x64xf32, #tpu.memory_space<hbm>>
      %dma_wait3A_107 = arith.constant 0 : i32
      %dma_wait3A_108 = arith.constant 0 : i32
      %dma_wait3A_109 = tpu.memref_slice %dma_wait3A_106[%dma_wait3A_107, %dma_wait3A_108] : memref<10000x64xf32, #tpu.memory_space<hbm>> -> memref<10000x64xf32, #tpu.memory_space<hbm>>
      tpu.wait_indirect_dma semaphore(%arg15 : memref<!tpu.dma_semaphore, #tpu.memory_space<semaphore_mem>>) src(%dma_wait3A_109 : memref<10000x64xf32, #tpu.memory_space<hbm>>) dst(%arg10 : memref<128x64xf32, #tpu.memory_space<vmem>>)
      %dma_start3A_110 = arith.constant 0 : i32
      %dma_start3A_111 = tpu.memref_slice %arg8[%add3A_99, %dma_start3A_110] : memref<160x128xi32, #tpu.memory_space<vmem>> -> memref<1x128xi32, #tpu.memory_space<vmem>>
      %dma_start3A_112 = tpu.memref_squeeze %dma_start3A_111 : memref<1x128xi32, #tpu.memory_space<vmem>> -> memref<128xi32, #tpu.memory_space<vmem>>
      %dma_start3A_113 = arith.constant 0 : i32
      %dma_start3A_114 = arith.constant 0 : i32
      %dma_start3A_115 = tpu.memref_slice %arg13[%dma_start3A_113, %dma_start3A_114] : memref<10112x64xf32, #tpu.memory_space<vmem_shared>> -> memref<10112x64xf32, #tpu.memory_space<vmem_shared>>
      tpu.enqueue_indirect_dma source(%arg10 : memref<128x64xf32, #tpu.memory_space<vmem>>) target(%dma_start3A_115 : memref<10112x64xf32, #tpu.memory_space<vmem_shared>>) offsets(%dma_start3A_112 : memref<128xi32, #tpu.memory_space<vmem>>) semaphore(%arg19 : memref<!tpu.dma_semaphore, #tpu.memory_space<semaphore_mem>>) {add = true}
      %ge3A_116 = arith.constant 2 : i32
      %ge3A_117 = arith.cmpi sge, %add3A_99, %ge3A_116 : i32
      %convert_element_type3A_118 = arith.extui %ge3A_117 : i1 to i32
      %cond3A_119 = arith.constant 0 : i32
      %cond3A_120 = arith.cmpi ne, %convert_element_type3A_118, %cond3A_119 : i32
      scf.if %cond3A_120 {
        %sub3A = arith.constant 2 : i32
        %sub3A_188 = arith.subi %add3A_99, %sub3A : i32
        %dma_wait3A_189 = arith.constant 0 : i32
        %dma_wait3A_190 = tpu.memref_slice %arg8[%sub3A_188, %dma_wait3A_189] : memref<160x128xi32, #tpu.memory_space<vmem>> -> memref<1x128xi32, #tpu.memory_space<vmem>>
        %dma_wait3A_191 = tpu.memref_squeeze %dma_wait3A_190 : memref<1x128xi32, #tpu.memory_space<vmem>> -> memref<128xi32, #tpu.memory_space<vmem>>
        %dma_wait3A_192 = arith.constant 0 : i32
        %dma_wait3A_193 = arith.constant 0 : i32
        %dma_wait3A_194 = tpu.memref_slice %arg13[%dma_wait3A_192, %dma_wait3A_193] : memref<10112x64xf32, #tpu.memory_space<vmem_shared>> -> memref<10112x64xf32, #tpu.memory_space<vmem_shared>>
        tpu.wait_indirect_dma semaphore(%arg21 : memref<!tpu.dma_semaphore, #tpu.memory_space<semaphore_mem>>) src(%arg12 : memref<128x64xf32, #tpu.memory_space<vmem>>) dst(%dma_wait3A_194 : memref<10112x64xf32, #tpu.memory_space<vmem_shared>>)
      } else {
      }
      %add3A_121 = arith.constant 2 : i32
      %add3A_122 = arith.addi %add3A_99, %add3A_121 : i32
      %lt3A_123 = arith.constant 160 : i32
      %lt3A_124 = arith.cmpi slt, %add3A_122, %lt3A_123 : i32
      %convert_element_type3A_125 = arith.extui %lt3A_124 : i1 to i32
      %cond3A_126 = arith.constant 0 : i32
      %cond3A_127 = arith.cmpi ne, %convert_element_type3A_125, %cond3A_126 : i32
      scf.if %cond3A_127 {
        %add3A_188 = arith.constant 2 : i32
        %add3A_189 = arith.addi %add3A_99, %add3A_188 : i32
        %dma_start3A_190 = arith.constant 0 : i32
        %dma_start3A_191 = tpu.memref_slice %arg7[%add3A_189, %dma_start3A_190] : memref<160x128xi32, #tpu.memory_space<vmem>> -> memref<1x128xi32, #tpu.memory_space<vmem>>
        %dma_start3A_192 = tpu.memref_squeeze %dma_start3A_191 : memref<1x128xi32, #tpu.memory_space<vmem>> -> memref<128xi32, #tpu.memory_space<vmem>>
        %dma_start3A_193 = arith.constant 0 : i32
        %dma_start3A_194 = arith.constant 0 : i32
        %dma_start3A_195 = tpu.memref_slice %arg2[%arg0, %dma_start3A_193, %dma_start3A_194] : memref<2x10000x64xf32, #tpu.memory_space<hbm>> -> memref<1x10000x64xf32, #tpu.memory_space<hbm>>
        %dma_start3A_196 = tpu.memref_squeeze %dma_start3A_195 : memref<1x10000x64xf32, #tpu.memory_space<hbm>> -> memref<10000x64xf32, #tpu.memory_space<hbm>>
        %dma_start3A_197 = arith.constant 0 : i32
        %dma_start3A_198 = arith.constant 0 : i32
        %dma_start3A_199 = tpu.memref_slice %dma_start3A_196[%dma_start3A_197, %dma_start3A_198] : memref<10000x64xf32, #tpu.memory_space<hbm>> -> memref<10000x64xf32, #tpu.memory_space<hbm>>
        tpu.enqueue_indirect_dma source(%dma_start3A_199 : memref<10000x64xf32, #tpu.memory_space<hbm>>) target(%arg12 : memref<128x64xf32, #tpu.memory_space<vmem>>) offsets(%dma_start3A_192 : memref<128xi32, #tpu.memory_space<vmem>>) semaphore(%arg17 : memref<!tpu.dma_semaphore, #tpu.memory_space<semaphore_mem>>)
      } else {
      }
      %add3A_128 = arith.constant 2 : i32
      %add3A_129 = arith.addi %add3A_71, %add3A_128 : i32
      %dma_wait3A_130 = arith.constant 0 : i32
      %dma_wait3A_131 = tpu.memref_slice %arg7[%add3A_129, %dma_wait3A_130] : memref<160x128xi32, #tpu.memory_space<vmem>> -> memref<1x128xi32, #tpu.memory_space<vmem>>
      %dma_wait3A_132 = tpu.memref_squeeze %dma_wait3A_131 : memref<1x128xi32, #tpu.memory_space<vmem>> -> memref<128xi32, #tpu.memory_space<vmem>>
      %dma_wait3A_133 = arith.constant 0 : i32
      %dma_wait3A_134 = arith.constant 0 : i32
      %dma_wait3A_135 = tpu.memref_slice %arg2[%arg0, %dma_wait3A_133, %dma_wait3A_134] : memref<2x10000x64xf32, #tpu.memory_space<hbm>> -> memref<1x10000x64xf32, #tpu.memory_space<hbm>>
      %dma_wait3A_136 = tpu.memref_squeeze %dma_wait3A_135 : memref<1x10000x64xf32, #tpu.memory_space<hbm>> -> memref<10000x64xf32, #tpu.memory_space<hbm>>
      %dma_wait3A_137 = arith.constant 0 : i32
      %dma_wait3A_138 = arith.constant 0 : i32
      %dma_wait3A_139 = tpu.memref_slice %dma_wait3A_136[%dma_wait3A_137, %dma_wait3A_138] : memref<10000x64xf32, #tpu.memory_space<hbm>> -> memref<10000x64xf32, #tpu.memory_space<hbm>>
      tpu.wait_indirect_dma semaphore(%arg16 : memref<!tpu.dma_semaphore, #tpu.memory_space<semaphore_mem>>) src(%dma_wait3A_139 : memref<10000x64xf32, #tpu.memory_space<hbm>>) dst(%arg11 : memref<128x64xf32, #tpu.memory_space<vmem>>)
      %dma_start3A_140 = arith.constant 0 : i32
      %dma_start3A_141 = tpu.memref_slice %arg8[%add3A_129, %dma_start3A_140] : memref<160x128xi32, #tpu.memory_space<vmem>> -> memref<1x128xi32, #tpu.memory_space<vmem>>
      %dma_start3A_142 = tpu.memref_squeeze %dma_start3A_141 : memref<1x128xi32, #tpu.memory_space<vmem>> -> memref<128xi32, #tpu.memory_space<vmem>>
      %dma_start3A_143 = arith.constant 0 : i32
      %dma_start3A_144 = arith.constant 0 : i32
      %dma_start3A_145 = tpu.memref_slice %arg13[%dma_start3A_143, %dma_start3A_144] : memref<10112x64xf32, #tpu.memory_space<vmem_shared>> -> memref<10112x64xf32, #tpu.memory_space<vmem_shared>>
      tpu.enqueue_indirect_dma source(%arg11 : memref<128x64xf32, #tpu.memory_space<vmem>>) target(%dma_start3A_145 : memref<10112x64xf32, #tpu.memory_space<vmem_shared>>) offsets(%dma_start3A_142 : memref<128xi32, #tpu.memory_space<vmem>>) semaphore(%arg20 : memref<!tpu.dma_semaphore, #tpu.memory_space<semaphore_mem>>) {add = true}
      %ge3A_146 = arith.constant 2 : i32
      %ge3A_147 = arith.cmpi sge, %add3A_129, %ge3A_146 : i32
      %convert_element_type3A_148 = arith.extui %ge3A_147 : i1 to i32
      %cond3A_149 = arith.constant 0 : i32
      %cond3A_150 = arith.cmpi ne, %convert_element_type3A_148, %cond3A_149 : i32
      scf.if %cond3A_150 {
        %sub3A = arith.constant 2 : i32
        %sub3A_188 = arith.subi %add3A_129, %sub3A : i32
        %dma_wait3A_189 = arith.constant 0 : i32
        %dma_wait3A_190 = tpu.memref_slice %arg8[%sub3A_188, %dma_wait3A_189] : memref<160x128xi32, #tpu.memory_space<vmem>> -> memref<1x128xi32, #tpu.memory_space<vmem>>
        %dma_wait3A_191 = tpu.memref_squeeze %dma_wait3A_190 : memref<1x128xi32, #tpu.memory_space<vmem>> -> memref<128xi32, #tpu.memory_space<vmem>>
        %dma_wait3A_192 = arith.constant 0 : i32
        %dma_wait3A_193 = arith.constant 0 : i32
        %dma_wait3A_194 = tpu.memref_slice %arg13[%dma_wait3A_192, %dma_wait3A_193] : memref<10112x64xf32, #tpu.memory_space<vmem_shared>> -> memref<10112x64xf32, #tpu.memory_space<vmem_shared>>
        tpu.wait_indirect_dma semaphore(%arg18 : memref<!tpu.dma_semaphore, #tpu.memory_space<semaphore_mem>>) src(%arg9 : memref<128x64xf32, #tpu.memory_space<vmem>>) dst(%dma_wait3A_194 : memref<10112x64xf32, #tpu.memory_space<vmem_shared>>)
      } else {
      }
      %add3A_151 = arith.constant 2 : i32
      %add3A_152 = arith.addi %add3A_129, %add3A_151 : i32
      %lt3A_153 = arith.constant 160 : i32
      %lt3A_154 = arith.cmpi slt, %add3A_152, %lt3A_153 : i32
      %convert_element_type3A_155 = arith.extui %lt3A_154 : i1 to i32
      %cond3A_156 = arith.constant 0 : i32
      %cond3A_157 = arith.cmpi ne, %convert_element_type3A_155, %cond3A_156 : i32
      scf.if %cond3A_157 {
        %add3A_188 = arith.constant 2 : i32
        %add3A_189 = arith.addi %add3A_129, %add3A_188 : i32
        %dma_start3A_190 = arith.constant 0 : i32
        %dma_start3A_191 = tpu.memref_slice %arg7[%add3A_189, %dma_start3A_190] : memref<160x128xi32, #tpu.memory_space<vmem>> -> memref<1x128xi32, #tpu.memory_space<vmem>>
        %dma_start3A_192 = tpu.memref_squeeze %dma_start3A_191 : memref<1x128xi32, #tpu.memory_space<vmem>> -> memref<128xi32, #tpu.memory_space<vmem>>
        %dma_start3A_193 = arith.constant 0 : i32
        %dma_start3A_194 = arith.constant 0 : i32
        %dma_start3A_195 = tpu.memref_slice %arg2[%arg0, %dma_start3A_193, %dma_start3A_194] : memref<2x10000x64xf32, #tpu.memory_space<hbm>> -> memref<1x10000x64xf32, #tpu.memory_space<hbm>>
        %dma_start3A_196 = tpu.memref_squeeze %dma_start3A_195 : memref<1x10000x64xf32, #tpu.memory_space<hbm>> -> memref<10000x64xf32, #tpu.memory_space<hbm>>
        %dma_start3A_197 = arith.constant 0 : i32
        %dma_start3A_198 = arith.constant 0 : i32
        %dma_start3A_199 = tpu.memref_slice %dma_start3A_196[%dma_start3A_197, %dma_start3A_198] : memref<10000x64xf32, #tpu.memory_space<hbm>> -> memref<10000x64xf32, #tpu.memory_space<hbm>>
        tpu.enqueue_indirect_dma source(%dma_start3A_199 : memref<10000x64xf32, #tpu.memory_space<hbm>>) target(%arg9 : memref<128x64xf32, #tpu.memory_space<vmem>>) offsets(%dma_start3A_192 : memref<128xi32, #tpu.memory_space<vmem>>) semaphore(%arg14 : memref<!tpu.dma_semaphore, #tpu.memory_space<semaphore_mem>>)
      } else {
      }
      %add3A_158 = arith.constant 3 : i32
      %add3A_159 = arith.addi %add3A_71, %add3A_158 : i32
      %dma_wait3A_160 = arith.constant 0 : i32
      %dma_wait3A_161 = tpu.memref_slice %arg7[%add3A_159, %dma_wait3A_160] : memref<160x128xi32, #tpu.memory_space<vmem>> -> memref<1x128xi32, #tpu.memory_space<vmem>>
      %dma_wait3A_162 = tpu.memref_squeeze %dma_wait3A_161 : memref<1x128xi32, #tpu.memory_space<vmem>> -> memref<128xi32, #tpu.memory_space<vmem>>
      %dma_wait3A_163 = arith.constant 0 : i32
      %dma_wait3A_164 = arith.constant 0 : i32
      %dma_wait3A_165 = tpu.memref_slice %arg2[%arg0, %dma_wait3A_163, %dma_wait3A_164] : memref<2x10000x64xf32, #tpu.memory_space<hbm>> -> memref<1x10000x64xf32, #tpu.memory_space<hbm>>
      %dma_wait3A_166 = tpu.memref_squeeze %dma_wait3A_165 : memref<1x10000x64xf32, #tpu.memory_space<hbm>> -> memref<10000x64xf32, #tpu.memory_space<hbm>>
      %dma_wait3A_167 = arith.constant 0 : i32
      %dma_wait3A_168 = arith.constant 0 : i32
      %dma_wait3A_169 = tpu.memref_slice %dma_wait3A_166[%dma_wait3A_167, %dma_wait3A_168] : memref<10000x64xf32, #tpu.memory_space<hbm>> -> memref<10000x64xf32, #tpu.memory_space<hbm>>
      tpu.wait_indirect_dma semaphore(%arg17 : memref<!tpu.dma_semaphore, #tpu.memory_space<semaphore_mem>>) src(%dma_wait3A_169 : memref<10000x64xf32, #tpu.memory_space<hbm>>) dst(%arg12 : memref<128x64xf32, #tpu.memory_space<vmem>>)
      %dma_start3A_170 = arith.constant 0 : i32
      %dma_start3A_171 = tpu.memref_slice %arg8[%add3A_159, %dma_start3A_170] : memref<160x128xi32, #tpu.memory_space<vmem>> -> memref<1x128xi32, #tpu.memory_space<vmem>>
      %dma_start3A_172 = tpu.memref_squeeze %dma_start3A_171 : memref<1x128xi32, #tpu.memory_space<vmem>> -> memref<128xi32, #tpu.memory_space<vmem>>
      %dma_start3A_173 = arith.constant 0 : i32
      %dma_start3A_174 = arith.constant 0 : i32
      %dma_start3A_175 = tpu.memref_slice %arg13[%dma_start3A_173, %dma_start3A_174] : memref<10112x64xf32, #tpu.memory_space<vmem_shared>> -> memref<10112x64xf32, #tpu.memory_space<vmem_shared>>
      tpu.enqueue_indirect_dma source(%arg12 : memref<128x64xf32, #tpu.memory_space<vmem>>) target(%dma_start3A_175 : memref<10112x64xf32, #tpu.memory_space<vmem_shared>>) offsets(%dma_start3A_172 : memref<128xi32, #tpu.memory_space<vmem>>) semaphore(%arg21 : memref<!tpu.dma_semaphore, #tpu.memory_space<semaphore_mem>>) {add = true}
      %ge3A_176 = arith.constant 2 : i32
      %ge3A_177 = arith.cmpi sge, %add3A_159, %ge3A_176 : i32
      %convert_element_type3A_178 = arith.extui %ge3A_177 : i1 to i32
      %cond3A_179 = arith.constant 0 : i32
      %cond3A_180 = arith.cmpi ne, %convert_element_type3A_178, %cond3A_179 : i32
      scf.if %cond3A_180 {
        %sub3A = arith.constant 2 : i32
        %sub3A_188 = arith.subi %add3A_159, %sub3A : i32
        %dma_wait3A_189 = arith.constant 0 : i32
        %dma_wait3A_190 = tpu.memref_slice %arg8[%sub3A_188, %dma_wait3A_189] : memref<160x128xi32, #tpu.memory_space<vmem>> -> memref<1x128xi32, #tpu.memory_space<vmem>>
        %dma_wait3A_191 = tpu.memref_squeeze %dma_wait3A_190 : memref<1x128xi32, #tpu.memory_space<vmem>> -> memref<128xi32, #tpu.memory_space<vmem>>
        %dma_wait3A_192 = arith.constant 0 : i32
        %dma_wait3A_193 = arith.constant 0 : i32
        %dma_wait3A_194 = tpu.memref_slice %arg13[%dma_wait3A_192, %dma_wait3A_193] : memref<10112x64xf32, #tpu.memory_space<vmem_shared>> -> memref<10112x64xf32, #tpu.memory_space<vmem_shared>>
        tpu.wait_indirect_dma semaphore(%arg19 : memref<!tpu.dma_semaphore, #tpu.memory_space<semaphore_mem>>) src(%arg10 : memref<128x64xf32, #tpu.memory_space<vmem>>) dst(%dma_wait3A_194 : memref<10112x64xf32, #tpu.memory_space<vmem_shared>>)
      } else {
      }
      %add3A_181 = arith.constant 2 : i32
      %add3A_182 = arith.addi %add3A_159, %add3A_181 : i32
      %lt3A_183 = arith.constant 160 : i32
      %lt3A_184 = arith.cmpi slt, %add3A_182, %lt3A_183 : i32
      %convert_element_type3A_185 = arith.extui %lt3A_184 : i1 to i32
      %cond3A_186 = arith.constant 0 : i32
      %cond3A_187 = arith.cmpi ne, %convert_element_type3A_185, %cond3A_186 : i32
      scf.if %cond3A_187 {
        %add3A_188 = arith.constant 2 : i32
        %add3A_189 = arith.addi %add3A_159, %add3A_188 : i32
        %dma_start3A_190 = arith.constant 0 : i32
        %dma_start3A_191 = tpu.memref_slice %arg7[%add3A_189, %dma_start3A_190] : memref<160x128xi32, #tpu.memory_space<vmem>> -> memref<1x128xi32, #tpu.memory_space<vmem>>
        %dma_start3A_192 = tpu.memref_squeeze %dma_start3A_191 : memref<1x128xi32, #tpu.memory_space<vmem>> -> memref<128xi32, #tpu.memory_space<vmem>>
        %dma_start3A_193 = arith.constant 0 : i32
        %dma_start3A_194 = arith.constant 0 : i32
        %dma_start3A_195 = tpu.memref_slice %arg2[%arg0, %dma_start3A_193, %dma_start3A_194] : memref<2x10000x64xf32, #tpu.memory_space<hbm>> -> memref<1x10000x64xf32, #tpu.memory_space<hbm>>
        %dma_start3A_196 = tpu.memref_squeeze %dma_start3A_195 : memref<1x10000x64xf32, #tpu.memory_space<hbm>> -> memref<10000x64xf32, #tpu.memory_space<hbm>>
        %dma_start3A_197 = arith.constant 0 : i32
        %dma_start3A_198 = arith.constant 0 : i32
        %dma_start3A_199 = tpu.memref_slice %dma_start3A_196[%dma_start3A_197, %dma_start3A_198] : memref<10000x64xf32, #tpu.memory_space<hbm>> -> memref<10000x64xf32, #tpu.memory_space<hbm>>
        tpu.enqueue_indirect_dma source(%dma_start3A_199 : memref<10000x64xf32, #tpu.memory_space<hbm>>) target(%arg10 : memref<128x64xf32, #tpu.memory_space<vmem>>) offsets(%dma_start3A_192 : memref<128xi32, #tpu.memory_space<vmem>>) semaphore(%arg15 : memref<!tpu.dma_semaphore, #tpu.memory_space<semaphore_mem>>)
      } else {
      }
    }
    %scan3A_48 = arith.constant 40 : i32
    %dma_wait3A_49 = arith.constant 158 : i32
    %dma_wait3A_50 = arith.constant 0 : i32
    %dma_wait3A_51 = tpu.memref_slice %arg8[%dma_wait3A_49, %dma_wait3A_50] : memref<160x128xi32, #tpu.memory_space<vmem>> -> memref<1x128xi32, #tpu.memory_space<vmem>>
    %dma_wait3A_52 = tpu.memref_squeeze %dma_wait3A_51 : memref<1x128xi32, #tpu.memory_space<vmem>> -> memref<128xi32, #tpu.memory_space<vmem>>
    %dma_wait3A_53 = arith.constant 0 : i32
    %dma_wait3A_54 = arith.constant 0 : i32
    %dma_wait3A_55 = tpu.memref_slice %arg13[%dma_wait3A_53, %dma_wait3A_54] : memref<10112x64xf32, #tpu.memory_space<vmem_shared>> -> memref<10112x64xf32, #tpu.memory_space<vmem_shared>>
    tpu.wait_indirect_dma semaphore(%arg20 : memref<!tpu.dma_semaphore, #tpu.memory_space<semaphore_mem>>) src(%arg11 : memref<128x64xf32, #tpu.memory_space<vmem>>) dst(%dma_wait3A_55 : memref<10112x64xf32, #tpu.memory_space<vmem_shared>>)
    %dma_wait3A_56 = arith.constant 159 : i32
    %dma_wait3A_57 = arith.constant 0 : i32
    %dma_wait3A_58 = tpu.memref_slice %arg8[%dma_wait3A_56, %dma_wait3A_57] : memref<160x128xi32, #tpu.memory_space<vmem>> -> memref<1x128xi32, #tpu.memory_space<vmem>>
    %dma_wait3A_59 = tpu.memref_squeeze %dma_wait3A_58 : memref<1x128xi32, #tpu.memory_space<vmem>> -> memref<128xi32, #tpu.memory_space<vmem>>
    %dma_wait3A_60 = arith.constant 0 : i32
    %dma_wait3A_61 = arith.constant 0 : i32
    %dma_wait3A_62 = tpu.memref_slice %arg13[%dma_wait3A_60, %dma_wait3A_61] : memref<10112x64xf32, #tpu.memory_space<vmem_shared>> -> memref<10112x64xf32, #tpu.memory_space<vmem_shared>>
    tpu.wait_indirect_dma semaphore(%arg21 : memref<!tpu.dma_semaphore, #tpu.memory_space<semaphore_mem>>) src(%arg12 : memref<128x64xf32, #tpu.memory_space<vmem>>) dst(%dma_wait3A_62 : memref<10112x64xf32, #tpu.memory_space<vmem_shared>>)
    %barrier3A_63 = arith.constant 0 : index
    tpu.barrier barrier_id(%barrier3A_63)
    %mul3A_64 = arith.constant 632 : i32
    %mul3A_65 = arith.muli %arg1, %mul3A_64 : i32
    %mul3A_66 = arith.constant 632 : i32
    %mul3A_67 = arith.muli %arg1, %mul3A_66 : i32
    "tpu.region"() ({
      %run_scoped3A = tpu.sem_alloc : memref<!tpu.dma_semaphore, #tpu.memory_space<semaphore_mem>>
      %dma_start3A_68 = arith.constant 0 : i32
      %dma_start3A_69 = arith.constant 0 : i32
      %dma_start3A_70 = tpu.memref_slice %arg6[%arg0, %dma_start3A_68, %dma_start3A_69] : memref<2x10112x64xf32, #tpu.memory_space<hbm>> -> memref<1x10112x64xf32, #tpu.memory_space<hbm>>
      %dma_start3A_71 = tpu.memref_squeeze %dma_start3A_70 : memref<1x10112x64xf32, #tpu.memory_space<hbm>> -> memref<10112x64xf32, #tpu.memory_space<hbm>>
      %dma_start3A_72 = arith.constant 0 : i32
      %dma_start3A_73 = tpu.memref_slice %dma_start3A_71[%mul3A_67, %dma_start3A_72] : memref<10112x64xf32, #tpu.memory_space<hbm>> -> memref<632x64xf32, #tpu.memory_space<hbm>>
      %dma_start3A_74 = arith.constant 0 : i32
      %dma_start3A_75 = tpu.memref_slice %arg13[%mul3A_65, %dma_start3A_74] : memref<10112x64xf32, #tpu.memory_space<vmem_shared>> -> memref<632x64xf32, #tpu.memory_space<vmem_shared>>
      tpu.enqueue_dma source(%dma_start3A_75 : memref<632x64xf32, #tpu.memory_space<vmem_shared>>) target(%dma_start3A_73 : memref<632x64xf32, #tpu.memory_space<hbm>>) target_semaphore(%run_scoped3A : memref<!tpu.dma_semaphore, #tpu.memory_space<semaphore_mem>>)
      %dma_wait3A_76 = arith.constant 0 : i32
      %dma_wait3A_77 = arith.constant 0 : i32
      %dma_wait3A_78 = tpu.memref_slice %arg6[%arg0, %dma_wait3A_76, %dma_wait3A_77] : memref<2x10112x64xf32, #tpu.memory_space<hbm>> -> memref<1x10112x64xf32, #tpu.memory_space<hbm>>
      %dma_wait3A_79 = tpu.memref_squeeze %dma_wait3A_78 : memref<1x10112x64xf32, #tpu.memory_space<hbm>> -> memref<10112x64xf32, #tpu.memory_space<hbm>>
      %dma_wait3A_80 = arith.constant 0 : i32
      %dma_wait3A_81 = tpu.memref_slice %dma_wait3A_79[%mul3A_67, %dma_wait3A_80] : memref<10112x64xf32, #tpu.memory_space<hbm>> -> memref<632x64xf32, #tpu.memory_space<hbm>>
      %dma_wait3A_82 = arith.constant 0 : i32
      %dma_wait3A_83 = tpu.memref_slice %arg13[%mul3A_65, %dma_wait3A_82] : memref<10112x64xf32, #tpu.memory_space<vmem_shared>> -> memref<632x64xf32, #tpu.memory_space<vmem_shared>>
      tpu.wait_dma2 semaphore(%run_scoped3A : memref<!tpu.dma_semaphore, #tpu.memory_space<semaphore_mem>>) src(%dma_wait3A_83 : memref<632x64xf32, #tpu.memory_space<vmem_shared>>) dst(%dma_wait3A_81 : memref<632x64xf32, #tpu.memory_space<hbm>>)
      tpu.yield
    }) : () -> ()
    return
  }
}

module attributes {stable_mosaic.version = 14 : i64} {
  func.func @_tc_lin_body(%arg0: i32, %arg1: memref<1000x128xf32, #tpu.memory_space<vmem>>, %arg2: memref<128x128xf32, #tpu.memory_space<vmem>>, %arg3: memref<1000x128xf32, #tpu.memory_space<vmem>>) attributes {dimension_semantics = [#tpu.dimension_semantics<arbitrary>], iteration_bounds = array<i64: 10>, scalar_prefetch = 0 : i64, scratch_operands = 0 : i64, tpu.core_type = #tpu.core_type<tc>, window_params = [{transform_indices = @transform_0, window_bounds = array<i64: 1000, 128>}, {pipeline_mode = #tpu.pipeline_mode<synchronous>, transform_indices = @transform_1, window_bounds = array<i64: 128, 128>}, {transform_indices = @transform_2, window_bounds = array<i64: 1000, 128>}]} {
    %get3A = arith.constant 0 : index
    %get3A_0 = arith.constant 0 : index
    %get3A_1 = vector.load %arg1[%get3A, %get3A_0] : memref<1000x128xf32, #tpu.memory_space<vmem>>, vector<1000x128xf32>
    %get3A_2 = arith.constant 0 : index
    %get3A_3 = arith.constant 0 : index
    %get3A_4 = vector.load %arg2[%get3A_2, %get3A_3] : memref<128x128xf32, #tpu.memory_space<vmem>>, vector<128x128xf32>
    %dot_general3A = arith.constant dense<0.000000e+00> : vector<1000x128xf32>
    %dot_general3A_5 = tpu.matmul %get3A_1, %get3A_4, %dot_general3A {dimension_numbers = #tpu.dot_dimension_numbers<[1], [0], [0], [1], [0, 0, 1, 1], [], []>, precision = #tpu.contract_precision<fp32>, transpose_lhs_hint = false} : vector<1000x128xf32>, vector<128x128xf32>, vector<1000x128xf32> -> vector<1000x128xf32>
    %swap3A = arith.constant 0 : index
    %swap3A_6 = arith.constant 0 : index
    %swap3A_7 = vector.load %arg3[%swap3A, %swap3A_6] : memref<1000x128xf32, #tpu.memory_space<vmem>>, vector<1000x128xf32>
    tpu.vector_store %arg3[%swap3A, %swap3A_6], %dot_general3A_5 {strides = array<i32>} : memref<1000x128xf32, #tpu.memory_space<vmem>>, vector<1000x128xf32>,
    return
  }
  func.func @transform_0(%arg0: i32) -> (i32, i32) {
    %c0_i32 = arith.constant 0 : i32
    %c0_i32_0 = arith.constant 0 : i32
    return %arg0, %c0_i32 : i32, i32
  }
  func.func @transform_1(%arg0: i32) -> (i32, i32) {
    %c0_i32 = arith.constant 0 : i32
    %c0_i32_0 = arith.constant 0 : i32
    %c0_i32_1 = arith.constant 0 : i32
    return %c0_i32, %c0_i32_0 : i32, i32
  }
  func.func @transform_2(%arg0: i32) -> (i32, i32) {
    %c0_i32 = arith.constant 0 : i32
    %c0_i32_0 = arith.constant 0 : i32
    return %arg0, %c0_i32 : i32, i32
  }
}

module attributes {stable_mosaic.version = 14 : i64} {
  func.func @_tc_scale_body(%arg0: i32, %arg1: memref<1000x128xf32, #tpu.memory_space<vmem>>, %arg2: memref<2x1000x16xf32, #tpu.memory_space<vmem>>, %arg3: memref<2x1000x64xf32, #tpu.memory_space<vmem>>, %arg4: memref<1000x1xf32, #tpu.memory_space<vmem>>) attributes {dimension_semantics = [#tpu.dimension_semantics<arbitrary>], iteration_bounds = array<i64: 10>, scalar_prefetch = 0 : i64, scratch_operands = 0 : i64, tpu.core_type = #tpu.core_type<tc>, window_params = [{transform_indices = @transform_0, window_bounds = array<i64: 1000, 128>}, {transform_indices = @transform_1, window_bounds = array<i64: 2, 1000, 16>}, {transform_indices = @transform_2, window_bounds = array<i64: 2, 1000, 64>}, {transform_indices = @transform_3, window_bounds = array<i64: 1000, 1>}]} {
    %get3A = arith.constant 0 : index
    %get3A_0 = arith.constant 0 : index
    %get3A_1 = arith.constant 0 : index
    %get3A_2 = vector.load %arg2[%get3A, %get3A_0, %get3A_1] : memref<2x1000x16xf32, #tpu.memory_space<vmem>>, vector<1x1000x1xf32>
    %get3A_3 = vector.shape_cast %get3A_2 : vector<1x1000x1xf32> to vector<1000x1xf32>
    %get3A_4 = arith.constant 1 : index
    %get3A_5 = arith.constant 0 : index
    %get3A_6 = arith.constant 0 : index
    %get3A_7 = vector.load %arg2[%get3A_4, %get3A_5, %get3A_6] : memref<2x1000x16xf32, #tpu.memory_space<vmem>>, vector<1x1000x1xf32>
    %get3A_8 = vector.shape_cast %get3A_7 : vector<1x1000x1xf32> to vector<1000x1xf32>
    %add3A = arith.addf %get3A_3, %get3A_8 : vector<1000x1xf32>
    %add3A_9 = arith.constant 1.000000e+00 : f32
    %add3A_10 = vector.broadcast %add3A_9 : f32 to vector<1000x1xf32>
    %add3A_11 = arith.addf %add3A, %add3A_10 : vector<1000x1xf32>
    %rsqrt3A = math.rsqrt %add3A_11 : vector<1000x1xf32>
    %get3A_12 = arith.constant 0 : index
    %get3A_13 = arith.constant 0 : index
    %get3A_14 = vector.load %arg1[%get3A_12, %get3A_13] : memref<1000x128xf32, #tpu.memory_space<vmem>>, vector<1000x128xf32>
    %mul3A = vector.broadcast %rsqrt3A : vector<1000x1xf32> to vector<1000x128xf32>
    %mul3A_15 = arith.mulf %get3A_14, %mul3A : vector<1000x128xf32>
    %slice3A = vector.extract_strided_slice %mul3A_15 {offsets = [0, 0], sizes = [1000, 64], strides = [1, 1]} : vector<1000x128xf32> to vector<1000x64xf32>
    %swap3A = arith.constant 0 : index
    %swap3A_16 = arith.constant 0 : index
    %swap3A_17 = arith.constant 0 : index
    %swap3A_18 = vector.load %arg3[%swap3A, %swap3A_16, %swap3A_17] : memref<2x1000x64xf32, #tpu.memory_space<vmem>>, vector<1x1000x64xf32>
    %swap3A_19 = vector.shape_cast %swap3A_18 : vector<1x1000x64xf32> to vector<1000x64xf32>
    %swap3A_20 = vector.shape_cast %slice3A : vector<1000x64xf32> to vector<1x1000x64xf32>
    tpu.vector_store %arg3[%swap3A, %swap3A_16, %swap3A_17], %swap3A_20 {strides = array<i32>} : memref<2x1000x64xf32, #tpu.memory_space<vmem>>, vector<1x1000x64xf32>,
    %slice3A_21 = vector.extract_strided_slice %mul3A_15 {offsets = [0, 64], sizes = [1000, 64], strides = [1, 1]} : vector<1000x128xf32> to vector<1000x64xf32>
    %swap3A_22 = arith.constant 1 : index
    %swap3A_23 = arith.constant 0 : index
    %swap3A_24 = arith.constant 0 : index
    %swap3A_25 = vector.load %arg3[%swap3A_22, %swap3A_23, %swap3A_24] : memref<2x1000x64xf32, #tpu.memory_space<vmem>>, vector<1x1000x64xf32>
    %swap3A_26 = vector.shape_cast %swap3A_25 : vector<1x1000x64xf32> to vector<1000x64xf32>
    %swap3A_27 = vector.shape_cast %slice3A_21 : vector<1000x64xf32> to vector<1x1000x64xf32>
    tpu.vector_store %arg3[%swap3A_22, %swap3A_23, %swap3A_24], %swap3A_27 {strides = array<i32>} : memref<2x1000x64xf32, #tpu.memory_space<vmem>>, vector<1x1000x64xf32>,
    %swap3A_28 = arith.constant 0 : index
    %swap3A_29 = arith.constant 0 : index
    %swap3A_30 = vector.load %arg4[%swap3A_28, %swap3A_29] : memref<1000x1xf32, #tpu.memory_space<vmem>>, vector<1000x1xf32>
    tpu.vector_store %arg4[%swap3A_28, %swap3A_29], %rsqrt3A {strides = array<i32>} : memref<1000x1xf32, #tpu.memory_space<vmem>>, vector<1000x1xf32>,
    return
  }
  func.func @transform_0(%arg0: i32) -> (i32, i32) {
    %c0_i32 = arith.constant 0 : i32
    %c0_i32_0 = arith.constant 0 : i32
    return %arg0, %c0_i32 : i32, i32
  }
  func.func @transform_1(%arg0: i32) -> (i32, i32, i32) {
    %c0_i32 = arith.constant 0 : i32
    %c0_i32_0 = arith.constant 0 : i32
    %c0_i32_1 = arith.constant 0 : i32
    return %c0_i32, %arg0, %c0_i32_0 : i32, i32, i32
  }
  func.func @transform_2(%arg0: i32) -> (i32, i32, i32) {
    %c0_i32 = arith.constant 0 : i32
    %c0_i32_0 = arith.constant 0 : i32
    %c0_i32_1 = arith.constant 0 : i32
    return %c0_i32, %arg0, %c0_i32_0 : i32, i32, i32
  }
  func.func @transform_3(%arg0: i32) -> (i32, i32) {
    %c0_i32 = arith.constant 0 : i32
    %c0_i32_0 = arith.constant 0 : i32
    return %arg0, %c0_i32 : i32, i32
  }
}

module attributes {stable_mosaic.version = 14 : i64} {
  func.func @_tc_mid_body(%arg0: i32, %arg1: memref<2x1000x64xf32, #tpu.memory_space<vmem>>, %arg2: memref<2x1000x64xf32, #tpu.memory_space<vmem>>, %arg3: memref<1000x1xf32, #tpu.memory_space<vmem>>, %arg4: memref<1x128xf32, #tpu.memory_space<vmem>>, %arg5: memref<128x128xf32, #tpu.memory_space<vmem>>, %arg6: memref<2x1000x64xf32, #tpu.memory_space<vmem>>) attributes {dimension_semantics = [#tpu.dimension_semantics<arbitrary>], iteration_bounds = array<i64: 10>, scalar_prefetch = 0 : i64, scratch_operands = 0 : i64, tpu.core_type = #tpu.core_type<tc>, window_params = [{transform_indices = @transform_0, window_bounds = array<i64: 2, 1000, 64>}, {transform_indices = @transform_1, window_bounds = array<i64: 2, 1000, 64>}, {transform_indices = @transform_2, window_bounds = array<i64: 1000, 1>}, {pipeline_mode = #tpu.pipeline_mode<synchronous>, transform_indices = @transform_3, window_bounds = array<i64: 1, 128>}, {pipeline_mode = #tpu.pipeline_mode<synchronous>, transform_indices = @transform_4, window_bounds = array<i64: 128, 128>}, {transform_indices = @transform_5, window_bounds = array<i64: 2, 1000, 64>}]} {
    %get3A = arith.constant 0 : index
    %get3A_0 = arith.constant 0 : index
    %get3A_1 = vector.load %arg3[%get3A, %get3A_0] : memref<1000x1xf32, #tpu.memory_space<vmem>>, vector<1000x1xf32>
    %get3A_2 = arith.constant 0 : index
    %get3A_3 = arith.constant 0 : index
    %get3A_4 = arith.constant 0 : index
    %get3A_5 = vector.load %arg1[%get3A_2, %get3A_3, %get3A_4] : memref<2x1000x64xf32, #tpu.memory_space<vmem>>, vector<1x1000x64xf32>
    %get3A_6 = vector.shape_cast %get3A_5 : vector<1x1000x64xf32> to vector<1000x64xf32>
    %get3A_7 = arith.constant 0 : index
    %get3A_8 = arith.constant 0 : index
    %get3A_9 = arith.constant 0 : index
    %get3A_10 = vector.load %arg2[%get3A_7, %get3A_8, %get3A_9] : memref<2x1000x64xf32, #tpu.memory_space<vmem>>, vector<1x1000x64xf32>
    %get3A_11 = vector.shape_cast %get3A_10 : vector<1x1000x64xf32> to vector<1000x64xf32>
    %add3A = arith.addf %get3A_6, %get3A_11 : vector<1000x64xf32>
    %get3A_12 = arith.constant 1 : index
    %get3A_13 = arith.constant 0 : index
    %get3A_14 = arith.constant 0 : index
    %get3A_15 = vector.load %arg1[%get3A_12, %get3A_13, %get3A_14] : memref<2x1000x64xf32, #tpu.memory_space<vmem>>, vector<1x1000x64xf32>
    %get3A_16 = vector.shape_cast %get3A_15 : vector<1x1000x64xf32> to vector<1000x64xf32>
    %get3A_17 = arith.constant 1 : index
    %get3A_18 = arith.constant 0 : index
    %get3A_19 = arith.constant 0 : index
    %get3A_20 = vector.load %arg2[%get3A_17, %get3A_18, %get3A_19] : memref<2x1000x64xf32, #tpu.memory_space<vmem>>, vector<1x1000x64xf32>
    %get3A_21 = vector.shape_cast %get3A_20 : vector<1x1000x64xf32> to vector<1000x64xf32>
    %add3A_22 = arith.addf %get3A_16, %get3A_21 : vector<1000x64xf32>
    %concatenate3A = tpu.concatenate %add3A, %add3A_22 in 1 : vector<1000x64xf32>, vector<1000x64xf32> -> vector<1000x128xf32>
    %mul3A = vector.broadcast %get3A_1 : vector<1000x1xf32> to vector<1000x128xf32>
    %mul3A_23 = arith.mulf %concatenate3A, %mul3A : vector<1000x128xf32>
    %get3A_24 = arith.constant 0 : index
    %get3A_25 = arith.constant 0 : index
    %get3A_26 = vector.load %arg4[%get3A_24, %get3A_25] : memref<1x128xf32, #tpu.memory_space<vmem>>, vector<1x128xf32>
    %add3A_27 = vector.broadcast %get3A_26 : vector<1x128xf32> to vector<1000x128xf32>
    %add3A_28 = arith.addf %mul3A_23, %add3A_27 : vector<1000x128xf32>
    %max3A = arith.constant 0.000000e+00 : f32
    %max3A_29 = vector.broadcast %max3A : f32 to vector<1000x128xf32>
    %max3A_30 = arith.maximumf %add3A_28, %max3A_29 : vector<1000x128xf32>
    %get3A_31 = arith.constant 0 : index
    %get3A_32 = arith.constant 0 : index
    %get3A_33 = vector.load %arg5[%get3A_31, %get3A_32] : memref<128x128xf32, #tpu.memory_space<vmem>>, vector<128x128xf32>
    %dot_general3A = arith.constant dense<0.000000e+00> : vector<1000x128xf32>
    %dot_general3A_34 = tpu.matmul %max3A_30, %get3A_33, %dot_general3A {dimension_numbers = #tpu.dot_dimension_numbers<[1], [0], [0], [1], [0, 0, 1, 1], [], []>, precision = #tpu.contract_precision<fp32>, transpose_lhs_hint = false} : vector<1000x128xf32>, vector<128x128xf32>, vector<1000x128xf32> -> vector<1000x128xf32>
    %mul3A_35 = vector.broadcast %get3A_1 : vector<1000x1xf32> to vector<1000x128xf32>
    %mul3A_36 = arith.mulf %dot_general3A_34, %mul3A_35 : vector<1000x128xf32>
    %slice3A = vector.extract_strided_slice %mul3A_36 {offsets = [0, 0], sizes = [1000, 64], strides = [1, 1]} : vector<1000x128xf32> to vector<1000x64xf32>
    %swap3A = arith.constant 0 : index
    %swap3A_37 = arith.constant 0 : index
    %swap3A_38 = arith.constant 0 : index
    %swap3A_39 = vector.load %arg6[%swap3A, %swap3A_37, %swap3A_38] : memref<2x1000x64xf32, #tpu.memory_space<vmem>>, vector<1x1000x64xf32>
    %swap3A_40 = vector.shape_cast %swap3A_39 : vector<1x1000x64xf32> to vector<1000x64xf32>
    %swap3A_41 = vector.shape_cast %slice3A : vector<1000x64xf32> to vector<1x1000x64xf32>
    tpu.vector_store %arg6[%swap3A, %swap3A_37, %swap3A_38], %swap3A_41 {strides = array<i32>} : memref<2x1000x64xf32, #tpu.memory_space<vmem>>, vector<1x1000x64xf32>,
    %slice3A_42 = vector.extract_strided_slice %mul3A_36 {offsets = [0, 64], sizes = [1000, 64], strides = [1, 1]} : vector<1000x128xf32> to vector<1000x64xf32>
    %swap3A_43 = arith.constant 1 : index
    %swap3A_44 = arith.constant 0 : index
    %swap3A_45 = arith.constant 0 : index
    %swap3A_46 = vector.load %arg6[%swap3A_43, %swap3A_44, %swap3A_45] : memref<2x1000x64xf32, #tpu.memory_space<vmem>>, vector<1x1000x64xf32>
    %swap3A_47 = vector.shape_cast %swap3A_46 : vector<1x1000x64xf32> to vector<1000x64xf32>
    %swap3A_48 = vector.shape_cast %slice3A_42 : vector<1000x64xf32> to vector<1x1000x64xf32>
    tpu.vector_store %arg6[%swap3A_43, %swap3A_44, %swap3A_45], %swap3A_48 {strides = array<i32>} : memref<2x1000x64xf32, #tpu.memory_space<vmem>>, vector<1x1000x64xf32>,
    return
  }
  func.func @transform_0(%arg0: i32) -> (i32, i32, i32) {
    %c0_i32 = arith.constant 0 : i32
    %c0_i32_0 = arith.constant 0 : i32
    %c0_i32_1 = arith.constant 0 : i32
    return %c0_i32, %arg0, %c0_i32_0 : i32, i32, i32
  }
  func.func @transform_1(%arg0: i32) -> (i32, i32, i32) {
    %c0_i32 = arith.constant 0 : i32
    %c0_i32_0 = arith.constant 0 : i32
    %c0_i32_1 = arith.constant 0 : i32
    return %c0_i32, %arg0, %c0_i32_0 : i32, i32, i32
  }
  func.func @transform_2(%arg0: i32) -> (i32, i32) {
    %c0_i32 = arith.constant 0 : i32
    %c0_i32_0 = arith.constant 0 : i32
    return %arg0, %c0_i32 : i32, i32
  }
  func.func @transform_3(%arg0: i32) -> (i32, i32) {
    %c0_i32 = arith.constant 0 : i32
    %c0_i32_0 = arith.constant 0 : i32
    %c0_i32_1 = arith.constant 0 : i32
    return %c0_i32, %c0_i32_0 : i32, i32
  }
  func.func @transform_4(%arg0: i32) -> (i32, i32) {
    %c0_i32 = arith.constant 0 : i32
    %c0_i32_0 = arith.constant 0 : i32
    %c0_i32_1 = arith.constant 0 : i32
    return %c0_i32, %c0_i32_0 : i32, i32
  }
  func.func @transform_5(%arg0: i32) -> (i32, i32, i32) {
    %c0_i32 = arith.constant 0 : i32
    %c0_i32_0 = arith.constant 0 : i32
    %c0_i32_1 = arith.constant 0 : i32
    return %c0_i32, %arg0, %c0_i32_0 : i32, i32, i32
  }
}

module attributes {stable_mosaic.version = 14 : i64} {
  func.func @_tc_last_body(%arg0: i32, %arg1: memref<2x1000x64xf32, #tpu.memory_space<vmem>>, %arg2: memref<2x1000x64xf32, #tpu.memory_space<vmem>>, %arg3: memref<1000x1xf32, #tpu.memory_space<vmem>>, %arg4: memref<1x128xf32, #tpu.memory_space<vmem>>, %arg5: memref<128x64xf32, #tpu.memory_space<vmem>>, %arg6: memref<1x64xf32, #tpu.memory_space<vmem>>, %arg7: memref<1000x64xf32, #tpu.memory_space<vmem>>) attributes {dimension_semantics = [#tpu.dimension_semantics<arbitrary>], iteration_bounds = array<i64: 10>, scalar_prefetch = 0 : i64, scratch_operands = 0 : i64, tpu.core_type = #tpu.core_type<tc>, window_params = [{transform_indices = @transform_0, window_bounds = array<i64: 2, 1000, 64>}, {transform_indices = @transform_1, window_bounds = array<i64: 2, 1000, 64>}, {transform_indices = @transform_2, window_bounds = array<i64: 1000, 1>}, {pipeline_mode = #tpu.pipeline_mode<synchronous>, transform_indices = @transform_3, window_bounds = array<i64: 1, 128>}, {pipeline_mode = #tpu.pipeline_mode<synchronous>, transform_indices = @transform_4, window_bounds = array<i64: 128, 64>}, {pipeline_mode = #tpu.pipeline_mode<synchronous>, transform_indices = @transform_5, window_bounds = array<i64: 1, 64>}, {transform_indices = @transform_6, window_bounds = array<i64: 1000, 64>}]} {
    %get3A = arith.constant 0 : index
    %get3A_0 = arith.constant 0 : index
    %get3A_1 = vector.load %arg3[%get3A, %get3A_0] : memref<1000x1xf32, #tpu.memory_space<vmem>>, vector<1000x1xf32>
    %get3A_2 = arith.constant 0 : index
    %get3A_3 = arith.constant 0 : index
    %get3A_4 = arith.constant 0 : index
    %get3A_5 = vector.load %arg1[%get3A_2, %get3A_3, %get3A_4] : memref<2x1000x64xf32, #tpu.memory_space<vmem>>, vector<1x1000x64xf32>
    %get3A_6 = vector.shape_cast %get3A_5 : vector<1x1000x64xf32> to vector<1000x64xf32>
    %get3A_7 = arith.constant 0 : index
    %get3A_8 = arith.constant 0 : index
    %get3A_9 = arith.constant 0 : index
    %get3A_10 = vector.load %arg2[%get3A_7, %get3A_8, %get3A_9] : memref<2x1000x64xf32, #tpu.memory_space<vmem>>, vector<1x1000x64xf32>
    %get3A_11 = vector.shape_cast %get3A_10 : vector<1x1000x64xf32> to vector<1000x64xf32>
    %add3A = arith.addf %get3A_6, %get3A_11 : vector<1000x64xf32>
    %get3A_12 = arith.constant 1 : index
    %get3A_13 = arith.constant 0 : index
    %get3A_14 = arith.constant 0 : index
    %get3A_15 = vector.load %arg1[%get3A_12, %get3A_13, %get3A_14] : memref<2x1000x64xf32, #tpu.memory_space<vmem>>, vector<1x1000x64xf32>
    %get3A_16 = vector.shape_cast %get3A_15 : vector<1x1000x64xf32> to vector<1000x64xf32>
    %get3A_17 = arith.constant 1 : index
    %get3A_18 = arith.constant 0 : index
    %get3A_19 = arith.constant 0 : index
    %get3A_20 = vector.load %arg2[%get3A_17, %get3A_18, %get3A_19] : memref<2x1000x64xf32, #tpu.memory_space<vmem>>, vector<1x1000x64xf32>
    %get3A_21 = vector.shape_cast %get3A_20 : vector<1x1000x64xf32> to vector<1000x64xf32>
    %add3A_22 = arith.addf %get3A_16, %get3A_21 : vector<1000x64xf32>
    %concatenate3A = tpu.concatenate %add3A, %add3A_22 in 1 : vector<1000x64xf32>, vector<1000x64xf32> -> vector<1000x128xf32>
    %mul3A = vector.broadcast %get3A_1 : vector<1000x1xf32> to vector<1000x128xf32>
    %mul3A_23 = arith.mulf %concatenate3A, %mul3A : vector<1000x128xf32>
    %get3A_24 = arith.constant 0 : index
    %get3A_25 = arith.constant 0 : index
    %get3A_26 = vector.load %arg4[%get3A_24, %get3A_25] : memref<1x128xf32, #tpu.memory_space<vmem>>, vector<1x128xf32>
    %add3A_27 = vector.broadcast %get3A_26 : vector<1x128xf32> to vector<1000x128xf32>
    %add3A_28 = arith.addf %mul3A_23, %add3A_27 : vector<1000x128xf32>
    %max3A = arith.constant 0.000000e+00 : f32
    %max3A_29 = vector.broadcast %max3A : f32 to vector<1000x128xf32>
    %max3A_30 = arith.maximumf %add3A_28, %max3A_29 : vector<1000x128xf32>
    %get3A_31 = arith.constant 0 : index
    %get3A_32 = arith.constant 0 : index
    %get3A_33 = vector.load %arg5[%get3A_31, %get3A_32] : memref<128x64xf32, #tpu.memory_space<vmem>>, vector<128x64xf32>
    %dot_general3A = arith.constant dense<0.000000e+00> : vector<1000x64xf32>
    %dot_general3A_34 = tpu.matmul %max3A_30, %get3A_33, %dot_general3A {dimension_numbers = #tpu.dot_dimension_numbers<[1], [0], [0], [1], [0, 0, 1, 1], [], []>, precision = #tpu.contract_precision<fp32>, transpose_lhs_hint = false} : vector<1000x128xf32>, vector<128x64xf32>, vector<1000x64xf32> -> vector<1000x64xf32>
    %get3A_35 = arith.constant 0 : index
    %get3A_36 = arith.constant 0 : index
    %get3A_37 = vector.load %arg6[%get3A_35, %get3A_36] : memref<1x64xf32, #tpu.memory_space<vmem>>, vector<1x64xf32>
    %add3A_38 = vector.broadcast %get3A_37 : vector<1x64xf32> to vector<1000x64xf32>
    %add3A_39 = arith.addf %dot_general3A_34, %add3A_38 : vector<1000x64xf32>
    %swap3A = arith.constant 0 : index
    %swap3A_40 = arith.constant 0 : index
    %swap3A_41 = vector.load %arg7[%swap3A, %swap3A_40] : memref<1000x64xf32, #tpu.memory_space<vmem>>, vector<1000x64xf32>
    tpu.vector_store %arg7[%swap3A, %swap3A_40], %add3A_39 {strides = array<i32>} : memref<1000x64xf32, #tpu.memory_space<vmem>>, vector<1000x64xf32>,
    return
  }
  func.func @transform_0(%arg0: i32) -> (i32, i32, i32) {
    %c0_i32 = arith.constant 0 : i32
    %c0_i32_0 = arith.constant 0 : i32
    %c0_i32_1 = arith.constant 0 : i32
    return %c0_i32, %arg0, %c0_i32_0 : i32, i32, i32
  }
  func.func @transform_1(%arg0: i32) -> (i32, i32, i32) {
    %c0_i32 = arith.constant 0 : i32
    %c0_i32_0 = arith.constant 0 : i32
    %c0_i32_1 = arith.constant 0 : i32
    return %c0_i32, %arg0, %c0_i32_0 : i32, i32, i32
  }
  func.func @transform_2(%arg0: i32) -> (i32, i32) {
    %c0_i32 = arith.constant 0 : i32
    %c0_i32_0 = arith.constant 0 : i32
    return %arg0, %c0_i32 : i32, i32
  }
  func.func @transform_3(%arg0: i32) -> (i32, i32) {
    %c0_i32 = arith.constant 0 : i32
    %c0_i32_0 = arith.constant 0 : i32
    %c0_i32_1 = arith.constant 0 : i32
    return %c0_i32, %c0_i32_0 : i32, i32
  }
  func.func @transform_4(%arg0: i32) -> (i32, i32) {
    %c0_i32 = arith.constant 0 : i32
    %c0_i32_0 = arith.constant 0 : i32
    %c0_i32_1 = arith.constant 0 : i32
    return %c0_i32, %c0_i32_0 : i32, i32
  }
  func.func @transform_5(%arg0: i32) -> (i32, i32) {
    %c0_i32 = arith.constant 0 : i32
    %c0_i32_0 = arith.constant 0 : i32
    %c0_i32_1 = arith.constant 0 : i32
    return %c0_i32, %c0_i32_0 : i32, i32
  }
  func.func @transform_6(%arg0: i32) -> (i32, i32) {
    %c0_i32 = arith.constant 0 : i32
    %c0_i32_0 = arith.constant 0 : i32
    return %arg0, %c0_i32 : i32, i32
  }
}

</mosaic_0001>

<sc_bundles>
// kernel: kernel.11.cloned.1.call-start
scs
__scs_entry_jumppad:
0x0: {  	(pc) =	sbr.rel $0x88, $3  }
0x1: {  	(tag) =	ssettag $0x0;
	lr =	simm.s32 $0x1  }
0x2: {  	[smem:$0x3F97] =	sst lr;
	_ =	strace $0xD0000000  }
0x3: {  	_ = 	snop  }
0x4: {  	_ = 	snop  }
0x5: {  	_ = 	snop  }
0x6: {  	_ = 	snop  }
0x7: {  	_ = 	snop  }
__scs_overlays_trampoline_lowered:
0x8: {  	[smem:$0x3FA6] =	sst s0  }
0x9: {  	[smem:$0x3FA7] =	sst s1  }
0xa: {  	[smem:$0x3FA8] =	sst s2  }
0xb: {  	[smem:$0x3FA9] =	sst s3  }
0xc: {  	[smem:$0x3FAA] =	sst s4  }
0xd: {  	[smem:$0x3FAB] =	sst s5  }
0xe: {  	[smem:$0x3FAC] =	sst s6  }
0xf: {  	[smem:$0x3FAD] =	sst s7  }
0x10: {  	[smem:$0x3FAE] =	sst s8  }
0x11: {  	[smem:$0x3FAF] =	sst s9;
	s0 =	simm.s32 @!p0 $0x0  }
0x12: {  	s1 =	sld [smem:$0x3F95];
	s0 =	simm.s32 @p0 $0x1  }
0x13: {  	[smem:$0x3FB0] =	sst s0;
	s0 =	simm.s32 @!p1 $0x0  }
0x14: {  	s2 =	sld [smem:$0x3F94];
	s0 =	simm.s32 @p1 $0x1  }
0x15: {  	[smem:$0x3FB1] =	sst s0;
	s0 =	simm.s32 @!p2 $0x0  }
0x16: {  	s3 =	sld [smem:$0x3FDB];
	s0 =	simm.s32 @p2 $0x1  }
0x17: {  	s4 =	simm.s32 $0x1BF5;
	[smem:$0x3FB3] =	sst s0  }
0x18: {  	s0 =	sld [smem:$0x3F96];
	_ =	swait.ge [sflag:s4], $0x0  }
0x19: {  	s7 =	sld [smem:$0x3F97]  }
0x1a: {  	s8 =	sadd.s32 $0xFFFFE003, lr  }
0x1b: {  	s9 =	sadd.s32 $0xFFFFFEF7, lr;
	s5 =	simm.s32 $0xFFFFFFFF;
	p2 =	slt.u32 s8, $0xFFFFF086  }
0x1c: {  	p1 =	slt.u32 s9, $0xF7A;
	s5 =	simm.s32 @!p2 $0x0  }
0x1d: {  	s5 =	simm.s32 @p1 $0x1;
	p0 =	seq.s32 s7, s2  }
0x1e: {  	s7 =	smul.u32 @!p0 $0xF7A, s2;
	p2 =	seq.s32 @!p0 s5, $0x0  }
0x1f: {  	s9 =	smul.u32 $0xF7A, s1;
	s8 =	simm.s32 @!p0 $0x1BF5;
	p2 =	por !p2, p0  }
0x20: {  	[sflag:s8] =	ssyncset.s32 @!p0 $0xFFFFF086;
	s6 =	sadd.s32 @!p0 s3, s7;
	s7 =	simm.s32 @!p0 $0x108  }
0x21: {  	s3 =	sadd.s32 s3, s9;
	s6 =	sadd.s32 @!p0 $0x88, s6;
	s7 =	simm.s32 @p2 $0x1082  }
0x22: {  	[simem:s7], [sflag:s8] =	dma.local @!p0 [hbm:s6], $0xF7A  }
0x23: {  	s9 =	sor.u32 $0xD0000000, s2;
	s6 =	simm.s32 $0x108;
	_ =	swait.ge @!p0 [sflag:s8], $0x0  }
0x24: {  	s3 =	sadd.s32 $0x88, s3;
	s6 =	simm.s32 @!p1 $0x1082;
	[sflag:s4] =	ssyncset.s32 $0xFFFFF086  }
0x25: {  	[simem:s6], [sflag:s4] =	dma.local [hbm:s3], $0xF7A  }
0x26: {  	[smem:$0x3F97] =	sst s1;
	(tag) =	ssettag s2;
	_ =	strace s9  }
0x27: {  	s1 =	sld [smem:$0x3FA7]  }
0x28: {  	s2 =	sld [smem:$0x3FA8]  }
0x29: {  	s4 =	sld [smem:$0x3FAA]  }
0x2a: {  	p0 =	seq.s32 s5, $0x0;
	s5 =	sld [smem:$0x3FAB]  }
0x2b: {  	s6 =	sld [smem:$0x3FAC]  }
0x2c: {  	s7 =	sld [smem:$0x3FAD]  }
0x2d: {  	s3 =	simm.s32 $0x108;
	s8 =	sld [smem:$0x3FAE]  }
0x2e: {  	s3 =	simm.s32 @!p0 $0x1082;
	s9 =	sld [smem:$0x3FAF]  }
0x2f: {  	lr =	sadd.s32 s0, s3;
	s0 =	sld [smem:$0x3FA6]  }
0x30: {  	s3 =	sld [smem:$0x3FA9]  }
0x31: {  	[smem:$0x3FB2] =	sst s10  }
0x32: {  	s10 =	sld [smem:$0x3FB0];
	_ =	sdelay $0x3  }
0x33: {  	p0 =	seq.s32 s10, $0x1;
	s10 =	sld [smem:$0x3FB2];
	_ =	sdelay $0x3  }
0x34: {  	[smem:$0x3FB2] =	sst s10  }
0x35: {  	s10 =	sld [smem:$0x3FB1];
	_ =	sdelay $0x3  }
0x36: {  	p1 =	seq.s32 s10, $0x1;
	s10 =	sld [smem:$0x3FB2];
	_ =	sdelay $0x3  }
0x37: {  	[smem:$0x3FB2] =	sst s10  }
0x38: {  	s10 =	sld [smem:$0x3FB3]  }
0x39: {  	_ = 	snop;
	(pc) =	sbr.ind lr, $3  }
0x3a: {  	_ = 	snop  }
0x3b: {  	_ = 	snop  }
0x3c: {  	p2 =	seq.s32 s10, $0x1;
	s10 =	sld [smem:$0x3FB2]  }
0x3d: {  	_ =	shalt  }
0x3e: {  	_ =	shalt  }
0x3f: {  	_ =	shalt  }
0x40: {  	_ =	shalt  }
0x41: {  	_ =	shalt  }
0x42: {  	_ =	shalt  }
0x43: {  	_ =	shalt  }
0x44: {  	_ =	shalt  }
0x45: {  	_ =	shalt  }
0x46: {  	_ =	shalt  }
0x47: {  	_ =	shalt  }
0x48: {  	_ =	shalt  }
0x49: {  	_ =	shalt  }
0x4a: {  	_ =	shalt  }
0x4b: {  	_ =	shalt  }
0x4c: {  	_ =	shalt  }
0x4d: {  	_ =	shalt  }
0x4e: {  	_ =	shalt  }
0x4f: {  	_ =	shalt  }
0x50: {  	_ =	shalt  }
0x51: {  	_ =	shalt  }
0x52: {  	_ =	shalt  }
0x53: {  	_ =	shalt  }
0x54: {  	_ =	shalt  }
0x55: {  	_ =	shalt  }
0x56: {  	_ =	shalt  }
0x57: {  	_ =	shalt  }
0x58: {  	_ =	shalt  }
0x59: {  	_ =	shalt  }
0x5a: {  	_ =	shalt  }
0x5b: {  	_ =	shalt  }
0x5c: {  	_ =	shalt  }
0x5d: {  	_ =	shalt  }
0x5e: {  	_ =	shalt  }
0x5f: {  	_ =	shalt  }
0x60: {  	_ =	shalt  }
0x61: {  	_ =	shalt  }
0x62: {  	_ =	shalt  }
0x63: {  	_ =	shalt  }
0x64: {  	_ =	shalt  }
0x65: {  	_ =	shalt  }
0x66: {  	_ =	shalt  }
0x67: {  	_ =	shalt  }
0x68: {  	_ =	shalt  }
0x69: {  	_ =	shalt  }
0x6a: {  	_ =	shalt  }
0x6b: {  	_ =	shalt  }
0x6c: {  	_ =	shalt  }
0x6d: {  	_ =	shalt  }
0x6e: {  	_ =	shalt  }
0x6f: {  	_ =	shalt  }
0x70: {  	_ =	shalt  }
0x71: {  	_ =	shalt  }
0x72: {  	_ =	shalt  }
0x73: {  	_ =	shalt  }
0x74: {  	_ =	shalt  }
0x75: {  	_ =	shalt  }
0x76: {  	_ =	shalt  }
0x77: {  	_ =	shalt  }
0x78: {  	_ =	shalt  }
0x79: {  	_ =	shalt  }
0x7a: {  	_ =	shalt  }
0x7b: {  	_ =	shalt  }
0x7c: {  	_ =	shalt  }
0x7d: {  	_ =	shalt  }
0x7e: {  	_ =	shalt  }
0x7f: {  	_ =	shalt  }
0x80: {  	_ =	shalt  }
0x81: {  	_ =	shalt  }
0x82: {  	_ =	shalt  }
0x83: {  	_ =	shalt  }
0x84: {  	_ =	shalt  }
0x85: {  	_ =	shalt  }
0x86: {  	_ =	shalt  }
0x87: {  	_ =	shalt  }
.Lfunc_end0:
.L_simem_size_0:
called_computation_lowered:
.L_overlay_start_0:
0x88: {  	s2 =	sld [smem:$0x3FD9]  }
0x89: {  	s3 =	sld [smem:$0x3FFE];
	_ =	sdelay $0x1  }
0x8a: {  	s1 =	srdreg.scid  }
0x8b: {  	s0 =	sand.u32 $0x1, s1  }
0x8c: {  	s17 =	sshll.u32 s0, $0xA;
	s2 =	sadd.s32 s3, s2  }
0x8d: {  	s2 =	sadd.s32 s2, s17  }
0x8e: {  	[smem:$0x3FBE] =	sst s2  }
0x8f: {  	_ = 	snop  }
0x90: {  	s2 =	sld [smem:$0x3FD0];
	(tm) =	ssettm $0x1  }
0x91: {  	s18 =	sld [smem:$0x3FFB];
	_ =	sdelay $0x3  }
0x92: {  	_ =	strace s18  }
0x93: {  	s3 =	sld [smem:$0x3FFC];
	_ =	sdelay $0x3  }
0x94: {  	_ =	strace s3  }
0x95: {  	s3 =	sld [smem:$0x3FFD];
	_ =	sdelay $0x3  }
0x96: {  	_ =	strace s3  }
0x97: {  	_ =	strace $0x8FFFFFFF  }
0x98: {  	s19 =	sld [smem:$0x3FDB];
	_ =	sdelay $0x1  }
0x99: {  	s4 =	simm.s32 $_scs_section_size  }
0x9a: {  	s5 =	simm.s32 $_size__tile_overlayer_lowered;
	s6 =	simm.s32 $_tile_overlayer_lowered  }
0x9b: {  	s22 =	simm.s32 $0x1BFF;
	s21 =	sshll.u32 s6, $0x1;
	s3 =	sadd.s32 s4, s19  }
0x9c: {  	s7 =	simm.s32 $0x0;
	s20 =	sshll.u32 s5, $0x1;
	s5 =	sadd.s32 s21, s3  }
0x9d: {  	[timem:s7], [sflag:s22] =	dma.local [hbm:s5], s20  }
0x9e: {  	_ =	swait.ge [sflag:s22], s20  }
0x9f: {  	s4 =	ssub.s32 $0x0, s20;
	[sflag:s22] =	ssyncset.done $0x0  }
0xa0: {  	[sflag:s22] =	ssyncadd.s32 s4;
	_ =	sdelay $0x1  }
0xa1: {  	s23 =	simm.s32 $0x1B8B  }
0xa2: {  	_ =	swait.ge [sflag:s23], $0x1  }
0xa3: {  	[sflag:s23] =	ssyncset.done $0x0  }
0xa4: {  	s25 =	simm.s32 $0x1B8E;
	s24 =	sld [smem:$0x3FFE];
	[sflag:s23] =	ssyncadd.s32 $0xFFFFFFFF  }
0xa5: {  	s26 =	simm.s32 $execute0_lowered;
	[smem:$0x3FD2] =	sst s25  }
0xa6: {  	s5 =	sshll.u32 s26, $0x1;
	_ =	strace $0x80000046;
	[dreg:$0x1] =	wrdreg $0xFFFFFFFF  }
0xa7: {  	s28 =	simm.s32 $_size_execute0_lowered;
	s3 =	sadd.s32 s3, s5;
	[dreg:$0x0] =	wrdreg $0x0  }
0xa8: {  	s5 =	sshll.u32 s28, $0x1;
	[dreg:$0x2] =	wrdreg s3  }
0xa9: {  	[dreg:$0x3] =	wrdreg s5  }
0xaa: {  	[dreg:$0x4] =	wrdreg $0xC0  }
0xab: {  	_ =	task [dreg:s7], $0x5FFFF  }
0xac: {  	[dreg:$0x1] =	wrdreg $0xFFFFFFFF  }
0xad: {  	[dreg:$0x0] =	wrdreg $0x60  }
0xae: {  	[dreg:$0x2] =	wrdreg s2  }
0xaf: {  	[dreg:$0x3] =	wrdreg s24  }
0xb0: {  	[dreg:$0x4] =	wrdreg $0x30000  }
0xb1: {  	[dreg:$0x5] =	wrdreg $0x9  }
0xb2: {  	_ =	task.clear_ibuf [dreg:s7], $0x6FFFF;
	_ =	strace $0x90000046  }
0xb3: {  	s29 =	simm.s32 $0x9;
	_ =	strace $0x80000048  }
0xb4: {  	_ =	swait.ge [sflag:s29], $0x1  }
0xb5: {  	[sflag:s29] =	ssyncadd.s32 $0xFFFFFFFF  }
0xb6: {  	_ =	strace $0x90000048  }
0xb7: {  	_ =	sfence  }
0xb8: {  	s30 =	sld [smem:$0x0];
	_ =	sdelay $0x2  }
0xb9: {  	s31 =	sshll.u32 s1, $0xD;
	s1 =	sshrl.u32 s1, $0x2  }
0xba: {  	s3 =	sand.u32 $0x4000, s31;
	s1 =	sadd.s32 s1, s30  }
0xbb: {  	s0 =	sor.u32 s3, s0;
	s1 =	sshll.u32 s1, $0x11  }
0xbc: {  	s0 =	sor.u32 s1, s0  }
0xbd: {  	s0 =	sadd.s32 $0x8F2B, s0  }
0xbe: {  	[sflag:s0] =	ssyncadd.remote.s32 $0x1  }
0xbf: {  	_ =	sfence.sel $0xFFFF  }
0xc0: {  	[dreg:$0x0] =	wrdreg $0xFFFFFFFF;
	(pc) =	sbr.abs _section_cstart, $3  }
0xc1: {  	[dreg:$0x1] =	wrdreg $0xFFFFFFFF  }
0xc2: {  	_ =	task.clear_ibuf [dreg:s7], $0x2FFFF;
	_ =	strace $0x9FFFFFFF  }
0xc3: {  	(tm) =	ssettm $0x7FFFFFFF  }
tec
execute0_lowered:
.L_overlay_start_1:
0x0: {  	(tag) =	ssettag $0x1  }
0x1: {  	s7 =	rddreg [dreg:$0x0]  }
0x2: {  	s6 =	rddreg [dreg:$0x1]  }
0x3: {  	s1 =	rddreg [dreg:$0x2]  }
0x4: {  	s0 =	rddreg [dreg:$0x3];
	s2 =	simm.s32 $0x0  }
0x5: {  	s3 =	srdreg.scid;
	[smem:$0x7FF] =	sst s2  }
0x6: {  	s4 =	sadd.s32 $0xD800, s6;
	s5 =	sand.u32 $0x1, s3;
	s3 =	stileid.u32  }
0x7: {  	_ =	strace $0x80000047;
	s8 =	smul.u32 $0x4F00, s5;
	s9 =	sshll.u32 s5, $0x4  }
0x8: {  	s10 =	ssub.s32 $0x2, s5;
	s11 =	smul.u32 $0x2780, s3;
	s5 =	sadd.s32 $0xD200, s6  }
0x9: {  	s30 =	sshll.u32 s3, $0x6;
	s9 =	sor.u32 s3, s9;
	s12 =	sshrl.u32 s10, $0x1  }
0xa: {  	s9 =	smul.u32 $0x500, s9;
	s8 =	sadd.s32 s8, s6;
	s10 =	ssub.s32 s10, s12  }
0xb: {  	s31 =	sadd.s32 s11, s1;
	s6 =	sor.u32 $0x1C01, s30;
	s14 =	sshrl.u32 s11, $0x3  }
0xc: {  	s11 =	simm.s32 $0x2800;
	s12 =	simm.s32 $0x80;
	s13 =	sadd.s32 $0xDA00, s8  }
0xd: {  	s8 =	smax.u32 s10, $0x1;
	s10 =	simm.s32 $0x1;
	s7 =	sadd.s32 s7, s9  }
0xe: {  	s9 =	sshrl.u32 s31, $0x3;
	s13 =	sadd.s32 s14, s13;
	s14 =	simm.s32 $0x0  }
.LBB2_1:
0xf: {  	[spmem:s9], [sflag:s6] =	dma.local [hbm:s5], $0x4F0  }
0x10: {  	_ =	swait.ge [sflag:s10], $0x4F0  }
0x11: {  	[sflag:s10] =	ssyncset.done $0x0  }
0x12: {  	[sflag:s10] =	ssyncadd.s32 $0xFFFFFB10  }
0x13: {  	[tilespmem:s2], [sflag:$0x1] =	stream.linear.gather [hbm4b:s7+s2], $0x2800, $0x38;
	[tilespmem:$0x5780] =	vst v63  }
0x14: {  	_ =	swait.ge [sflag:s10], $0x2800  }
0x15: {  	[sflag:s10] =	ssyncset.done $0x0  }
0x16: {  	[sflag:s10] =	ssyncadd.s32 $0xFFFFD800  }
0x17: {  	[tilespmem:s11], [sflag:$0x1] =	stream.linear.gather [hbm4b:s4+s2], $0x800, $0x38;
	[tilespmem:$0x5780] =	vst v63  }
0x18: {  	_ =	swait.ge [sflag:s10], $0x800  }
0x19: {  	[sflag:s10] =	ssyncset.done $0x0  }
0x1a: {  	[sflag:s10] =	ssyncadd.s32 $0xFFFFF800  }
0x1b: {  	s15 =	simm.s32 $0x0;
	[bflag:$0x0] =	sbarrier.arrive $0xFFFF  }
0x1c: {  	[spmem:s1] =	stream.indirect.scatter.add.f32 [tilespmem:s11], [sflag:$0x1], $0x10, s15, s12, $0xb8;
	[tilespmem:$0x5780] =	vst v63  }
0x1d: {  	_ =	swait.ge [sflag:s10], $0x800  }
0x1e: {  	s15 =	simm.s32 $0x200;
	[sflag:s10] =	ssyncset.done $0x0  }
.LBB2_2:
0x1f: {  	s16 =	sshra.s32 s15, $0x2;
	[sflag:s10] =	ssyncadd.s32 $0xFFFFF800;
	p0 =	sne.s32 s15, $0x9E00  }
0x20: {  	[spmem:s1] =	stream.indirect.scatter.add.f32 [tilespmem:s11], [sflag:$0x1], $0x10, s16, s12, $0xb8;
	[tilespmem:$0x5780] =	vst v63  }
.Ltmp0:
0x21: {  	_ = 	snop;
	(pc) =	sbr.rel @p0 .LBB2_2-.Ltmp0, $4  }
0x22: {  	_ = 	snop  }
0x23: {  	s15 =	sadd.s32 $0x200, s15  }
0x24: {  	_ =	swait.ge [sflag:s10], $0x800  }
0x25: {  	[sflag:s10] =	ssyncset.done $0x0  }
0x26: {  	s14 =	sadd.s32 $0x1, s14  }
0x27: {  	[sflag:s10] =	ssyncadd.s32 $0xFFFFF800;
	p0 =	sne.s32 s14, s8  }
.Ltmp1:
0x28: {  	[bflag:$0x0] =	sbarrier.arrive $0xFFFF;
	(pc) =	sbr.rel @p0 .LBB2_1-.Ltmp1, $4  }
0x29: {  	[hbm:s13], [sflag:s6] =	dma.local [spmem:s9], $0x4F0  }
0x2a: {  	_ =	swait.ge [sflag:s10], $0x4F0  }
0x2b: {  	[sflag:s10] =	ssyncset.done $0x0  }
0x2c: {  	[sflag:s10] =	ssyncadd.s32 $0xFFFFFB10  }
0x2d: {  	_ =	sfence.sel $0x180000  }
0x2e: {  	[bflag:$0x0] =	sbarrier.arrive $0xFFFF  }
0x2f: {  	p0 =	sne.s32 s3, $0x0;
	_ =	strace $0x90000047  }
0x30: {  	s0 =	sadd.s32 @!p0 $0x100000, s0;
	[bflag:$0x2] =	sbarrier.arrive $0xFFFF  }
0x31: {  	[sflag:s0] =	ssyncadd.tile.s32 @!p0 $0x1;
	_ =	shalt  }
.Lfunc_end2:
_tile_overlayer_lowered:
.L_overlay_start_2:
0x32: {  	(tag) =	ssettag $0x2  }
0x33: {  	s0 =	rddreg [dreg:$0x0];
	s2 =	stileid.u32  }
0x34: {  	s1 =	rddreg [dreg:$0x1];
	p0 =	sne.s32 s2, $0x0  }
0x35: {  	s3 =	rddreg [dreg:$0x2];
	[bflag:$0x3] =	sbarrier.arrive $0xFFFF;
	s2 =	simm.s32 @!p0 $0x1C01  }
0x36: {  	[timem:s3], [sflag:s2] =	dma.local @!p0 [hbm:s0], s1  }
0x37: {  	s0 =	simm.s32 @!p0 $0x1  }
0x38: {  	_ =	swait.ge @!p0 [sflag:s0], s1  }
0x39: {  	s1 =	ssub.s32 @!p0 $0x0, s1;
	[sflag:s0] =	ssyncset.done @!p0 $0x0  }
0x3a: {  	[sflag:s0] =	ssyncadd.s32 @!p0 s1  }
0x3b: {  	[bflag:$0x3] =	sbarrier.arrive $0xFFFF  }
0x3c: {  	_ =	shalt  }

// kernel: kernel.14.cloned.1.call-start
scs
__scs_entry_jumppad:
0x0: {  	(pc) =	sbr.rel $0x88, $3  }
0x1: {  	(tag) =	ssettag $0x0;
	lr =	simm.s32 $0x1  }
0x2: {  	[smem:$0x3F97] =	sst lr;
	_ =	strace $0xD0000000  }
0x3: {  	_ = 	snop  }
0x4: {  	_ = 	snop  }
0x5: {  	_ = 	snop  }
0x6: {  	_ = 	snop  }
0x7: {  	_ = 	snop  }
__scs_overlays_trampoline_lowered:
0x8: {  	[smem:$0x3FA6] =	sst s0  }
0x9: {  	[smem:$0x3FA7] =	sst s1  }
0xa: {  	[smem:$0x3FA8] =	sst s2  }
0xb: {  	[smem:$0x3FA9] =	sst s3  }
0xc: {  	[smem:$0x3FAA] =	sst s4  }
0xd: {  	[smem:$0x3FAB] =	sst s5  }
0xe: {  	[smem:$0x3FAC] =	sst s6  }
0xf: {  	[smem:$0x3FAD] =	sst s7  }
0x10: {  	[smem:$0x3FAE] =	sst s8  }
0x11: {  	[smem:$0x3FAF] =	sst s9;
	s0 =	simm.s32 @!p0 $0x0  }
0x12: {  	s1 =	sld [smem:$0x3F95];
	s0 =	simm.s32 @p0 $0x1  }
0x13: {  	[smem:$0x3FB0] =	sst s0;
	s0 =	simm.s32 @!p1 $0x0  }
0x14: {  	s2 =	sld [smem:$0x3F94];
	s0 =	simm.s32 @p1 $0x1  }
0x15: {  	[smem:$0x3FB1] =	sst s0;
	s0 =	simm.s32 @!p2 $0x0  }
0x16: {  	s3 =	sld [smem:$0x3FDB];
	s0 =	simm.s32 @p2 $0x1  }
0x17: {  	s4 =	simm.s32 $0x1BF5;
	[smem:$0x3FB3] =	sst s0  }
0x18: {  	s0 =	sld [smem:$0x3F96];
	_ =	swait.ge [sflag:s4], $0x0  }
0x19: {  	s7 =	sld [smem:$0x3F97]  }
0x1a: {  	s8 =	sadd.s32 $0xFFFFE003, lr  }
0x1b: {  	s9 =	sadd.s32 $0xFFFFFEF7, lr;
	s5 =	simm.s32 $0xFFFFFFFF;
	p2 =	slt.u32 s8, $0xFFFFF086  }
0x1c: {  	p1 =	slt.u32 s9, $0xF7A;
	s5 =	simm.s32 @!p2 $0x0  }
0x1d: {  	s5 =	simm.s32 @p1 $0x1;
	p0 =	seq.s32 s7, s2  }
0x1e: {  	s7 =	smul.u32 @!p0 $0xF7A, s2;
	p2 =	seq.s32 @!p0 s5, $0x0  }
0x1f: {  	s9 =	smul.u32 $0xF7A, s1;
	s8 =	simm.s32 @!p0 $0x1BF5;
	p2 =	por !p2, p0  }
0x20: {  	[sflag:s8] =	ssyncset.s32 @!p0 $0xFFFFF086;
	s6 =	sadd.s32 @!p0 s3, s7;
	s7 =	simm.s32 @!p0 $0x108  }
0x21: {  	s3 =	sadd.s32 s3, s9;
	s6 =	sadd.s32 @!p0 $0x88, s6;
	s7 =	simm.s32 @p2 $0x1082  }
0x22: {  	[simem:s7], [sflag:s8] =	dma.local @!p0 [hbm:s6], $0xF7A  }
0x23: {  	s9 =	sor.u32 $0xD0000000, s2;
	s6 =	simm.s32 $0x108;
	_ =	swait.ge @!p0 [sflag:s8], $0x0  }
0x24: {  	s3 =	sadd.s32 $0x88, s3;
	s6 =	simm.s32 @!p1 $0x1082;
	[sflag:s4] =	ssyncset.s32 $0xFFFFF086  }
0x25: {  	[simem:s6], [sflag:s4] =	dma.local [hbm:s3], $0xF7A  }
0x26: {  	[smem:$0x3F97] =	sst s1;
	(tag) =	ssettag s2;
	_ =	strace s9  }
0x27: {  	s1 =	sld [smem:$0x3FA7]  }
0x28: {  	s2 =	sld [smem:$0x3FA8]  }
0x29: {  	s4 =	sld [smem:$0x3FAA]  }
0x2a: {  	p0 =	seq.s32 s5, $0x0;
	s5 =	sld [smem:$0x3FAB]  }
0x2b: {  	s6 =	sld [smem:$0x3FAC]  }
0x2c: {  	s7 =	sld [smem:$0x3FAD]  }
0x2d: {  	s3 =	simm.s32 $0x108;
	s8 =	sld [smem:$0x3FAE]  }
0x2e: {  	s3 =	simm.s32 @!p0 $0x1082;
	s9 =	sld [smem:$0x3FAF]  }
0x2f: {  	lr =	sadd.s32 s0, s3;
	s0 =	sld [smem:$0x3FA6]  }
0x30: {  	s3 =	sld [smem:$0x3FA9]  }
0x31: {  	[smem:$0x3FB2] =	sst s10  }
0x32: {  	s10 =	sld [smem:$0x3FB0];
	_ =	sdelay $0x3  }
0x33: {  	p0 =	seq.s32 s10, $0x1;
	s10 =	sld [smem:$0x3FB2];
	_ =	sdelay $0x3  }
0x34: {  	[smem:$0x3FB2] =	sst s10  }
0x35: {  	s10 =	sld [smem:$0x3FB1];
	_ =	sdelay $0x3  }
0x36: {  	p1 =	seq.s32 s10, $0x1;
	s10 =	sld [smem:$0x3FB2];
	_ =	sdelay $0x3  }
0x37: {  	[smem:$0x3FB2] =	sst s10  }
0x38: {  	s10 =	sld [smem:$0x3FB3]  }
0x39: {  	_ = 	snop;
	(pc) =	sbr.ind lr, $3  }
0x3a: {  	_ = 	snop  }
0x3b: {  	_ = 	snop  }
0x3c: {  	p2 =	seq.s32 s10, $0x1;
	s10 =	sld [smem:$0x3FB2]  }
0x3d: {  	_ =	shalt  }
0x3e: {  	_ =	shalt  }
0x3f: {  	_ =	shalt  }
0x40: {  	_ =	shalt  }
0x41: {  	_ =	shalt  }
0x42: {  	_ =	shalt  }
0x43: {  	_ =	shalt  }
0x44: {  	_ =	shalt  }
0x45: {  	_ =	shalt  }
0x46: {  	_ =	shalt  }
0x47: {  	_ =	shalt  }
0x48: {  	_ =	shalt  }
0x49: {  	_ =	shalt  }
0x4a: {  	_ =	shalt  }
0x4b: {  	_ =	shalt  }
0x4c: {  	_ =	shalt  }
0x4d: {  	_ =	shalt  }
0x4e: {  	_ =	shalt  }
0x4f: {  	_ =	shalt  }
0x50: {  	_ =	shalt  }
0x51: {  	_ =	shalt  }
0x52: {  	_ =	shalt  }
0x53: {  	_ =	shalt  }
0x54: {  	_ =	shalt  }
0x55: {  	_ =	shalt  }
0x56: {  	_ =	shalt  }
0x57: {  	_ =	shalt  }
0x58: {  	_ =	shalt  }
0x59: {  	_ =	shalt  }
0x5a: {  	_ =	shalt  }
0x5b: {  	_ =	shalt  }
0x5c: {  	_ =	shalt  }
0x5d: {  	_ =	shalt  }
0x5e: {  	_ =	shalt  }
0x5f: {  	_ =	shalt  }
0x60: {  	_ =	shalt  }
0x61: {  	_ =	shalt  }
0x62: {  	_ =	shalt  }
0x63: {  	_ =	shalt  }
0x64: {  	_ =	shalt  }
0x65: {  	_ =	shalt  }
0x66: {  	_ =	shalt  }
0x67: {  	_ =	shalt  }
0x68: {  	_ =	shalt  }
0x69: {  	_ =	shalt  }
0x6a: {  	_ =	shalt  }
0x6b: {  	_ =	shalt  }
0x6c: {  	_ =	shalt  }
0x6d: {  	_ =	shalt  }
0x6e: {  	_ =	shalt  }
0x6f: {  	_ =	shalt  }
0x70: {  	_ =	shalt  }
0x71: {  	_ =	shalt  }
0x72: {  	_ =	shalt  }
0x73: {  	_ =	shalt  }
0x74: {  	_ =	shalt  }
0x75: {  	_ =	shalt  }
0x76: {  	_ =	shalt  }
0x77: {  	_ =	shalt  }
0x78: {  	_ =	shalt  }
0x79: {  	_ =	shalt  }
0x7a: {  	_ =	shalt  }
0x7b: {  	_ =	shalt  }
0x7c: {  	_ =	shalt  }
0x7d: {  	_ =	shalt  }
0x7e: {  	_ =	shalt  }
0x7f: {  	_ =	shalt  }
0x80: {  	_ =	shalt  }
0x81: {  	_ =	shalt  }
0x82: {  	_ =	shalt  }
0x83: {  	_ =	shalt  }
0x84: {  	_ =	shalt  }
0x85: {  	_ =	shalt  }
0x86: {  	_ =	shalt  }
0x87: {  	_ =	shalt  }
.Lfunc_end0:
.L_simem_size_0:
called_computation.1_lowered:
.L_overlay_start_0:
0x88: {  	s2 =	sld [smem:$0x3FD9]  }
0x89: {  	s3 =	sld [smem:$0x3FFE];
	_ =	sdelay $0x1  }
0x8a: {  	s1 =	srdreg.scid  }
0x8b: {  	s0 =	sand.u32 $0x1, s1  }
0x8c: {  	s17 =	sshll.u32 s0, $0xA;
	s2 =	sadd.s32 s3, s2  }
0x8d: {  	s2 =	sadd.s32 s2, s17  }
0x8e: {  	[smem:$0x3FBE] =	sst s2  }
0x8f: {  	_ = 	snop  }
0x90: {  	s2 =	sld [smem:$0x3FD0];
	(tm) =	ssettm $0x1  }
0x91: {  	s18 =	sld [smem:$0x3FFB];
	_ =	sdelay $0x3  }
0x92: {  	_ =	strace s18  }
0x93: {  	s3 =	sld [smem:$0x3FFC];
	_ =	sdelay $0x3  }
0x94: {  	_ =	strace s3  }
0x95: {  	s3 =	sld [smem:$0x3FFD];
	_ =	sdelay $0x3  }
0x96: {  	_ =	strace s3  }
0x97: {  	_ =	strace $0x8FFFFFFF  }
0x98: {  	s19 =	sld [smem:$0x3FDB];
	_ =	sdelay $0x1  }
0x99: {  	s4 =	simm.s32 $_scs_section_size  }
0x9a: {  	s5 =	simm.s32 $_size__tile_overlayer_lowered;
	s6 =	simm.s32 $_tile_overlayer_lowered  }
0x9b: {  	s22 =	simm.s32 $0x1BFF;
	s21 =	sshll.u32 s6, $0x1;
	s3 =	sadd.s32 s4, s19  }
0x9c: {  	s7 =	simm.s32 $0x0;
	s20 =	sshll.u32 s5, $0x1;
	s5 =	sadd.s32 s21, s3  }
0x9d: {  	[timem:s7], [sflag:s22] =	dma.local [hbm:s5], s20  }
0x9e: {  	_ =	swait.ge [sflag:s22], s20  }
0x9f: {  	s4 =	ssub.s32 $0x0, s20;
	[sflag:s22] =	ssyncset.done $0x0  }
0xa0: {  	[sflag:s22] =	ssyncadd.s32 s4;
	_ =	sdelay $0x1  }
0xa1: {  	s23 =	simm.s32 $0x1B8B  }
0xa2: {  	_ =	swait.ge [sflag:s23], $0x1  }
0xa3: {  	[sflag:s23] =	ssyncset.done $0x0  }
0xa4: {  	s25 =	simm.s32 $0x1B8E;
	s24 =	sld [smem:$0x3FFE];
	[sflag:s23] =	ssyncadd.s32 $0xFFFFFFFF  }
0xa5: {  	s26 =	simm.s32 $execute0_lowered;
	[smem:$0x3FD2] =	sst s25  }
0xa6: {  	s5 =	sshll.u32 s26, $0x1;
	_ =	strace $0x80000049;
	[dreg:$0x1] =	wrdreg $0xFFFFFFFF  }
0xa7: {  	s28 =	simm.s32 $_size_execute0_lowered;
	s3 =	sadd.s32 s3, s5;
	[dreg:$0x0] =	wrdreg $0x0  }
0xa8: {  	s5 =	sshll.u32 s28, $0x1;
	[dreg:$0x2] =	wrdreg s3  }
0xa9: {  	[dreg:$0x3] =	wrdreg s5  }
0xaa: {  	[dreg:$0x4] =	wrdreg $0xC0  }
0xab: {  	_ =	task [dreg:s7], $0x5FFFF  }
0xac: {  	[dreg:$0x1] =	wrdreg $0xFFFFFFFF  }
0xad: {  	[dreg:$0x0] =	wrdreg $0x60  }
0xae: {  	[dreg:$0x2] =	wrdreg s24  }
0xaf: {  	[dreg:$0x3] =	wrdreg s2  }
0xb0: {  	[dreg:$0x4] =	wrdreg $0x120000  }
0xb1: {  	[dreg:$0x5] =	wrdreg $0x9  }
0xb2: {  	_ =	task.clear_ibuf [dreg:s7], $0x6FFFF;
	_ =	strace $0x90000049  }
0xb3: {  	s29 =	simm.s32 $0x9;
	_ =	strace $0x8000004B  }
0xb4: {  	_ =	swait.ge [sflag:s29], $0x1  }
0xb5: {  	[sflag:s29] =	ssyncadd.s32 $0xFFFFFFFF  }
0xb6: {  	_ =	strace $0x9000004B  }
0xb7: {  	_ =	sfence  }
0xb8: {  	s30 =	sld [smem:$0x0];
	_ =	sdelay $0x2  }
0xb9: {  	s31 =	sshll.u32 s1, $0xD;
	s1 =	sshrl.u32 s1, $0x2  }
0xba: {  	s3 =	sand.u32 $0x4000, s31;
	s1 =	sadd.s32 s1, s30  }
0xbb: {  	s0 =	sor.u32 s3, s0;
	s1 =	sshll.u32 s1, $0x11  }
0xbc: {  	s0 =	sor.u32 s1, s0  }
0xbd: {  	s0 =	sadd.s32 $0x8F2B, s0  }
0xbe: {  	[sflag:s0] =	ssyncadd.remote.s32 $0x1  }
0xbf: {  	_ =	sfence.sel $0xFFFF  }
0xc0: {  	[dreg:$0x0] =	wrdreg $0xFFFFFFFF;
	(pc) =	sbr.abs _section_cstart, $3  }
0xc1: {  	[dreg:$0x1] =	wrdreg $0xFFFFFFFF  }
0xc2: {  	_ =	task.clear_ibuf [dreg:s7], $0x2FFFF;
	_ =	strace $0x9FFFFFFF  }
0xc3: {  	(tm) =	ssettm $0x7FFFFFFF  }
tec
execute0_lowered:
.L_overlay_start_1:
0x0: {  	(tag) =	ssettag $0x1  }
0x1: {  	s0 =	rddreg [dreg:$0x0]  }
0x2: {  	s2 =	rddreg [dreg:$0x1]  }
0x3: {  	s1 =	rddreg [dreg:$0x2]  }
0x4: {  	s3 =	srdreg.scid;
	s12 =	stileid.u32;
	s13 =	simm.s32 $0x1  }
0x5: {  	s14 =	simm.s32 $0x2;
	s15 =	simm.s32 $0x3;
	s16 =	simm.s32 $0x80  }
0x6: {  	s17 =	simm.s32 $0xA000;
	s18 =	simm.s32 $0xC000;
	s20 =	simm.s32 $0xE000  }
0x7: {  	s23 =	simm.s32 $0x10000;
	s29 =	simm.s32 $0x4;
	s31 =	simm.s32 $0x6  }
0x8: {  	s19 =	simm.s32 $0x8;
	s21 =	simm.s32 $0x9;
	s8 =	smul.u32 $0xA00, s12  }
0x9: {  	s4 =	sand.u32 $0x1, s3;
	s3 =	simm.s32 $0x0;
	s11 =	smul.u32 $0x9E00, s12  }
0xa: {  	s22 =	simm.s32 $0x0;
	s5 =	smul.u32 $0x13880, s4;
	[smem:$0x7FF] =	sst s3  }
0xb: {  	s26 =	smul.u32 $0x13C00, s4;
	s6 =	ssub.s32 $0x2, s4;
	s4 =	sadd.s32 $0xA9800, s0  }
0xc: {  	_ =	strace $0x8000004A;
	s7 =	sadd.s32 s8, s0;
	s10 =	sshrl.u32 s6, $0x1  }
0xd: {  	s28 =	sadd.s32 s11, s1;
	s8 =	sadd.s32 s2, s8;
	s30 =	sshrl.u32 s11, $0x3  }
.Ltmp0:
0xe: {  	s2 =	simm.s32 $0x7;
	s9 =	sadd.s32 s5, s0;
	(pc) =	sbr.rel .LBB2_1-.Ltmp0, $4  }
0xf: {  	s0 =	sadd.s32 s26, s0;
	s10 =	ssub.s32 s6, s10;
	s5 =	sshll.u32 s12, $0x6  }
0x10: {  	s7 =	sadd.s32 $0x3200, s7;
	s11 =	sshrl.u32 s28, $0x3;
	s12 =	simm.s32 $0x5000  }
0x11: {  	s26 =	simm.s32 $0x5;
	s6 =	sor.u32 $0x1C01, s5;
	s0 =	sadd.s32 $0xAAC00, s0  }
0x12: {  	s9 =	sadd.s32 $0x82600, s9;
	s10 =	smax.u32 s10, $0x1;
	s24 =	sadd.s32 s30, s0  }
.LBB2_4:
0x13: {  	_ =	swait.ge [sflag:s29], $0x2000  }
0x14: {  	[sflag:s29] =	ssyncset.done $0x0  }
0x15: {  	[sflag:s29] =	ssyncadd.s32 $0xFFFFE000  }
0x16: {  	[spmem:s1] =	stream.indirect.scatter.add.f32 [tilespmem:s23], [sflag:$0x8], $0x40, s30, s16, $0xb8;
	[tilespmem:$0x1BE00] =	vst v63  }
0x17: {  	_ =	swait.ge [sflag:s31], $0x2000  }
0x18: {  	[sflag:s31] =	ssyncset.done $0x0  }
0x19: {  	[sflag:s31] =	ssyncadd.s32 $0xFFFFE000  }
0x1a: {  	_ =	swait.ge [sflag:s2], $0x2000  }
0x1b: {  	[sflag:s2] =	ssyncset.done $0x0  }
0x1c: {  	[sflag:s2] =	ssyncadd.s32 $0xFFFFE000  }
0x1d: {  	_ =	swait.ge [sflag:s19], $0x2000  }
0x1e: {  	s22 =	sadd.s32 $0x1, s22;
	[sflag:s19] =	ssyncset.done $0x0  }
0x1f: {  	p0 =	sne.s32 s22, s10;
	[sflag:s19] =	ssyncadd.s32 $0xFFFFE000  }
.Ltmp1:
0x20: {  	s0 =	sor.u32 $0x1C09, s5;
	[bflag:$0x0] =	sbarrier.arrive $0xFFFF;
	(pc) =	sbr.rel @!p0 .LBB2_5-.Ltmp1, $4  }
0x21: {  	[hbm:s24], [sflag:s0] =	dma.local [spmem:s11], $0x13C0  }
0x22: {  	_ =	swait.ge [sflag:s21], $0x13C0  }
0x23: {  	[sflag:s21] =	ssyncset.done $0x0  }
0x24: {  	[sflag:s21] =	ssyncadd.s32 $0xFFFFEC40  }
.LBB2_1:
0x25: {  	[spmem:s11], [sflag:s6] =	dma.local [hbm:s4], $0x13C0  }
0x26: {  	[tilespmem:s3], [sflag:$0x2] =	stream.linear.gather [hbm4b:s7+s3], $0x5000, $0x38;
	[tilespmem:$0x1BE00] =	vst v63  }
0x27: {  	_ = 	snop  }
0x28: {  	[tilespmem:s12], [sflag:$0x3] =	stream.linear.gather [hbm4b:s8+s3], $0x5000, $0x38;
	[tilespmem:$0x1BE00] =	vst v63  }
0x29: {  	_ =	swait.ge [sflag:s13], $0x13C0  }
0x2a: {  	[sflag:s13] =	ssyncset.done $0x0  }
0x2b: {  	[sflag:s13] =	ssyncadd.s32 $0xFFFFEC40  }
0x2c: {  	_ =	swait.ge [sflag:s14], $0x5000  }
0x2d: {  	[sflag:s14] =	ssyncset.done $0x0  }
0x2e: {  	[sflag:s14] =	ssyncadd.s32 $0xFFFFB000  }
0x2f: {  	_ =	swait.ge [sflag:s15], $0x5000  }
0x30: {  	[sflag:s15] =	ssyncset.done $0x0  }
0x31: {  	[sflag:s15] =	ssyncadd.s32 $0xFFFFB000  }
0x32: {  	[bflag:$0x0] =	sbarrier.arrive $0xFFFF  }
0x33: {  	[tilespmem:s17], [sflag:$0x1] =	stream.indirect.gather [hbm4b:s9+s16], $0x40, s3, s16, $0xb8;
	[tilespmem:$0x1BE00] =	vst v63  }
0x34: {  	_ = 	snop  }
0x35: {  	[tilespmem:s18], [sflag:$0x2] =	stream.indirect.gather [hbm4b:s9+s16], $0x40, s16, s16, $0xb8;
	[tilespmem:$0x1BE00] =	vst v63  }
0x36: {  	_ =	swait.ge [sflag:s13], $0x2000  }
0x37: {  	[sflag:s13] =	ssyncset.done $0x0  }
0x38: {  	[sflag:s13] =	ssyncadd.s32 $0xFFFFE000  }
0x39: {  	[spmem:s1] =	stream.indirect.scatter.add.f32 [tilespmem:s17], [sflag:$0x5], $0x40, s12, s16, $0xb8;
	[tilespmem:$0x1BE00] =	vst v63  }
0x3a: {  	s0 =	simm.s32 $0x100  }
0x3b: {  	[tilespmem:s20], [sflag:$0x3] =	stream.indirect.gather [hbm4b:s9+s16], $0x40, s0, s16, $0xb8;
	[tilespmem:$0x1BE00] =	vst v63  }
0x3c: {  	_ =	swait.ge [sflag:s14], $0x2000  }
0x3d: {  	[sflag:s14] =	ssyncset.done $0x0  }
0x3e: {  	s25 =	simm.s32 $0x5080;
	[sflag:s14] =	ssyncadd.s32 $0xFFFFE000  }
0x3f: {  	[spmem:s1] =	stream.indirect.scatter.add.f32 [tilespmem:s18], [sflag:$0x6], $0x40, s25, s16, $0xb8;
	[tilespmem:$0x1BE00] =	vst v63  }
0x40: {  	s28 =	simm.s32 $0x180  }
0x41: {  	[tilespmem:s23], [sflag:$0x4] =	stream.indirect.gather [hbm4b:s9+s16], $0x40, s28, s16, $0xb8;
	[tilespmem:$0x1BE00] =	vst v63  }
0x42: {  	_ =	swait.ge [sflag:s15], $0x2000  }
0x43: {  	[sflag:s15] =	ssyncset.done $0x0  }
0x44: {  	s30 =	simm.s32 $0x5100;
	[sflag:s15] =	ssyncadd.s32 $0xFFFFE000  }
0x45: {  	[spmem:s1] =	stream.indirect.scatter.add.f32 [tilespmem:s20], [sflag:$0x7], $0x40, s30, s16, $0xb8;
	[tilespmem:$0x1BE00] =	vst v63  }
0x46: {  	_ =	swait.ge [sflag:s26], $0x2000  }
0x47: {  	[sflag:s26] =	ssyncset.done $0x0  }
0x48: {  	s25 =	simm.s32 $0x200;
	[sflag:s26] =	ssyncadd.s32 $0xFFFFE000  }
0x49: {  	[tilespmem:s17], [sflag:$0x1] =	stream.indirect.gather [hbm4b:s9+s16], $0x40, s25, s16, $0xb8;
	[tilespmem:$0x1BE00] =	vst v63  }
0x4a: {  	_ =	swait.ge [sflag:s29], $0x2000  }
0x4b: {  	[sflag:s29] =	ssyncset.done $0x0  }
0x4c: {  	s28 =	simm.s32 $0x5180;
	[sflag:s29] =	ssyncadd.s32 $0xFFFFE000  }
0x4d: {  	[spmem:s1] =	stream.indirect.scatter.add.f32 [tilespmem:s23], [sflag:$0x8], $0x40, s28, s16, $0xb8;
	[tilespmem:$0x1BE00] =	vst v63  }
0x4e: {  	_ =	swait.ge [sflag:s31], $0x2000  }
0x4f: {  	[sflag:s31] =	ssyncset.done $0x0  }
0x50: {  	s30 =	simm.s32 $0x280;
	s25 =	simm.s32 $0x0;
	[sflag:s31] =	ssyncadd.s32 $0xFFFFE000  }
0x51: {  	[tilespmem:s18], [sflag:$0x2] =	stream.indirect.gather [hbm4b:s9+s16], $0x40, s30, s16, $0xb8;
	[tilespmem:$0x1BE00] =	vst v63  }
.LBB2_2:
0x52: {  	_ =	swait.ge [sflag:s13], $0x2000  }
0x53: {  	s28 =	sshra.s32 s25, $0x2;
	[sflag:s13] =	ssyncset.done $0x0  }
0x54: {  	s30 =	sadd.s32 $0x5200, s28;
	[sflag:s13] =	ssyncadd.s32 $0xFFFFE000  }
0x55: {  	[spmem:s1] =	stream.indirect.scatter.add.f32 [tilespmem:s17], [sflag:$0x5], $0x40, s30, s16, $0xb8;
	[tilespmem:$0x1BE00] =	vst v63  }
0x56: {  	_ =	swait.ge [sflag:s2], $0x2000  }
0x57: {  	[sflag:s2] =	ssyncset.done $0x0  }
0x58: {  	s30 =	sadd.s32 $0x300, s28;
	[sflag:s2] =	ssyncadd.s32 $0xFFFFE000  }
0x59: {  	[tilespmem:s20], [sflag:$0x3] =	stream.indirect.gather [hbm4b:s9+s16], $0x40, s30, s16, $0xb8;
	[tilespmem:$0x1BE00] =	vst v63  }
0x5a: {  	_ =	swait.ge [sflag:s14], $0x2000  }
0x5b: {  	[sflag:s14] =	ssyncset.done $0x0  }
0x5c: {  	s30 =	sadd.s32 $0x5280, s28;
	[sflag:s14] =	ssyncadd.s32 $0xFFFFE000  }
0x5d: {  	[spmem:s1] =	stream.indirect.scatter.add.f32 [tilespmem:s18], [sflag:$0x6], $0x40, s30, s16, $0xb8;
	[tilespmem:$0x1BE00] =	vst v63  }
0x5e: {  	_ =	swait.ge [sflag:s19], $0x2000  }
0x5f: {  	[sflag:s19] =	ssyncset.done $0x0  }
0x60: {  	s30 =	sadd.s32 $0x380, s28;
	[sflag:s19] =	ssyncadd.s32 $0xFFFFE000  }
0x61: {  	[tilespmem:s23], [sflag:$0x4] =	stream.indirect.gather [hbm4b:s9+s16], $0x40, s30, s16, $0xb8;
	[tilespmem:$0x1BE00] =	vst v63  }
0x62: {  	_ =	swait.ge [sflag:s15], $0x2000  }
0x63: {  	p0 =	seq.s32 s25, $0x13000;
	[sflag:s15] =	ssyncset.done $0x0  }
.Ltmp2:
0x64: {  	s30 =	sadd.s32 $0x5300, s28;
	[sflag:s15] =	ssyncadd.s32 $0xFFFFE000;
	(pc) =	sbr.rel @p0 .LBB2_4-.Ltmp2, $4  }
0x65: {  	[spmem:s1] =	stream.indirect.scatter.add.f32 [tilespmem:s20], [sflag:$0x7], $0x40, s30, s16, $0xb8;
	[tilespmem:$0x1BE00] =	vst v63  }
0x66: {  	_ =	swait.ge [sflag:s26], $0x2000  }
0x67: {  	[sflag:s26] =	ssyncset.done $0x0  }
0x68: {  	s30 =	sadd.s32 $0x5380, s28;
	[sflag:s26] =	ssyncadd.s32 $0xFFFFE000  }
0x69: {  	s0 =	sadd.s32 $0x400, s28  }
0x6a: {  	[tilespmem:s17], [sflag:$0x1] =	stream.indirect.gather [hbm4b:s9+s16], $0x40, s0, s16, $0xb8;
	[tilespmem:$0x1BE00] =	vst v63  }
0x6b: {  	_ =	swait.ge [sflag:s29], $0x2000  }
0x6c: {  	[sflag:s29] =	ssyncset.done $0x0  }
0x6d: {  	[sflag:s29] =	ssyncadd.s32 $0xFFFFE000  }
0x6e: {  	[spmem:s1] =	stream.indirect.scatter.add.f32 [tilespmem:s23], [sflag:$0x8], $0x40, s30, s16, $0xb8;
	[tilespmem:$0x1BE00] =	vst v63  }
.Ltmp3:
0x6f: {  	_ = 	snop;
	(pc) =	sbr.rel .LBB2_2-.Ltmp3, $4  }
0x70: {  	_ =	swait.ge [sflag:s31], $0x2000  }
0x71: {  	[sflag:s31] =	ssyncset.done $0x0  }
0x72: {  	s25 =	sadd.s32 $0x800, s25;
	s30 =	sadd.s32 $0x480, s28;
	[sflag:s31] =	ssyncadd.s32 $0xFFFFE000  }
0x73: {  	[tilespmem:s18], [sflag:$0x2] =	stream.indirect.gather [hbm4b:s9+s16], $0x40, s30, s16, $0xb8;
	[tilespmem:$0x1BE00] =	vst v63  }
.LBB2_5:
0x74: {  	_ =	sfence.sel $0x180000  }
0x75: {  	[bflag:$0x0] =	sbarrier.arrive $0xFFFF  }
0x76: {  	_ =	strace $0x9000004A  }
0x77: {  	s0 =	stileid.u32;
	[bflag:$0x2] =	sbarrier.arrive $0xFFFF  }
0x78: {  	p0 =	sne.s32 s0, $0x0;
	s0 =	rddreg [dreg:$0x3]  }
0x79: {  	s0 =	sadd.s32 @!p0 $0x100000, s0  }
0x7a: {  	[sflag:s0] =	ssyncadd.tile.s32 @!p0 $0x1;
	_ =	shalt  }
.Lfunc_end2:
_tile_overlayer_lowered:
.L_overlay_start_2:
0x7b: {  	(tag) =	ssettag $0x2  }
0x7c: {  	s0 =	rddreg [dreg:$0x0];
	s2 =	stileid.u32  }
0x7d: {  	s1 =	rddreg [dreg:$0x1];
	p0 =	sne.s32 s2, $0x0  }
0x7e: {  	s3 =	rddreg [dreg:$0x2];
	[bflag:$0x3] =	sbarrier.arrive $0xFFFF;
	s2 =	simm.s32 @!p0 $0x1C09  }
0x7f: {  	[timem:s3], [sflag:s2] =	dma.local @!p0 [hbm:s0], s1  }
0x80: {  	s0 =	simm.s32 @!p0 $0x9  }
0x81: {  	_ =	swait.ge @!p0 [sflag:s0], s1  }
0x82: {  	s1 =	ssub.s32 @!p0 $0x0, s1;
	[sflag:s0] =	ssyncset.done @!p0 $0x0  }
0x83: {  	[sflag:s0] =	ssyncadd.s32 @!p0 s1  }
0x84: {  	[bflag:$0x3] =	sbarrier.arrive $0xFFFF  }
0x85: {  	_ =	shalt  }

// kernel: kernel.17.cloned.1.call-start
scs
__scs_entry_jumppad:
0x0: {  	(pc) =	sbr.rel $0x88, $3  }
0x1: {  	(tag) =	ssettag $0x0;
	lr =	simm.s32 $0x1  }
0x2: {  	[smem:$0x3F97] =	sst lr;
	_ =	strace $0xD0000000  }
0x3: {  	_ = 	snop  }
0x4: {  	_ = 	snop  }
0x5: {  	_ = 	snop  }
0x6: {  	_ = 	snop  }
0x7: {  	_ = 	snop  }
__scs_overlays_trampoline_lowered:
0x8: {  	[smem:$0x3FA6] =	sst s0  }
0x9: {  	[smem:$0x3FA7] =	sst s1  }
0xa: {  	[smem:$0x3FA8] =	sst s2  }
0xb: {  	[smem:$0x3FA9] =	sst s3  }
0xc: {  	[smem:$0x3FAA] =	sst s4  }
0xd: {  	[smem:$0x3FAB] =	sst s5  }
0xe: {  	[smem:$0x3FAC] =	sst s6  }
0xf: {  	[smem:$0x3FAD] =	sst s7  }
0x10: {  	[smem:$0x3FAE] =	sst s8  }
0x11: {  	[smem:$0x3FAF] =	sst s9;
	s0 =	simm.s32 @!p0 $0x0  }
0x12: {  	s1 =	sld [smem:$0x3F95];
	s0 =	simm.s32 @p0 $0x1  }
0x13: {  	[smem:$0x3FB0] =	sst s0;
	s0 =	simm.s32 @!p1 $0x0  }
0x14: {  	s2 =	sld [smem:$0x3F94];
	s0 =	simm.s32 @p1 $0x1  }
0x15: {  	[smem:$0x3FB1] =	sst s0;
	s0 =	simm.s32 @!p2 $0x0  }
0x16: {  	s3 =	sld [smem:$0x3FDB];
	s0 =	simm.s32 @p2 $0x1  }
0x17: {  	s4 =	simm.s32 $0x1BF5;
	[smem:$0x3FB3] =	sst s0  }
0x18: {  	s0 =	sld [smem:$0x3F96];
	_ =	swait.ge [sflag:s4], $0x0  }
0x19: {  	s7 =	sld [smem:$0x3F97]  }
0x1a: {  	s8 =	sadd.s32 $0xFFFFE003, lr  }
0x1b: {  	s9 =	sadd.s32 $0xFFFFFEF7, lr;
	s5 =	simm.s32 $0xFFFFFFFF;
	p2 =	slt.u32 s8, $0xFFFFF086  }
0x1c: {  	p1 =	slt.u32 s9, $0xF7A;
	s5 =	simm.s32 @!p2 $0x0  }
0x1d: {  	s5 =	simm.s32 @p1 $0x1;
	p0 =	seq.s32 s7, s2  }
0x1e: {  	s7 =	smul.u32 @!p0 $0xF7A, s2;
	p2 =	seq.s32 @!p0 s5, $0x0  }
0x1f: {  	s9 =	smul.u32 $0xF7A, s1;
	s8 =	simm.s32 @!p0 $0x1BF5;
	p2 =	por !p2, p0  }
0x20: {  	[sflag:s8] =	ssyncset.s32 @!p0 $0xFFFFF086;
	s6 =	sadd.s32 @!p0 s3, s7;
	s7 =	simm.s32 @!p0 $0x108  }
0x21: {  	s3 =	sadd.s32 s3, s9;
	s6 =	sadd.s32 @!p0 $0x88, s6;
	s7 =	simm.s32 @p2 $0x1082  }
0x22: {  	[simem:s7], [sflag:s8] =	dma.local @!p0 [hbm:s6], $0xF7A  }
0x23: {  	s9 =	sor.u32 $0xD0000000, s2;
	s6 =	simm.s32 $0x108;
	_ =	swait.ge @!p0 [sflag:s8], $0x0  }
0x24: {  	s3 =	sadd.s32 $0x88, s3;
	s6 =	simm.s32 @!p1 $0x1082;
	[sflag:s4] =	ssyncset.s32 $0xFFFFF086  }
0x25: {  	[simem:s6], [sflag:s4] =	dma.local [hbm:s3], $0xF7A  }
0x26: {  	[smem:$0x3F97] =	sst s1;
	(tag) =	ssettag s2;
	_ =	strace s9  }
0x27: {  	s1 =	sld [smem:$0x3FA7]  }
0x28: {  	s2 =	sld [smem:$0x3FA8]  }
0x29: {  	s4 =	sld [smem:$0x3FAA]  }
0x2a: {  	p0 =	seq.s32 s5, $0x0;
	s5 =	sld [smem:$0x3FAB]  }
0x2b: {  	s6 =	sld [smem:$0x3FAC]  }
0x2c: {  	s7 =	sld [smem:$0x3FAD]  }
0x2d: {  	s3 =	simm.s32 $0x108;
	s8 =	sld [smem:$0x3FAE]  }
0x2e: {  	s3 =	simm.s32 @!p0 $0x1082;
	s9 =	sld [smem:$0x3FAF]  }
0x2f: {  	lr =	sadd.s32 s0, s3;
	s0 =	sld [smem:$0x3FA6]  }
0x30: {  	s3 =	sld [smem:$0x3FA9]  }
0x31: {  	[smem:$0x3FB2] =	sst s10  }
0x32: {  	s10 =	sld [smem:$0x3FB0];
	_ =	sdelay $0x3  }
0x33: {  	p0 =	seq.s32 s10, $0x1;
	s10 =	sld [smem:$0x3FB2];
	_ =	sdelay $0x3  }
0x34: {  	[smem:$0x3FB2] =	sst s10  }
0x35: {  	s10 =	sld [smem:$0x3FB1];
	_ =	sdelay $0x3  }
0x36: {  	p1 =	seq.s32 s10, $0x1;
	s10 =	sld [smem:$0x3FB2];
	_ =	sdelay $0x3  }
0x37: {  	[smem:$0x3FB2] =	sst s10  }
0x38: {  	s10 =	sld [smem:$0x3FB3]  }
0x39: {  	_ = 	snop;
	(pc) =	sbr.ind lr, $3  }
0x3a: {  	_ = 	snop  }
0x3b: {  	_ = 	snop  }
0x3c: {  	p2 =	seq.s32 s10, $0x1;
	s10 =	sld [smem:$0x3FB2]  }
0x3d: {  	_ =	shalt  }
0x3e: {  	_ =	shalt  }
0x3f: {  	_ =	shalt  }
0x40: {  	_ =	shalt  }
0x41: {  	_ =	shalt  }
0x42: {  	_ =	shalt  }
0x43: {  	_ =	shalt  }
0x44: {  	_ =	shalt  }
0x45: {  	_ =	shalt  }
0x46: {  	_ =	shalt  }
0x47: {  	_ =	shalt  }
0x48: {  	_ =	shalt  }
0x49: {  	_ =	shalt  }
0x4a: {  	_ =	shalt  }
0x4b: {  	_ =	shalt  }
0x4c: {  	_ =	shalt  }
0x4d: {  	_ =	shalt  }
0x4e: {  	_ =	shalt  }
0x4f: {  	_ =	shalt  }
0x50: {  	_ =	shalt  }
0x51: {  	_ =	shalt  }
0x52: {  	_ =	shalt  }
0x53: {  	_ =	shalt  }
0x54: {  	_ =	shalt  }
0x55: {  	_ =	shalt  }
0x56: {  	_ =	shalt  }
0x57: {  	_ =	shalt  }
0x58: {  	_ =	shalt  }
0x59: {  	_ =	shalt  }
0x5a: {  	_ =	shalt  }
0x5b: {  	_ =	shalt  }
0x5c: {  	_ =	shalt  }
0x5d: {  	_ =	shalt  }
0x5e: {  	_ =	shalt  }
0x5f: {  	_ =	shalt  }
0x60: {  	_ =	shalt  }
0x61: {  	_ =	shalt  }
0x62: {  	_ =	shalt  }
0x63: {  	_ =	shalt  }
0x64: {  	_ =	shalt  }
0x65: {  	_ =	shalt  }
0x66: {  	_ =	shalt  }
0x67: {  	_ =	shalt  }
0x68: {  	_ =	shalt  }
0x69: {  	_ =	shalt  }
0x6a: {  	_ =	shalt  }
0x6b: {  	_ =	shalt  }
0x6c: {  	_ =	shalt  }
0x6d: {  	_ =	shalt  }
0x6e: {  	_ =	shalt  }
0x6f: {  	_ =	shalt  }
0x70: {  	_ =	shalt  }
0x71: {  	_ =	shalt  }
0x72: {  	_ =	shalt  }
0x73: {  	_ =	shalt  }
0x74: {  	_ =	shalt  }
0x75: {  	_ =	shalt  }
0x76: {  	_ =	shalt  }
0x77: {  	_ =	shalt  }
0x78: {  	_ =	shalt  }
0x79: {  	_ =	shalt  }
0x7a: {  	_ =	shalt  }
0x7b: {  	_ =	shalt  }
0x7c: {  	_ =	shalt  }
0x7d: {  	_ =	shalt  }
0x7e: {  	_ =	shalt  }
0x7f: {  	_ =	shalt  }
0x80: {  	_ =	shalt  }
0x81: {  	_ =	shalt  }
0x82: {  	_ =	shalt  }
0x83: {  	_ =	shalt  }
0x84: {  	_ =	shalt  }
0x85: {  	_ =	shalt  }
0x86: {  	_ =	shalt  }
0x87: {  	_ =	shalt  }
.Lfunc_end0:
.L_simem_size_0:
called_computation.2_lowered:
.L_overlay_start_0:
0x88: {  	s2 =	sld [smem:$0x3FD9]  }
0x89: {  	s3 =	sld [smem:$0x3FFE];
	_ =	sdelay $0x1  }
0x8a: {  	s1 =	srdreg.scid  }
0x8b: {  	s0 =	sand.u32 $0x1, s1  }
0x8c: {  	s17 =	sshll.u32 s0, $0xA;
	s2 =	sadd.s32 s3, s2  }
0x8d: {  	s2 =	sadd.s32 s2, s17  }
0x8e: {  	[smem:$0x3FBE] =	sst s2  }
0x8f: {  	_ = 	snop  }
0x90: {  	s2 =	sld [smem:$0x3FD0];
	(tm) =	ssettm $0x1  }
0x91: {  	s18 =	sld [smem:$0x3FFB];
	_ =	sdelay $0x3  }
0x92: {  	_ =	strace s18  }
0x93: {  	s3 =	sld [smem:$0x3FFC];
	_ =	sdelay $0x3  }
0x94: {  	_ =	strace s3  }
0x95: {  	s3 =	sld [smem:$0x3FFD];
	_ =	sdelay $0x3  }
0x96: {  	_ =	strace s3  }
0x97: {  	_ =	strace $0x8FFFFFFF  }
0x98: {  	s19 =	sld [smem:$0x3FDB];
	_ =	sdelay $0x1  }
0x99: {  	s4 =	simm.s32 $_scs_section_size  }
0x9a: {  	s5 =	simm.s32 $_size__tile_overlayer_lowered;
	s6 =	simm.s32 $_tile_overlayer_lowered  }
0x9b: {  	s22 =	simm.s32 $0x1BFF;
	s21 =	sshll.u32 s6, $0x1;
	s3 =	sadd.s32 s4, s19  }
0x9c: {  	s7 =	simm.s32 $0x0;
	s20 =	sshll.u32 s5, $0x1;
	s5 =	sadd.s32 s21, s3  }
0x9d: {  	[timem:s7], [sflag:s22] =	dma.local [hbm:s5], s20  }
0x9e: {  	_ =	swait.ge [sflag:s22], s20  }
0x9f: {  	s4 =	ssub.s32 $0x0, s20;
	[sflag:s22] =	ssyncset.done $0x0  }
0xa0: {  	[sflag:s22] =	ssyncadd.s32 s4;
	_ =	sdelay $0x1  }
0xa1: {  	s23 =	simm.s32 $0x1B8B  }
0xa2: {  	_ =	swait.ge [sflag:s23], $0x1  }
0xa3: {  	[sflag:s23] =	ssyncset.done $0x0  }
0xa4: {  	s25 =	simm.s32 $0x1B8E;
	s24 =	sld [smem:$0x3FFE];
	[sflag:s23] =	ssyncadd.s32 $0xFFFFFFFF  }
0xa5: {  	s26 =	simm.s32 $execute0_lowered;
	[smem:$0x3FD2] =	sst s25  }
0xa6: {  	s5 =	sshll.u32 s26, $0x1;
	_ =	strace $0x8000004C;
	[dreg:$0x1] =	wrdreg $0xFFFFFFFF  }
0xa7: {  	s28 =	simm.s32 $_size_execute0_lowered;
	s3 =	sadd.s32 s3, s5;
	[dreg:$0x0] =	wrdreg $0x0  }
0xa8: {  	s5 =	sshll.u32 s28, $0x1;
	[dreg:$0x2] =	wrdreg s3  }
0xa9: {  	[dreg:$0x3] =	wrdreg s5  }
0xaa: {  	[dreg:$0x4] =	wrdreg $0xC0  }
0xab: {  	_ =	task [dreg:s7], $0x5FFFF  }
0xac: {  	[dreg:$0x1] =	wrdreg $0xFFFFFFFF  }
0xad: {  	[dreg:$0x0] =	wrdreg $0x60  }
0xae: {  	[dreg:$0x2] =	wrdreg s24  }
0xaf: {  	[dreg:$0x3] =	wrdreg s2  }
0xb0: {  	[dreg:$0x4] =	wrdreg $0x120000  }
0xb1: {  	[dreg:$0x5] =	wrdreg $0x9  }
0xb2: {  	_ =	task.clear_ibuf [dreg:s7], $0x6FFFF;
	_ =	strace $0x9000004C  }
0xb3: {  	s29 =	simm.s32 $0x9;
	_ =	strace $0x8000004E  }
0xb4: {  	_ =	swait.ge [sflag:s29], $0x1  }
0xb5: {  	[sflag:s29] =	ssyncadd.s32 $0xFFFFFFFF  }
0xb6: {  	_ =	strace $0x9000004E  }
0xb7: {  	_ =	sfence  }
0xb8: {  	s30 =	sld [smem:$0x0];
	_ =	sdelay $0x2  }
0xb9: {  	s31 =	sshll.u32 s1, $0xD;
	s1 =	sshrl.u32 s1, $0x2  }
0xba: {  	s3 =	sand.u32 $0x4000, s31;
	s1 =	sadd.s32 s1, s30  }
0xbb: {  	s0 =	sor.u32 s3, s0;
	s1 =	sshll.u32 s1, $0x11  }
0xbc: {  	s0 =	sor.u32 s1, s0  }
0xbd: {  	s0 =	sadd.s32 $0x8F2B, s0  }
0xbe: {  	[sflag:s0] =	ssyncadd.remote.s32 $0x1  }
0xbf: {  	_ =	sfence.sel $0xFFFF  }
0xc0: {  	[dreg:$0x0] =	wrdreg $0xFFFFFFFF;
	(pc) =	sbr.abs _section_cstart, $3  }
0xc1: {  	[dreg:$0x1] =	wrdreg $0xFFFFFFFF  }
0xc2: {  	_ =	task.clear_ibuf [dreg:s7], $0x2FFFF;
	_ =	strace $0x9FFFFFFF  }
0xc3: {  	(tm) =	ssettm $0x7FFFFFFF  }
tec
execute0_lowered:
.L_overlay_start_1:
0x0: {  	(tag) =	ssettag $0x1  }
0x1: {  	s0 =	rddreg [dreg:$0x0]  }
0x2: {  	s2 =	rddreg [dreg:$0x1]  }
0x3: {  	s1 =	rddreg [dreg:$0x2]  }
0x4: {  	s3 =	srdreg.scid;
	s12 =	stileid.u32;
	s13 =	simm.s32 $0x1  }
0x5: {  	s14 =	simm.s32 $0x2;
	s15 =	simm.s32 $0x3;
	s16 =	simm.s32 $0x80  }
0x6: {  	s17 =	simm.s32 $0xA000;
	s18 =	simm.s32 $0xC000;
	s20 =	simm.s32 $0xE000  }
0x7: {  	s23 =	simm.s32 $0x10000;
	s29 =	simm.s32 $0x4;
	s31 =	simm.s32 $0x6  }
0x8: {  	s19 =	simm.s32 $0x8;
	s21 =	simm.s32 $0x9;
	s8 =	smul.u32 $0xA00, s12  }
0x9: {  	s4 =	sand.u32 $0x1, s3;
	s3 =	simm.s32 $0x0;
	s11 =	smul.u32 $0x9E00, s12  }
0xa: {  	s22 =	simm.s32 $0x0;
	s5 =	smul.u32 $0x13880, s4;
	[smem:$0x7FF] =	sst s3  }
0xb: {  	s26 =	smul.u32 $0x13C00, s4;
	s6 =	ssub.s32 $0x2, s4;
	s4 =	sadd.s32 $0xA9800, s0  }
0xc: {  	_ =	strace $0x8000004D;
	s7 =	sadd.s32 s8, s0;
	s10 =	sshrl.u32 s6, $0x1  }
0xd: {  	s28 =	sadd.s32 s11, s1;
	s8 =	sadd.s32 s2, s8;
	s30 =	sshrl.u32 s11, $0x3  }
.Ltmp0:
0xe: {  	s2 =	simm.s32 $0x7;
	s9 =	sadd.s32 s5, s0;
	(pc) =	sbr.rel .LBB2_1-.Ltmp0, $4  }
0xf: {  	s0 =	sadd.s32 s26, s0;
	s10 =	ssub.s32 s6, s10;
	s5 =	sshll.u32 s12, $0x6  }
0x10: {  	s7 =	sadd.s32 $0x3200, s7;
	s11 =	sshrl.u32 s28, $0x3;
	s12 =	simm.s32 $0x5000  }
0x11: {  	s26 =	simm.s32 $0x5;
	s6 =	sor.u32 $0x1C01, s5;
	s0 =	sadd.s32 $0xAAC00, s0  }
0x12: {  	s9 =	sadd.s32 $0x82600, s9;
	s10 =	smax.u32 s10, $0x1;
	s24 =	sadd.s32 s30, s0  }
.LBB2_4:
0x13: {  	_ =	swait.ge [sflag:s29], $0x2000  }
0x14: {  	[sflag:s29] =	ssyncset.done $0x0  }
0x15: {  	[sflag:s29] =	ssyncadd.s32 $0xFFFFE000  }
0x16: {  	[spmem:s1] =	stream.indirect.scatter.add.f32 [tilespmem:s23], [sflag:$0x8], $0x40, s30, s16, $0xb8;
	[tilespmem:$0x1BE00] =	vst v63  }
0x17: {  	_ =	swait.ge [sflag:s31], $0x2000  }
0x18: {  	[sflag:s31] =	ssyncset.done $0x0  }
0x19: {  	[sflag:s31] =	ssyncadd.s32 $0xFFFFE000  }
0x1a: {  	_ =	swait.ge [sflag:s2], $0x2000  }
0x1b: {  	[sflag:s2] =	ssyncset.done $0x0  }
0x1c: {  	[sflag:s2] =	ssyncadd.s32 $0xFFFFE000  }
0x1d: {  	_ =	swait.ge [sflag:s19], $0x2000  }
0x1e: {  	s22 =	sadd.s32 $0x1, s22;
	[sflag:s19] =	ssyncset.done $0x0  }
0x1f: {  	p0 =	sne.s32 s22, s10;
	[sflag:s19] =	ssyncadd.s32 $0xFFFFE000  }
.Ltmp1:
0x20: {  	s0 =	sor.u32 $0x1C09, s5;
	[bflag:$0x0] =	sbarrier.arrive $0xFFFF;
	(pc) =	sbr.rel @!p0 .LBB2_5-.Ltmp1, $4  }
0x21: {  	[hbm:s24], [sflag:s0] =	dma.local [spmem:s11], $0x13C0  }
0x22: {  	_ =	swait.ge [sflag:s21], $0x13C0  }
0x23: {  	[sflag:s21] =	ssyncset.done $0x0  }
0x24: {  	[sflag:s21] =	ssyncadd.s32 $0xFFFFEC40  }
.LBB2_1:
0x25: {  	[spmem:s11], [sflag:s6] =	dma.local [hbm:s4], $0x13C0  }
0x26: {  	[tilespmem:s3], [sflag:$0x2] =	stream.linear.gather [hbm4b:s7+s3], $0x5000, $0x38;
	[tilespmem:$0x1BE00] =	vst v63  }
0x27: {  	_ = 	snop  }
0x28: {  	[tilespmem:s12], [sflag:$0x3] =	stream.linear.gather [hbm4b:s8+s3], $0x5000, $0x38;
	[tilespmem:$0x1BE00] =	vst v63  }
0x29: {  	_ =	swait.ge [sflag:s13], $0x13C0  }
0x2a: {  	[sflag:s13] =	ssyncset.done $0x0  }
0x2b: {  	[sflag:s13] =	ssyncadd.s32 $0xFFFFEC40  }
0x2c: {  	_ =	swait.ge [sflag:s14], $0x5000  }
0x2d: {  	[sflag:s14] =	ssyncset.done $0x0  }
0x2e: {  	[sflag:s14] =	ssyncadd.s32 $0xFFFFB000  }
0x2f: {  	_ =	swait.ge [sflag:s15], $0x5000  }
0x30: {  	[sflag:s15] =	ssyncset.done $0x0  }
0x31: {  	[sflag:s15] =	ssyncadd.s32 $0xFFFFB000  }
0x32: {  	[bflag:$0x0] =	sbarrier.arrive $0xFFFF  }
0x33: {  	[tilespmem:s17], [sflag:$0x1] =	stream.indirect.gather [hbm4b:s9+s16], $0x40, s3, s16, $0xb8;
	[tilespmem:$0x1BE00] =	vst v63  }
0x34: {  	_ = 	snop  }
0x35: {  	[tilespmem:s18], [sflag:$0x2] =	stream.indirect.gather [hbm4b:s9+s16], $0x40, s16, s16, $0xb8;
	[tilespmem:$0x1BE00] =	vst v63  }
0x36: {  	_ =	swait.ge [sflag:s13], $0x2000  }
0x37: {  	[sflag:s13] =	ssyncset.done $0x0  }
0x38: {  	[sflag:s13] =	ssyncadd.s32 $0xFFFFE000  }
0x39: {  	[spmem:s1] =	stream.indirect.scatter.add.f32 [tilespmem:s17], [sflag:$0x5], $0x40, s12, s16, $0xb8;
	[tilespmem:$0x1BE00] =	vst v63  }
0x3a: {  	s0 =	simm.s32 $0x100  }
0x3b: {  	[tilespmem:s20], [sflag:$0x3] =	stream.indirect.gather [hbm4b:s9+s16], $0x40, s0, s16, $0xb8;
	[tilespmem:$0x1BE00] =	vst v63  }
0x3c: {  	_ =	swait.ge [sflag:s14], $0x2000  }
0x3d: {  	[sflag:s14] =	ssyncset.done $0x0  }
0x3e: {  	s25 =	simm.s32 $0x5080;
	[sflag:s14] =	ssyncadd.s32 $0xFFFFE000  }
0x3f: {  	[spmem:s1] =	stream.indirect.scatter.add.f32 [tilespmem:s18], [sflag:$0x6], $0x40, s25, s16, $0xb8;
	[tilespmem:$0x1BE00] =	vst v63  }
0x40: {  	s28 =	simm.s32 $0x180  }
0x41: {  	[tilespmem:s23], [sflag:$0x4] =	stream.indirect.gather [hbm4b:s9+s16], $0x40, s28, s16, $0xb8;
	[tilespmem:$0x1BE00] =	vst v63  }
0x42: {  	_ =	swait.ge [sflag:s15], $0x2000  }
0x43: {  	[sflag:s15] =	ssyncset.done $0x0  }
0x44: {  	s30 =	simm.s32 $0x5100;
	[sflag:s15] =	ssyncadd.s32 $0xFFFFE000  }
0x45: {  	[spmem:s1] =	stream.indirect.scatter.add.f32 [tilespmem:s20], [sflag:$0x7], $0x40, s30, s16, $0xb8;
	[tilespmem:$0x1BE00] =	vst v63  }
0x46: {  	_ =	swait.ge [sflag:s26], $0x2000  }
0x47: {  	[sflag:s26] =	ssyncset.done $0x0  }
0x48: {  	s25 =	simm.s32 $0x200;
	[sflag:s26] =	ssyncadd.s32 $0xFFFFE000  }
0x49: {  	[tilespmem:s17], [sflag:$0x1] =	stream.indirect.gather [hbm4b:s9+s16], $0x40, s25, s16, $0xb8;
	[tilespmem:$0x1BE00] =	vst v63  }
0x4a: {  	_ =	swait.ge [sflag:s29], $0x2000  }
0x4b: {  	[sflag:s29] =	ssyncset.done $0x0  }
0x4c: {  	s28 =	simm.s32 $0x5180;
	[sflag:s29] =	ssyncadd.s32 $0xFFFFE000  }
0x4d: {  	[spmem:s1] =	stream.indirect.scatter.add.f32 [tilespmem:s23], [sflag:$0x8], $0x40, s28, s16, $0xb8;
	[tilespmem:$0x1BE00] =	vst v63  }
0x4e: {  	_ =	swait.ge [sflag:s31], $0x2000  }
0x4f: {  	[sflag:s31] =	ssyncset.done $0x0  }
0x50: {  	s30 =	simm.s32 $0x280;
	s25 =	simm.s32 $0x0;
	[sflag:s31] =	ssyncadd.s32 $0xFFFFE000  }
0x51: {  	[tilespmem:s18], [sflag:$0x2] =	stream.indirect.gather [hbm4b:s9+s16], $0x40, s30, s16, $0xb8;
	[tilespmem:$0x1BE00] =	vst v63  }
.LBB2_2:
0x52: {  	_ =	swait.ge [sflag:s13], $0x2000  }
0x53: {  	s28 =	sshra.s32 s25, $0x2;
	[sflag:s13] =	ssyncset.done $0x0  }
0x54: {  	s30 =	sadd.s32 $0x5200, s28;
	[sflag:s13] =	ssyncadd.s32 $0xFFFFE000  }
0x55: {  	[spmem:s1] =	stream.indirect.scatter.add.f32 [tilespmem:s17], [sflag:$0x5], $0x40, s30, s16, $0xb8;
	[tilespmem:$0x1BE00] =	vst v63  }
0x56: {  	_ =	swait.ge [sflag:s2], $0x2000  }
0x57: {  	[sflag:s2] =	ssyncset.done $0x0  }
0x58: {  	s30 =	sadd.s32 $0x300, s28;
	[sflag:s2] =	ssyncadd.s32 $0xFFFFE000  }
0x59: {  	[tilespmem:s20], [sflag:$0x3] =	stream.indirect.gather [hbm4b:s9+s16], $0x40, s30, s16, $0xb8;
	[tilespmem:$0x1BE00] =	vst v63  }
0x5a: {  	_ =	swait.ge [sflag:s14], $0x2000  }
0x5b: {  	[sflag:s14] =	ssyncset.done $0x0  }
0x5c: {  	s30 =	sadd.s32 $0x5280, s28;
	[sflag:s14] =	ssyncadd.s32 $0xFFFFE000  }
0x5d: {  	[spmem:s1] =	stream.indirect.scatter.add.f32 [tilespmem:s18], [sflag:$0x6], $0x40, s30, s16, $0xb8;
	[tilespmem:$0x1BE00] =	vst v63  }
0x5e: {  	_ =	swait.ge [sflag:s19], $0x2000  }
0x5f: {  	[sflag:s19] =	ssyncset.done $0x0  }
0x60: {  	s30 =	sadd.s32 $0x380, s28;
	[sflag:s19] =	ssyncadd.s32 $0xFFFFE000  }
0x61: {  	[tilespmem:s23], [sflag:$0x4] =	stream.indirect.gather [hbm4b:s9+s16], $0x40, s30, s16, $0xb8;
	[tilespmem:$0x1BE00] =	vst v63  }
0x62: {  	_ =	swait.ge [sflag:s15], $0x2000  }
0x63: {  	p0 =	seq.s32 s25, $0x13000;
	[sflag:s15] =	ssyncset.done $0x0  }
.Ltmp2:
0x64: {  	s30 =	sadd.s32 $0x5300, s28;
	[sflag:s15] =	ssyncadd.s32 $0xFFFFE000;
	(pc) =	sbr.rel @p0 .LBB2_4-.Ltmp2, $4  }
0x65: {  	[spmem:s1] =	stream.indirect.scatter.add.f32 [tilespmem:s20], [sflag:$0x7], $0x40, s30, s16, $0xb8;
	[tilespmem:$0x1BE00] =	vst v63  }
0x66: {  	_ =	swait.ge [sflag:s26], $0x2000  }
0x67: {  	[sflag:s26] =	ssyncset.done $0x0  }
0x68: {  	s30 =	sadd.s32 $0x5380, s28;
	[sflag:s26] =	ssyncadd.s32 $0xFFFFE000  }
0x69: {  	s0 =	sadd.s32 $0x400, s28  }
0x6a: {  	[tilespmem:s17], [sflag:$0x1] =	stream.indirect.gather [hbm4b:s9+s16], $0x40, s0, s16, $0xb8;
	[tilespmem:$0x1BE00] =	vst v63  }
0x6b: {  	_ =	swait.ge [sflag:s29], $0x2000  }
0x6c: {  	[sflag:s29] =	ssyncset.done $0x0  }
0x6d: {  	[sflag:s29] =	ssyncadd.s32 $0xFFFFE000  }
0x6e: {  	[spmem:s1] =	stream.indirect.scatter.add.f32 [tilespmem:s23], [sflag:$0x8], $0x40, s30, s16, $0xb8;
	[tilespmem:$0x1BE00] =	vst v63  }
.Ltmp3:
0x6f: {  	_ = 	snop;
	(pc) =	sbr.rel .LBB2_2-.Ltmp3, $4  }
0x70: {  	_ =	swait.ge [sflag:s31], $0x2000  }
0x71: {  	[sflag:s31] =	ssyncset.done $0x0  }
0x72: {  	s25 =	sadd.s32 $0x800, s25;
	s30 =	sadd.s32 $0x480, s28;
	[sflag:s31] =	ssyncadd.s32 $0xFFFFE000  }
0x73: {  	[tilespmem:s18], [sflag:$0x2] =	stream.indirect.gather [hbm4b:s9+s16], $0x40, s30, s16, $0xb8;
	[tilespmem:$0x1BE00] =	vst v63  }
.LBB2_5:
0x74: {  	_ =	sfence.sel $0x180000  }
0x75: {  	[bflag:$0x0] =	sbarrier.arrive $0xFFFF  }
0x76: {  	_ =	strace $0x9000004D  }
0x77: {  	s0 =	stileid.u32;
	[bflag:$0x2] =	sbarrier.arrive $0xFFFF  }
0x78: {  	p0 =	sne.s32 s0, $0x0;
	s0 =	rddreg [dreg:$0x3]  }
0x79: {  	s0 =	sadd.s32 @!p0 $0x100000, s0  }
0x7a: {  	[sflag:s0] =	ssyncadd.tile.s32 @!p0 $0x1;
	_ =	shalt  }
.Lfunc_end2:
_tile_overlayer_lowered:
.L_overlay_start_2:
0x7b: {  	(tag) =	ssettag $0x2  }
0x7c: {  	s0 =	rddreg [dreg:$0x0];
	s2 =	stileid.u32  }
0x7d: {  	s1 =	rddreg [dreg:$0x1];
	p0 =	sne.s32 s2, $0x0  }
0x7e: {  	s3 =	rddreg [dreg:$0x2];
	[bflag:$0x3] =	sbarrier.arrive $0xFFFF;
	s2 =	simm.s32 @!p0 $0x1C09  }
0x7f: {  	[timem:s3], [sflag:s2] =	dma.local @!p0 [hbm:s0], s1  }
0x80: {  	s0 =	simm.s32 @!p0 $0x9  }
0x81: {  	_ =	swait.ge @!p0 [sflag:s0], s1  }
0x82: {  	s1 =	ssub.s32 @!p0 $0x0, s1;
	[sflag:s0] =	ssyncset.done @!p0 $0x0  }
0x83: {  	[sflag:s0] =	ssyncadd.s32 @!p0 s1  }
0x84: {  	[bflag:$0x3] =	sbarrier.arrive $0xFFFF  }
0x85: {  	_ =	shalt  }

// kernel: kernel.20.cloned.1.call-start
scs
__scs_entry_jumppad:
0x0: {  	(pc) =	sbr.rel $0x88, $3  }
0x1: {  	(tag) =	ssettag $0x0;
	lr =	simm.s32 $0x1  }
0x2: {  	[smem:$0x3F97] =	sst lr;
	_ =	strace $0xD0000000  }
0x3: {  	_ = 	snop  }
0x4: {  	_ = 	snop  }
0x5: {  	_ = 	snop  }
0x6: {  	_ = 	snop  }
0x7: {  	_ = 	snop  }
__scs_overlays_trampoline_lowered:
0x8: {  	[smem:$0x3FA6] =	sst s0  }
0x9: {  	[smem:$0x3FA7] =	sst s1  }
0xa: {  	[smem:$0x3FA8] =	sst s2  }
0xb: {  	[smem:$0x3FA9] =	sst s3  }
0xc: {  	[smem:$0x3FAA] =	sst s4  }
0xd: {  	[smem:$0x3FAB] =	sst s5  }
0xe: {  	[smem:$0x3FAC] =	sst s6  }
0xf: {  	[smem:$0x3FAD] =	sst s7  }
0x10: {  	[smem:$0x3FAE] =	sst s8  }
0x11: {  	[smem:$0x3FAF] =	sst s9;
	s0 =	simm.s32 @!p0 $0x0  }
0x12: {  	s1 =	sld [smem:$0x3F95];
	s0 =	simm.s32 @p0 $0x1  }
0x13: {  	[smem:$0x3FB0] =	sst s0;
	s0 =	simm.s32 @!p1 $0x0  }
0x14: {  	s2 =	sld [smem:$0x3F94];
	s0 =	simm.s32 @p1 $0x1  }
0x15: {  	[smem:$0x3FB1] =	sst s0;
	s0 =	simm.s32 @!p2 $0x0  }
0x16: {  	s3 =	sld [smem:$0x3FDB];
	s0 =	simm.s32 @p2 $0x1  }
0x17: {  	s4 =	simm.s32 $0x1BF5;
	[smem:$0x3FB3] =	sst s0  }
0x18: {  	s0 =	sld [smem:$0x3F96];
	_ =	swait.ge [sflag:s4], $0x0  }
0x19: {  	s7 =	sld [smem:$0x3F97]  }
0x1a: {  	s8 =	sadd.s32 $0xFFFFE003, lr  }
0x1b: {  	s9 =	sadd.s32 $0xFFFFFEF7, lr;
	s5 =	simm.s32 $0xFFFFFFFF;
	p2 =	slt.u32 s8, $0xFFFFF086  }
0x1c: {  	p1 =	slt.u32 s9, $0xF7A;
	s5 =	simm.s32 @!p2 $0x0  }
0x1d: {  	s5 =	simm.s32 @p1 $0x1;
	p0 =	seq.s32 s7, s2  }
0x1e: {  	s7 =	smul.u32 @!p0 $0xF7A, s2;
	p2 =	seq.s32 @!p0 s5, $0x0  }
0x1f: {  	s9 =	smul.u32 $0xF7A, s1;
	s8 =	simm.s32 @!p0 $0x1BF5;
	p2 =	por !p2, p0  }
0x20: {  	[sflag:s8] =	ssyncset.s32 @!p0 $0xFFFFF086;
	s6 =	sadd.s32 @!p0 s3, s7;
	s7 =	simm.s32 @!p0 $0x108  }
0x21: {  	s3 =	sadd.s32 s3, s9;
	s6 =	sadd.s32 @!p0 $0x88, s6;
	s7 =	simm.s32 @p2 $0x1082  }
0x22: {  	[simem:s7], [sflag:s8] =	dma.local @!p0 [hbm:s6], $0xF7A  }
0x23: {  	s9 =	sor.u32 $0xD0000000, s2;
	s6 =	simm.s32 $0x108;
	_ =	swait.ge @!p0 [sflag:s8], $0x0  }
0x24: {  	s3 =	sadd.s32 $0x88, s3;
	s6 =	simm.s32 @!p1 $0x1082;
	[sflag:s4] =	ssyncset.s32 $0xFFFFF086  }
0x25: {  	[simem:s6], [sflag:s4] =	dma.local [hbm:s3], $0xF7A  }
0x26: {  	[smem:$0x3F97] =	sst s1;
	(tag) =	ssettag s2;
	_ =	strace s9  }
0x27: {  	s1 =	sld [smem:$0x3FA7]  }
0x28: {  	s2 =	sld [smem:$0x3FA8]  }
0x29: {  	s4 =	sld [smem:$0x3FAA]  }
0x2a: {  	p0 =	seq.s32 s5, $0x0;
	s5 =	sld [smem:$0x3FAB]  }
0x2b: {  	s6 =	sld [smem:$0x3FAC]  }
0x2c: {  	s7 =	sld [smem:$0x3FAD]  }
0x2d: {  	s3 =	simm.s32 $0x108;
	s8 =	sld [smem:$0x3FAE]  }
0x2e: {  	s3 =	simm.s32 @!p0 $0x1082;
	s9 =	sld [smem:$0x3FAF]  }
0x2f: {  	lr =	sadd.s32 s0, s3;
	s0 =	sld [smem:$0x3FA6]  }
0x30: {  	s3 =	sld [smem:$0x3FA9]  }
0x31: {  	[smem:$0x3FB2] =	sst s10  }
0x32: {  	s10 =	sld [smem:$0x3FB0];
	_ =	sdelay $0x3  }
0x33: {  	p0 =	seq.s32 s10, $0x1;
	s10 =	sld [smem:$0x3FB2];
	_ =	sdelay $0x3  }
0x34: {  	[smem:$0x3FB2] =	sst s10  }
0x35: {  	s10 =	sld [smem:$0x3FB1];
	_ =	sdelay $0x3  }
0x36: {  	p1 =	seq.s32 s10, $0x1;
	s10 =	sld [smem:$0x3FB2];
	_ =	sdelay $0x3  }
0x37: {  	[smem:$0x3FB2] =	sst s10  }
0x38: {  	s10 =	sld [smem:$0x3FB3]  }
0x39: {  	_ = 	snop;
	(pc) =	sbr.ind lr, $3  }
0x3a: {  	_ = 	snop  }
0x3b: {  	_ = 	snop  }
0x3c: {  	p2 =	seq.s32 s10, $0x1;
	s10 =	sld [smem:$0x3FB2]  }
0x3d: {  	_ =	shalt  }
0x3e: {  	_ =	shalt  }
0x3f: {  	_ =	shalt  }
0x40: {  	_ =	shalt  }
0x41: {  	_ =	shalt  }
0x42: {  	_ =	shalt  }
0x43: {  	_ =	shalt  }
0x44: {  	_ =	shalt  }
0x45: {  	_ =	shalt  }
0x46: {  	_ =	shalt  }
0x47: {  	_ =	shalt  }
0x48: {  	_ =	shalt  }
0x49: {  	_ =	shalt  }
0x4a: {  	_ =	shalt  }
0x4b: {  	_ =	shalt  }
0x4c: {  	_ =	shalt  }
0x4d: {  	_ =	shalt  }
0x4e: {  	_ =	shalt  }
0x4f: {  	_ =	shalt  }
0x50: {  	_ =	shalt  }
0x51: {  	_ =	shalt  }
0x52: {  	_ =	shalt  }
0x53: {  	_ =	shalt  }
0x54: {  	_ =	shalt  }
0x55: {  	_ =	shalt  }
0x56: {  	_ =	shalt  }
0x57: {  	_ =	shalt  }
0x58: {  	_ =	shalt  }
0x59: {  	_ =	shalt  }
0x5a: {  	_ =	shalt  }
0x5b: {  	_ =	shalt  }
0x5c: {  	_ =	shalt  }
0x5d: {  	_ =	shalt  }
0x5e: {  	_ =	shalt  }
0x5f: {  	_ =	shalt  }
0x60: {  	_ =	shalt  }
0x61: {  	_ =	shalt  }
0x62: {  	_ =	shalt  }
0x63: {  	_ =	shalt  }
0x64: {  	_ =	shalt  }
0x65: {  	_ =	shalt  }
0x66: {  	_ =	shalt  }
0x67: {  	_ =	shalt  }
0x68: {  	_ =	shalt  }
0x69: {  	_ =	shalt  }
0x6a: {  	_ =	shalt  }
0x6b: {  	_ =	shalt  }
0x6c: {  	_ =	shalt  }
0x6d: {  	_ =	shalt  }
0x6e: {  	_ =	shalt  }
0x6f: {  	_ =	shalt  }
0x70: {  	_ =	shalt  }
0x71: {  	_ =	shalt  }
0x72: {  	_ =	shalt  }
0x73: {  	_ =	shalt  }
0x74: {  	_ =	shalt  }
0x75: {  	_ =	shalt  }
0x76: {  	_ =	shalt  }
0x77: {  	_ =	shalt  }
0x78: {  	_ =	shalt  }
0x79: {  	_ =	shalt  }
0x7a: {  	_ =	shalt  }
0x7b: {  	_ =	shalt  }
0x7c: {  	_ =	shalt  }
0x7d: {  	_ =	shalt  }
0x7e: {  	_ =	shalt  }
0x7f: {  	_ =	shalt  }
0x80: {  	_ =	shalt  }
0x81: {  	_ =	shalt  }
0x82: {  	_ =	shalt  }
0x83: {  	_ =	shalt  }
0x84: {  	_ =	shalt  }
0x85: {  	_ =	shalt  }
0x86: {  	_ =	shalt  }
0x87: {  	_ =	shalt  }
.Lfunc_end0:
.L_simem_size_0:
called_computation.3_lowered:
.L_overlay_start_0:
0x88: {  	s2 =	sld [smem:$0x3FD9]  }
0x89: {  	s3 =	sld [smem:$0x3FFE];
	_ =	sdelay $0x1  }
0x8a: {  	s1 =	srdreg.scid  }
0x8b: {  	s0 =	sand.u32 $0x1, s1  }
0x8c: {  	s17 =	sshll.u32 s0, $0xA;
	s2 =	sadd.s32 s3, s2  }
0x8d: {  	s2 =	sadd.s32 s2, s17  }
0x8e: {  	[smem:$0x3FBE] =	sst s2  }
0x8f: {  	_ = 	snop  }
0x90: {  	s2 =	sld [smem:$0x3FD0];
	(tm) =	ssettm $0x1  }
0x91: {  	s18 =	sld [smem:$0x3FFB];
	_ =	sdelay $0x3  }
0x92: {  	_ =	strace s18  }
0x93: {  	s3 =	sld [smem:$0x3FFC];
	_ =	sdelay $0x3  }
0x94: {  	_ =	strace s3  }
0x95: {  	s3 =	sld [smem:$0x3FFD];
	_ =	sdelay $0x3  }
0x96: {  	_ =	strace s3  }
0x97: {  	_ =	strace $0x8FFFFFFF  }
0x98: {  	s19 =	sld [smem:$0x3FDB];
	_ =	sdelay $0x1  }
0x99: {  	s4 =	simm.s32 $_scs_section_size  }
0x9a: {  	s5 =	simm.s32 $_size__tile_overlayer_lowered;
	s6 =	simm.s32 $_tile_overlayer_lowered  }
0x9b: {  	s22 =	simm.s32 $0x1BFF;
	s21 =	sshll.u32 s6, $0x1;
	s3 =	sadd.s32 s4, s19  }
0x9c: {  	s7 =	simm.s32 $0x0;
	s20 =	sshll.u32 s5, $0x1;
	s5 =	sadd.s32 s21, s3  }
0x9d: {  	[timem:s7], [sflag:s22] =	dma.local [hbm:s5], s20  }
0x9e: {  	_ =	swait.ge [sflag:s22], s20  }
0x9f: {  	s4 =	ssub.s32 $0x0, s20;
	[sflag:s22] =	ssyncset.done $0x0  }
0xa0: {  	[sflag:s22] =	ssyncadd.s32 s4;
	_ =	sdelay $0x1  }
0xa1: {  	s23 =	simm.s32 $0x1B8B  }
0xa2: {  	_ =	swait.ge [sflag:s23], $0x1  }
0xa3: {  	[sflag:s23] =	ssyncset.done $0x0  }
0xa4: {  	s25 =	simm.s32 $0x1B8E;
	s24 =	sld [smem:$0x3FFE];
	[sflag:s23] =	ssyncadd.s32 $0xFFFFFFFF  }
0xa5: {  	s26 =	simm.s32 $execute0_lowered;
	[smem:$0x3FD2] =	sst s25  }
0xa6: {  	s5 =	sshll.u32 s26, $0x1;
	_ =	strace $0x8000004F;
	[dreg:$0x1] =	wrdreg $0xFFFFFFFF  }
0xa7: {  	s28 =	simm.s32 $_size_execute0_lowered;
	s3 =	sadd.s32 s3, s5;
	[dreg:$0x0] =	wrdreg $0x0  }
0xa8: {  	s5 =	sshll.u32 s28, $0x1;
	[dreg:$0x2] =	wrdreg s3  }
0xa9: {  	[dreg:$0x3] =	wrdreg s5  }
0xaa: {  	[dreg:$0x4] =	wrdreg $0xC0  }
0xab: {  	_ =	task [dreg:s7], $0x5FFFF  }
0xac: {  	[dreg:$0x1] =	wrdreg $0xFFFFFFFF  }
0xad: {  	[dreg:$0x0] =	wrdreg $0x60  }
0xae: {  	[dreg:$0x2] =	wrdreg s24  }
0xaf: {  	[dreg:$0x3] =	wrdreg s2  }
0xb0: {  	[dreg:$0x4] =	wrdreg $0x120000  }
0xb1: {  	[dreg:$0x5] =	wrdreg $0x9  }
0xb2: {  	_ =	task.clear_ibuf [dreg:s7], $0x6FFFF;
	_ =	strace $0x9000004F  }
0xb3: {  	s29 =	simm.s32 $0x9;
	_ =	strace $0x80000051  }
0xb4: {  	_ =	swait.ge [sflag:s29], $0x1  }
0xb5: {  	[sflag:s29] =	ssyncadd.s32 $0xFFFFFFFF  }
0xb6: {  	_ =	strace $0x90000051  }
0xb7: {  	_ =	sfence  }
0xb8: {  	s30 =	sld [smem:$0x0];
	_ =	sdelay $0x2  }
0xb9: {  	s31 =	sshll.u32 s1, $0xD;
	s1 =	sshrl.u32 s1, $0x2  }
0xba: {  	s3 =	sand.u32 $0x4000, s31;
	s1 =	sadd.s32 s1, s30  }
0xbb: {  	s0 =	sor.u32 s3, s0;
	s1 =	sshll.u32 s1, $0x11  }
0xbc: {  	s0 =	sor.u32 s1, s0  }
0xbd: {  	s0 =	sadd.s32 $0x8F2B, s0  }
0xbe: {  	[sflag:s0] =	ssyncadd.remote.s32 $0x1  }
0xbf: {  	_ =	sfence.sel $0xFFFF  }
0xc0: {  	[dreg:$0x0] =	wrdreg $0xFFFFFFFF;
	(pc) =	sbr.abs _section_cstart, $3  }
0xc1: {  	[dreg:$0x1] =	wrdreg $0xFFFFFFFF  }
0xc2: {  	_ =	task.clear_ibuf [dreg:s7], $0x2FFFF;
	_ =	strace $0x9FFFFFFF  }
0xc3: {  	(tm) =	ssettm $0x7FFFFFFF  }
tec
execute0_lowered:
.L_overlay_start_1:
0x0: {  	(tag) =	ssettag $0x1  }
0x1: {  	s0 =	rddreg [dreg:$0x0]  }
0x2: {  	s2 =	rddreg [dreg:$0x1]  }
0x3: {  	s1 =	rddreg [dreg:$0x2]  }
0x4: {  	s3 =	srdreg.scid;
	s12 =	stileid.u32;
	s13 =	simm.s32 $0x1  }
0x5: {  	s14 =	simm.s32 $0x2;
	s15 =	simm.s32 $0x3;
	s16 =	simm.s32 $0x80  }
0x6: {  	s17 =	simm.s32 $0xA000;
	s18 =	simm.s32 $0xC000;
	s20 =	simm.s32 $0xE000  }
0x7: {  	s23 =	simm.s32 $0x10000;
	s29 =	simm.s32 $0x4;
	s31 =	simm.s32 $0x6  }
0x8: {  	s19 =	simm.s32 $0x8;
	s21 =	simm.s32 $0x9;
	s8 =	smul.u32 $0xA00, s12  }
0x9: {  	s4 =	sand.u32 $0x1, s3;
	s3 =	simm.s32 $0x0;
	s11 =	smul.u32 $0x9E00, s12  }
0xa: {  	s22 =	simm.s32 $0x0;
	s5 =	smul.u32 $0x13880, s4;
	[smem:$0x7FF] =	sst s3  }
0xb: {  	s26 =	smul.u32 $0x13C00, s4;
	s6 =	ssub.s32 $0x2, s4;
	s4 =	sadd.s32 $0xA9800, s0  }
0xc: {  	_ =	strace $0x80000050;
	s7 =	sadd.s32 s8, s0;
	s10 =	sshrl.u32 s6, $0x1  }
0xd: {  	s28 =	sadd.s32 s11, s1;
	s8 =	sadd.s32 s2, s8;
	s30 =	sshrl.u32 s11, $0x3  }
.Ltmp0:
0xe: {  	s2 =	simm.s32 $0x7;
	s9 =	sadd.s32 s5, s0;
	(pc) =	sbr.rel .LBB2_1-.Ltmp0, $4  }
0xf: {  	s0 =	sadd.s32 s26, s0;
	s10 =	ssub.s32 s6, s10;
	s5 =	sshll.u32 s12, $0x6  }
0x10: {  	s7 =	sadd.s32 $0x3200, s7;
	s11 =	sshrl.u32 s28, $0x3;
	s12 =	simm.s32 $0x5000  }
0x11: {  	s26 =	simm.s32 $0x5;
	s6 =	sor.u32 $0x1C01, s5;
	s0 =	sadd.s32 $0x34400, s0  }
0x12: {  	s9 =	sadd.s32 $0xD200, s9;
	s10 =	smax.u32 s10, $0x1;
	s24 =	sadd.s32 s30, s0  }
.LBB2_4:
0x13: {  	_ =	swait.ge [sflag:s29], $0x2000  }
0x14: {  	[sflag:s29] =	ssyncset.done $0x0  }
0x15: {  	[sflag:s29] =	ssyncadd.s32 $0xFFFFE000  }
0x16: {  	[spmem:s1] =	stream.indirect.scatter.add.f32 [tilespmem:s23], [sflag:$0x8], $0x40, s30, s16, $0xb8;
	[tilespmem:$0x1BE00] =	vst v63  }
0x17: {  	_ =	swait.ge [sflag:s31], $0x2000  }
0x18: {  	[sflag:s31] =	ssyncset.done $0x0  }
0x19: {  	[sflag:s31] =	ssyncadd.s32 $0xFFFFE000  }
0x1a: {  	_ =	swait.ge [sflag:s2], $0x2000  }
0x1b: {  	[sflag:s2] =	ssyncset.done $0x0  }
0x1c: {  	[sflag:s2] =	ssyncadd.s32 $0xFFFFE000  }
0x1d: {  	_ =	swait.ge [sflag:s19], $0x2000  }
0x1e: {  	s22 =	sadd.s32 $0x1, s22;
	[sflag:s19] =	ssyncset.done $0x0  }
0x1f: {  	p0 =	sne.s32 s22, s10;
	[sflag:s19] =	ssyncadd.s32 $0xFFFFE000  }
.Ltmp1:
0x20: {  	s0 =	sor.u32 $0x1C09, s5;
	[bflag:$0x0] =	sbarrier.arrive $0xFFFF;
	(pc) =	sbr.rel @!p0 .LBB2_5-.Ltmp1, $4  }
0x21: {  	[hbm:s24], [sflag:s0] =	dma.local [spmem:s11], $0x13C0  }
0x22: {  	_ =	swait.ge [sflag:s21], $0x13C0  }
0x23: {  	[sflag:s21] =	ssyncset.done $0x0  }
0x24: {  	[sflag:s21] =	ssyncadd.s32 $0xFFFFEC40  }
.LBB2_1:
0x25: {  	[spmem:s11], [sflag:s6] =	dma.local [hbm:s4], $0x13C0  }
0x26: {  	[tilespmem:s3], [sflag:$0x2] =	stream.linear.gather [hbm4b:s7+s3], $0x5000, $0x38;
	[tilespmem:$0x1BE00] =	vst v63  }
0x27: {  	_ = 	snop  }
0x28: {  	[tilespmem:s12], [sflag:$0x3] =	stream.linear.gather [hbm4b:s8+s3], $0x5000, $0x38;
	[tilespmem:$0x1BE00] =	vst v63  }
0x29: {  	_ =	swait.ge [sflag:s13], $0x13C0  }
0x2a: {  	[sflag:s13] =	ssyncset.done $0x0  }
0x2b: {  	[sflag:s13] =	ssyncadd.s32 $0xFFFFEC40  }
0x2c: {  	_ =	swait.ge [sflag:s14], $0x5000  }
0x2d: {  	[sflag:s14] =	ssyncset.done $0x0  }
0x2e: {  	[sflag:s14] =	ssyncadd.s32 $0xFFFFB000  }
0x2f: {  	_ =	swait.ge [sflag:s15], $0x5000  }
0x30: {  	[sflag:s15] =	ssyncset.done $0x0  }
0x31: {  	[sflag:s15] =	ssyncadd.s32 $0xFFFFB000  }
0x32: {  	[bflag:$0x0] =	sbarrier.arrive $0xFFFF  }
0x33: {  	[tilespmem:s17], [sflag:$0x1] =	stream.indirect.gather [hbm4b:s9+s16], $0x40, s3, s16, $0xb8;
	[tilespmem:$0x1BE00] =	vst v63  }
0x34: {  	_ = 	snop  }
0x35: {  	[tilespmem:s18], [sflag:$0x2] =	stream.indirect.gather [hbm4b:s9+s16], $0x40, s16, s16, $0xb8;
	[tilespmem:$0x1BE00] =	vst v63  }
0x36: {  	_ =	swait.ge [sflag:s13], $0x2000  }
0x37: {  	[sflag:s13] =	ssyncset.done $0x0  }
0x38: {  	[sflag:s13] =	ssyncadd.s32 $0xFFFFE000  }
0x39: {  	[spmem:s1] =	stream.indirect.scatter.add.f32 [tilespmem:s17], [sflag:$0x5], $0x40, s12, s16, $0xb8;
	[tilespmem:$0x1BE00] =	vst v63  }
0x3a: {  	s0 =	simm.s32 $0x100  }
0x3b: {  	[tilespmem:s20], [sflag:$0x3] =	stream.indirect.gather [hbm4b:s9+s16], $0x40, s0, s16, $0xb8;
	[tilespmem:$0x1BE00] =	vst v63  }
0x3c: {  	_ =	swait.ge [sflag:s14], $0x2000  }
0x3d: {  	[sflag:s14] =	ssyncset.done $0x0  }
0x3e: {  	s25 =	simm.s32 $0x5080;
	[sflag:s14] =	ssyncadd.s32 $0xFFFFE000  }
0x3f: {  	[spmem:s1] =	stream.indirect.scatter.add.f32 [tilespmem:s18], [sflag:$0x6], $0x40, s25, s16, $0xb8;
	[tilespmem:$0x1BE00] =	vst v63  }
0x40: {  	s28 =	simm.s32 $0x180  }
0x41: {  	[tilespmem:s23], [sflag:$0x4] =	stream.indirect.gather [hbm4b:s9+s16], $0x40, s28, s16, $0xb8;
	[tilespmem:$0x1BE00] =	vst v63  }
0x42: {  	_ =	swait.ge [sflag:s15], $0x2000  }
0x43: {  	[sflag:s15] =	ssyncset.done $0x0  }
0x44: {  	s30 =	simm.s32 $0x5100;
	[sflag:s15] =	ssyncadd.s32 $0xFFFFE000  }
0x45: {  	[spmem:s1] =	stream.indirect.scatter.add.f32 [tilespmem:s20], [sflag:$0x7], $0x40, s30, s16, $0xb8;
	[tilespmem:$0x1BE00] =	vst v63  }
0x46: {  	_ =	swait.ge [sflag:s26], $0x2000  }
0x47: {  	[sflag:s26] =	ssyncset.done $0x0  }
0x48: {  	s25 =	simm.s32 $0x200;
	[sflag:s26] =	ssyncadd.s32 $0xFFFFE000  }
0x49: {  	[tilespmem:s17], [sflag:$0x1] =	stream.indirect.gather [hbm4b:s9+s16], $0x40, s25, s16, $0xb8;
	[tilespmem:$0x1BE00] =	vst v63  }
0x4a: {  	_ =	swait.ge [sflag:s29], $0x2000  }
0x4b: {  	[sflag:s29] =	ssyncset.done $0x0  }
0x4c: {  	s28 =	simm.s32 $0x5180;
	[sflag:s29] =	ssyncadd.s32 $0xFFFFE000  }
0x4d: {  	[spmem:s1] =	stream.indirect.scatter.add.f32 [tilespmem:s23], [sflag:$0x8], $0x40, s28, s16, $0xb8;
	[tilespmem:$0x1BE00] =	vst v63  }
0x4e: {  	_ =	swait.ge [sflag:s31], $0x2000  }
0x4f: {  	[sflag:s31] =	ssyncset.done $0x0  }
0x50: {  	s30 =	simm.s32 $0x280;
	s25 =	simm.s32 $0x0;
	[sflag:s31] =	ssyncadd.s32 $0xFFFFE000  }
0x51: {  	[tilespmem:s18], [sflag:$0x2] =	stream.indirect.gather [hbm4b:s9+s16], $0x40, s30, s16, $0xb8;
	[tilespmem:$0x1BE00] =	vst v63  }
.LBB2_2:
0x52: {  	_ =	swait.ge [sflag:s13], $0x2000  }
0x53: {  	s28 =	sshra.s32 s25, $0x2;
	[sflag:s13] =	ssyncset.done $0x0  }
0x54: {  	s30 =	sadd.s32 $0x5200, s28;
	[sflag:s13] =	ssyncadd.s32 $0xFFFFE000  }
0x55: {  	[spmem:s1] =	stream.indirect.scatter.add.f32 [tilespmem:s17], [sflag:$0x5], $0x40, s30, s16, $0xb8;
	[tilespmem:$0x1BE00] =	vst v63  }
0x56: {  	_ =	swait.ge [sflag:s2], $0x2000  }
0x57: {  	[sflag:s2] =	ssyncset.done $0x0  }
0x58: {  	s30 =	sadd.s32 $0x300, s28;
	[sflag:s2] =	ssyncadd.s32 $0xFFFFE000  }
0x59: {  	[tilespmem:s20], [sflag:$0x3] =	stream.indirect.gather [hbm4b:s9+s16], $0x40, s30, s16, $0xb8;
	[tilespmem:$0x1BE00] =	vst v63  }
0x5a: {  	_ =	swait.ge [sflag:s14], $0x2000  }
0x5b: {  	[sflag:s14] =	ssyncset.done $0x0  }
0x5c: {  	s30 =	sadd.s32 $0x5280, s28;
	[sflag:s14] =	ssyncadd.s32 $0xFFFFE000  }
0x5d: {  	[spmem:s1] =	stream.indirect.scatter.add.f32 [tilespmem:s18], [sflag:$0x6], $0x40, s30, s16, $0xb8;
	[tilespmem:$0x1BE00] =	vst v63  }
0x5e: {  	_ =	swait.ge [sflag:s19], $0x2000  }
0x5f: {  	[sflag:s19] =	ssyncset.done $0x0  }
0x60: {  	s30 =	sadd.s32 $0x380, s28;
	[sflag:s19] =	ssyncadd.s32 $0xFFFFE000  }
0x61: {  	[tilespmem:s23], [sflag:$0x4] =	stream.indirect.gather [hbm4b:s9+s16], $0x40, s30, s16, $0xb8;
	[tilespmem:$0x1BE00] =	vst v63  }
0x62: {  	_ =	swait.ge [sflag:s15], $0x2000  }
0x63: {  	p0 =	seq.s32 s25, $0x13000;
	[sflag:s15] =	ssyncset.done $0x0  }
.Ltmp2:
0x64: {  	s30 =	sadd.s32 $0x5300, s28;
	[sflag:s15] =	ssyncadd.s32 $0xFFFFE000;
	(pc) =	sbr.rel @p0 .LBB2_4-.Ltmp2, $4  }
0x65: {  	[spmem:s1] =	stream.indirect.scatter.add.f32 [tilespmem:s20], [sflag:$0x7], $0x40, s30, s16, $0xb8;
	[tilespmem:$0x1BE00] =	vst v63  }
0x66: {  	_ =	swait.ge [sflag:s26], $0x2000  }
0x67: {  	[sflag:s26] =	ssyncset.done $0x0  }
0x68: {  	s30 =	sadd.s32 $0x5380, s28;
	[sflag:s26] =	ssyncadd.s32 $0xFFFFE000  }
0x69: {  	s0 =	sadd.s32 $0x400, s28  }
0x6a: {  	[tilespmem:s17], [sflag:$0x1] =	stream.indirect.gather [hbm4b:s9+s16], $0x40, s0, s16, $0xb8;
	[tilespmem:$0x1BE00] =	vst v63  }
0x6b: {  	_ =	swait.ge [sflag:s29], $0x2000  }
0x6c: {  	[sflag:s29] =	ssyncset.done $0x0  }
0x6d: {  	[sflag:s29] =	ssyncadd.s32 $0xFFFFE000  }
0x6e: {  	[spmem:s1] =	stream.indirect.scatter.add.f32 [tilespmem:s23], [sflag:$0x8], $0x40, s30, s16, $0xb8;
	[tilespmem:$0x1BE00] =	vst v63  }
.Ltmp3:
0x6f: {  	_ = 	snop;
	(pc) =	sbr.rel .LBB2_2-.Ltmp3, $4  }
0x70: {  	_ =	swait.ge [sflag:s31], $0x2000  }
0x71: {  	[sflag:s31] =	ssyncset.done $0x0  }
0x72: {  	s25 =	sadd.s32 $0x800, s25;
	s30 =	sadd.s32 $0x480, s28;
	[sflag:s31] =	ssyncadd.s32 $0xFFFFE000  }
0x73: {  	[tilespmem:s18], [sflag:$0x2] =	stream.indirect.gather [hbm4b:s9+s16], $0x40, s30, s16, $0xb8;
	[tilespmem:$0x1BE00] =	vst v63  }
.LBB2_5:
0x74: {  	_ =	sfence.sel $0x180000  }
0x75: {  	[bflag:$0x0] =	sbarrier.arrive $0xFFFF  }
0x76: {  	_ =	strace $0x90000050  }
0x77: {  	s0 =	stileid.u32;
	[bflag:$0x2] =	sbarrier.arrive $0xFFFF  }
0x78: {  	p0 =	sne.s32 s0, $0x0;
	s0 =	rddreg [dreg:$0x3]  }
0x79: {  	s0 =	sadd.s32 @!p0 $0x100000, s0  }
0x7a: {  	[sflag:s0] =	ssyncadd.tile.s32 @!p0 $0x1;
	_ =	shalt  }
.Lfunc_end2:
_tile_overlayer_lowered:
.L_overlay_start_2:
0x7b: {  	(tag) =	ssettag $0x2  }
0x7c: {  	s0 =	rddreg [dreg:$0x0];
	s2 =	stileid.u32  }
0x7d: {  	s1 =	rddreg [dreg:$0x1];
	p0 =	sne.s32 s2, $0x0  }
0x7e: {  	s3 =	rddreg [dreg:$0x2];
	[bflag:$0x3] =	sbarrier.arrive $0xFFFF;
	s2 =	simm.s32 @!p0 $0x1C09  }
0x7f: {  	[timem:s3], [sflag:s2] =	dma.local @!p0 [hbm:s0], s1  }
0x80: {  	s0 =	simm.s32 @!p0 $0x9  }
0x81: {  	_ =	swait.ge @!p0 [sflag:s0], s1  }
0x82: {  	s1 =	ssub.s32 @!p0 $0x0, s1;
	[sflag:s0] =	ssyncset.done @!p0 $0x0  }
0x83: {  	[sflag:s0] =	ssyncadd.s32 @!p0 s1  }
0x84: {  	[bflag:$0x3] =	sbarrier.arrive $0xFFFF  }
0x85: {  	_ =	shalt  }

</sc_bundles>
